<compile_context>
chip_gen: v7x
topology: tpu7x:2x2x1
jax: 0.10.2.dev20260603
libtpu: 0.0.44.dev20260713+nightly
codegen_flags: <defaults>
</compile_context>

<pallas_src>
import jax
import jax.numpy as jnp
from jax import lax
from jax.experimental import pallas as pl
from jax.experimental.pallas import tpu as pltpu
from jax.experimental.pallas import tpu_sc as plsc

NC, NS, L = 2, 16, 16
D, H, W = 10, 26, 26
P = D * H * W
B, COUT = 8, 128
PPW = 212
CHUNKS = (52, 52, 52, 56)
NBLK = COUT // L

ROW_BASE = H * 44
DEP_BASE = 2 * H * 44
TBL_LEN = DEP_BASE + D * 44


def _pos_body(tbl_hbm, out_hbm, tbl, src, sem):
    wid = lax.axis_index("s") * NC + lax.axis_index("c")
    p0 = jnp.minimum(wid * PPW, P - PPW)

    pltpu.sync_copy(tbl_hbm, tbl)

    def row_body(r, carry):
        p = p0 + r
        i = lax.rem(p, W)
        j = lax.rem(lax.div(p, W), H)
        k = lax.div(p, H * W)
        oi = 44 * i
        oj = ROW_BASE - 44 + 44 * j
        ok = DEP_BASE - 88 + 44 * k
        for m in range(NBLK):
            c = lax.iota(jnp.int32, L) + (L * m)
            if m < 2:
                off = jnp.full((L,), oi, jnp.int32)
            elif m == 2:
                off = jnp.where(c < 44, oi, oj)
            elif m < 5:
                off = jnp.full((L,), oj, jnp.int32)
            elif m == 5:
                off = jnp.where(c < 88, oj, ok)
            else:
                off = jnp.full((L,), ok, jnp.int32)
            src[r, pl.ds(L * m, L)] = plsc.load_gather(tbl, [c + off])
        return carry

    copies = []
    base = 0
    for cnt in CHUNKS:
        lax.fori_loop(base, base + cnt, row_body, 0)
        for b in range(B):
            copies.append(
                pltpu.async_copy(
                    src.at[pl.ds(base, cnt)],
                    out_hbm.at[pl.ds(p0 + base, cnt), b],
                    sem,
                )
            )
        base += cnt
    for cp in copies:
        cp.wait()


@jax.jit
def _pos_embed(row_w, col_w, depth_w):
    mesh = plsc.VectorSubcoreMesh(
        core_axis_name="c", subcore_axis_name="s", num_cores=NC, num_subcores=NS
    )
    k = pl.kernel(
        _pos_body,
        out_type=jax.ShapeDtypeStruct((P, B, COUT), jnp.float32),
        mesh=mesh,
        compiler_params=pltpu.CompilerParams(needs_layout_passes=False),
        scratch_types=[
            pltpu.VMEM((TBL_LEN,), jnp.float32),
            pltpu.VMEM((PPW, COUT), jnp.float32),
            pltpu.SemaphoreType.DMA,
        ],
    )
    cat = jnp.concatenate([col_w, row_w, depth_w], axis=0).reshape(-1)
    return k(cat)


def kernel(x, row_w, col_w, depth_w):
    out = _pos_embed(row_w, col_w, depth_w)
    return out.reshape(D, H, W, B, COUT).transpose(3, 4, 0, 1, 2)

# --- scband reference (transcript-rebuilt; emitter-appended) ---
"""Pipeline reference for scband-position-embedding-learned3-d-49495203119347 (READ-ONLY COPY).

The authoritative reference and input builder live on the scoring server;
editing this copy changes nothing except your own understanding.
"""

import jax, jax.numpy as jnp
import numpy as np

ORIG_CHANNELS = 128

def setup_inputs(seed: int = 0) -> dict:
    key = jax.random.key(seed)
    k1, k2, k3, k4 = jax.random.split(key, 4)
    # channels internal = ceil(128/6)*2 = 44
    # row_embed: ceil(127/5)=26 rows; col_embed: ceil(127/5)=26; depth_embed: ceil(19/2)=10
    x = jax.random.normal(k1, (8, 128, 10, 26, 26), dtype=jnp.float32)
    row_w = jax.random.uniform(k2, (26, 44), dtype=jnp.float32)
    col_w = jax.random.uniform(k3, (26, 44), dtype=jnp.float32)
    depth_w = jax.random.uniform(k4, (10, 44), dtype=jnp.float32)
    return {"x": x, "row_w": row_w, "col_w": col_w, "depth_w": depth_w}

def reference(x, row_w, col_w, depth_w):
    d, h, w = x.shape[-3:]
    b = x.shape[0]
    i = jnp.arange(w)
    j = jnp.arange(h)
    k = jnp.arange(d)
    x_emb = jnp.take(col_w, i, axis=0)      # [w, C]
    y_emb = jnp.take(row_w, j, axis=0)      # [h, C]
    z_emb = jnp.take(depth_w, k, axis=0)    # [d, C]
    C = x_emb.shape[-1]
    xe = jnp.broadcast_to(x_emb[None, None, :, :], (d, h, w, C))
    ye = jnp.broadcast_to(y_emb[None, :, None, :], (d, h, w, C))
    ze = jnp.broadcast_to(z_emb[:, None, None, :], (d, h, w, C))
    pos = jnp.concatenate([xe, ye, ze], axis=-1)           # [d, h, w, 3C]
    pos = jnp.transpose(pos, (3, 0, 1, 2))                 # [3C, d, h, w]
    pos = jnp.broadcast_to(pos[None], (b,) + pos.shape)    # [b, 3C, d, h, w]
    return pos[:, :ORIG_CHANNELS]

if __name__ == "__main__":
    import jax
    _d = setup_inputs()
    print(jax.jit(kernel)(*tuple(_d.values())))

</pallas_src>

<mosaic_0001>
#map = affine_map<(d0, d1) -> (0)>
#map1 = affine_map<(d0, d1) -> (0, 0, 0)>
module attributes {stable_mosaic.version = 14 : i64} {
  func.func @_pos_body(%arg0: i32, %arg1: i32, %arg2: memref<2728xf32, #tpu.memory_space<hbm>>, %arg3: memref<6760x8x128xf32, #tpu.memory_space<hbm>>, %arg4: memref<2728xf32, #tpu.memory_space<vmem>>, %arg5: memref<212x128xf32, #tpu.memory_space<vmem>>, %arg6: memref<!tpu.dma_semaphore, #tpu.memory_space<semaphore_mem>>) attributes {dimension_semantics = [#tpu.dimension_semantics<core_parallel>, #tpu.dimension_semantics<subcore_parallel>], iteration_bounds = array<i64: 2, 16>, scalar_prefetch = 0 : i64, scratch_operands = 3 : i64, tpu.core_type = #tpu.core_type<sc_vector_subcore>, window_params = [{transform_indices = #map}, {transform_indices = #map1}]} {
    %mul3A = arith.constant 2 : i32
    %mul3A_0 = arith.muli %arg1, %mul3A : i32
    %add3A = arith.addi %mul3A_0, %arg0 : i32
    %mul3A_1 = arith.constant 212 : i32
    %mul3A_2 = arith.muli %add3A, %mul3A_1 : i32
    %min3A = arith.constant 6548 : i32
    %min3A_3 = arith.minsi %mul3A_2, %min3A : i32
    "tpu.region"() ({
      %run_scoped3A = tpu.sem_alloc : memref<!tpu.dma_semaphore, #tpu.memory_space<semaphore_mem>>
      tpu.enqueue_dma source(%arg2 : memref<2728xf32, #tpu.memory_space<hbm>>) target(%arg4 : memref<2728xf32, #tpu.memory_space<vmem>>) target_semaphore(%run_scoped3A : memref<!tpu.dma_semaphore, #tpu.memory_space<semaphore_mem>>)
      tpu.wait_dma2 semaphore(%run_scoped3A : memref<!tpu.dma_semaphore, #tpu.memory_space<semaphore_mem>>) src(%arg2 : memref<2728xf32, #tpu.memory_space<hbm>>) dst(%arg4 : memref<2728xf32, #tpu.memory_space<vmem>>)
      tpu.yield
    }) : () -> ()
    %scan3A = arith.constant 0 : i32
    %scan3A_4 = arith.constant 0 : i32
    %scan3A_5 = arith.constant 52 : i32
    %scan3A_6 = arith.addi %scan3A_4, %scan3A_5 : i32
    %scan3A_7 = arith.constant 1 : i32
    scf.for %scan3A_921 = %scan3A_4 to %scan3A_6 step %scan3A_7  : i32 {
      %add3A_922 = arith.addi %min3A_3, %scan3A_921 : i32
      %rem3A = arith.constant 26 : i32
      %rem3A_923 = arith.remsi %add3A_922, %rem3A : i32
      %div3A = arith.constant 26 : i32
      %div3A_924 = arith.divsi %add3A_922, %div3A : i32
      %rem3A_925 = arith.constant 26 : i32
      %rem3A_926 = arith.remsi %div3A_924, %rem3A_925 : i32
      %div3A_927 = arith.constant 676 : i32
      %div3A_928 = arith.divsi %add3A_922, %div3A_927 : i32
      %mul3A_929 = arith.constant 44 : i32
      %mul3A_930 = arith.muli %mul3A_929, %rem3A_923 : i32
      %mul3A_931 = arith.constant 44 : i32
      %mul3A_932 = arith.muli %mul3A_931, %rem3A_926 : i32
      %add3A_933 = arith.constant 1100 : i32
      %add3A_934 = arith.addi %add3A_933, %mul3A_932 : i32
      %mul3A_935 = arith.constant 44 : i32
      %mul3A_936 = arith.muli %mul3A_935, %div3A_928 : i32
      %add3A_937 = arith.constant 2200 : i32
      %add3A_938 = arith.addi %add3A_937, %mul3A_936 : i32
      %iota3A = tpu.iota {dimensions = array<i32: 0>} : vector<16xi32>
      %add3A_939 = arith.constant 0 : i32
      %add3A_940 = vector.broadcast %add3A_939 : i32 to vector<16xi32>
      %add3A_941 = arith.addi %iota3A, %add3A_940 : vector<16xi32>
      %broadcast_in_dim3A = vector.broadcast %mul3A_930 : i32 to vector<16xi32>
      %add3A_942 = arith.addi %add3A_941, %broadcast_in_dim3A : vector<16xi32>
      %gather3A = tpu.vector_load_idx %arg4[%add3A_942] : memref<2728xf32, #tpu.memory_space<vmem>>[vector<16xi32>], vector<16xf32>,
      %swap3A = arith.index_cast %scan3A_921 : i32 to index
      %swap3A_943 = arith.constant 0 : index
      %swap3A_944 = tpu.vector_load %arg5[%swap3A, %swap3A_943] {strides = array<i32>} : memref<212x128xf32, #tpu.memory_space<vmem>>, vector<16xf32>,
      tpu.vector_store %arg5[%swap3A, %swap3A_943], %gather3A {strides = array<i32>} : memref<212x128xf32, #tpu.memory_space<vmem>>, vector<16xf32>,
      %iota3A_945 = tpu.iota {dimensions = array<i32: 0>} : vector<16xi32>
      %add3A_946 = arith.constant 16 : i32
      %add3A_947 = vector.broadcast %add3A_946 : i32 to vector<16xi32>
      %add3A_948 = arith.addi %iota3A_945, %add3A_947 : vector<16xi32>
      %broadcast_in_dim3A_949 = vector.broadcast %mul3A_930 : i32 to vector<16xi32>
      %add3A_950 = arith.addi %add3A_948, %broadcast_in_dim3A_949 : vector<16xi32>
      %gather3A_951 = tpu.vector_load_idx %arg4[%add3A_950] : memref<2728xf32, #tpu.memory_space<vmem>>[vector<16xi32>], vector<16xf32>,
      %swap3A_952 = arith.index_cast %scan3A_921 : i32 to index
      %swap3A_953 = arith.constant 16 : index
      %swap3A_954 = tpu.vector_load %arg5[%swap3A_952, %swap3A_953] {strides = array<i32>} : memref<212x128xf32, #tpu.memory_space<vmem>>, vector<16xf32>,
      tpu.vector_store %arg5[%swap3A_952, %swap3A_953], %gather3A_951 {strides = array<i32>} : memref<212x128xf32, #tpu.memory_space<vmem>>, vector<16xf32>,
      %iota3A_955 = tpu.iota {dimensions = array<i32: 0>} : vector<16xi32>
      %add3A_956 = arith.constant 32 : i32
      %add3A_957 = vector.broadcast %add3A_956 : i32 to vector<16xi32>
      %add3A_958 = arith.addi %iota3A_955, %add3A_957 : vector<16xi32>
      %lt3A = arith.constant 44 : i32
      %lt3A_959 = vector.broadcast %lt3A : i32 to vector<16xi32>
      %lt3A_960 = arith.cmpi slt, %add3A_958, %lt3A_959 : vector<16xi32>
      %broadcast_in_dim3A_961 = vector.broadcast %mul3A_930 : i32 to vector<16xi32>
      %broadcast_in_dim3A_962 = vector.broadcast %add3A_934 : i32 to vector<16xi32>
      %select_n3A = arith.select %lt3A_960, %broadcast_in_dim3A_961, %broadcast_in_dim3A_962 : vector<16xi1>, vector<16xi32>
      %add3A_963 = arith.addi %add3A_958, %select_n3A : vector<16xi32>
      %gather3A_964 = tpu.vector_load_idx %arg4[%add3A_963] : memref<2728xf32, #tpu.memory_space<vmem>>[vector<16xi32>], vector<16xf32>,
      %swap3A_965 = arith.index_cast %scan3A_921 : i32 to index
      %swap3A_966 = arith.constant 32 : index
      %swap3A_967 = tpu.vector_load %arg5[%swap3A_965, %swap3A_966] {strides = array<i32>} : memref<212x128xf32, #tpu.memory_space<vmem>>, vector<16xf32>,
      tpu.vector_store %arg5[%swap3A_965, %swap3A_966], %gather3A_964 {strides = array<i32>} : memref<212x128xf32, #tpu.memory_space<vmem>>, vector<16xf32>,
      %iota3A_968 = tpu.iota {dimensions = array<i32: 0>} : vector<16xi32>
      %add3A_969 = arith.constant 48 : i32
      %add3A_970 = vector.broadcast %add3A_969 : i32 to vector<16xi32>
      %add3A_971 = arith.addi %iota3A_968, %add3A_970 : vector<16xi32>
      %broadcast_in_dim3A_972 = vector.broadcast %add3A_934 : i32 to vector<16xi32>
      %add3A_973 = arith.addi %add3A_971, %broadcast_in_dim3A_972 : vector<16xi32>
      %gather3A_974 = tpu.vector_load_idx %arg4[%add3A_973] : memref<2728xf32, #tpu.memory_space<vmem>>[vector<16xi32>], vector<16xf32>,
      %swap3A_975 = arith.index_cast %scan3A_921 : i32 to index
      %swap3A_976 = arith.constant 48 : index
      %swap3A_977 = tpu.vector_load %arg5[%swap3A_975, %swap3A_976] {strides = array<i32>} : memref<212x128xf32, #tpu.memory_space<vmem>>, vector<16xf32>,
      tpu.vector_store %arg5[%swap3A_975, %swap3A_976], %gather3A_974 {strides = array<i32>} : memref<212x128xf32, #tpu.memory_space<vmem>>, vector<16xf32>,
      %iota3A_978 = tpu.iota {dimensions = array<i32: 0>} : vector<16xi32>
      %add3A_979 = arith.constant 64 : i32
      %add3A_980 = vector.broadcast %add3A_979 : i32 to vector<16xi32>
      %add3A_981 = arith.addi %iota3A_978, %add3A_980 : vector<16xi32>
      %broadcast_in_dim3A_982 = vector.broadcast %add3A_934 : i32 to vector<16xi32>
      %add3A_983 = arith.addi %add3A_981, %broadcast_in_dim3A_982 : vector<16xi32>
      %gather3A_984 = tpu.vector_load_idx %arg4[%add3A_983] : memref<2728xf32, #tpu.memory_space<vmem>>[vector<16xi32>], vector<16xf32>,
      %swap3A_985 = arith.index_cast %scan3A_921 : i32 to index
      %swap3A_986 = arith.constant 64 : index
      %swap3A_987 = tpu.vector_load %arg5[%swap3A_985, %swap3A_986] {strides = array<i32>} : memref<212x128xf32, #tpu.memory_space<vmem>>, vector<16xf32>,
      tpu.vector_store %arg5[%swap3A_985, %swap3A_986], %gather3A_984 {strides = array<i32>} : memref<212x128xf32, #tpu.memory_space<vmem>>, vector<16xf32>,
      %iota3A_988 = tpu.iota {dimensions = array<i32: 0>} : vector<16xi32>
      %add3A_989 = arith.constant 80 : i32
      %add3A_990 = vector.broadcast %add3A_989 : i32 to vector<16xi32>
      %add3A_991 = arith.addi %iota3A_988, %add3A_990 : vector<16xi32>
      %lt3A_992 = arith.constant 88 : i32
      %lt3A_993 = vector.broadcast %lt3A_992 : i32 to vector<16xi32>
      %lt3A_994 = arith.cmpi slt, %add3A_991, %lt3A_993 : vector<16xi32>
      %broadcast_in_dim3A_995 = vector.broadcast %add3A_934 : i32 to vector<16xi32>
      %broadcast_in_dim3A_996 = vector.broadcast %add3A_938 : i32 to vector<16xi32>
      %select_n3A_997 = arith.select %lt3A_994, %broadcast_in_dim3A_995, %broadcast_in_dim3A_996 : vector<16xi1>, vector<16xi32>
      %add3A_998 = arith.addi %add3A_991, %select_n3A_997 : vector<16xi32>
      %gather3A_999 = tpu.vector_load_idx %arg4[%add3A_998] : memref<2728xf32, #tpu.memory_space<vmem>>[vector<16xi32>], vector<16xf32>,
      %swap3A_1000 = arith.index_cast %scan3A_921 : i32 to index
      %swap3A_1001 = arith.constant 80 : index
      %swap3A_1002 = tpu.vector_load %arg5[%swap3A_1000, %swap3A_1001] {strides = array<i32>} : memref<212x128xf32, #tpu.memory_space<vmem>>, vector<16xf32>,
      tpu.vector_store %arg5[%swap3A_1000, %swap3A_1001], %gather3A_999 {strides = array<i32>} : memref<212x128xf32, #tpu.memory_space<vmem>>, vector<16xf32>,
      %iota3A_1003 = tpu.iota {dimensions = array<i32: 0>} : vector<16xi32>
      %add3A_1004 = arith.constant 96 : i32
      %add3A_1005 = vector.broadcast %add3A_1004 : i32 to vector<16xi32>
      %add3A_1006 = arith.addi %iota3A_1003, %add3A_1005 : vector<16xi32>
      %broadcast_in_dim3A_1007 = vector.broadcast %add3A_938 : i32 to vector<16xi32>
      %add3A_1008 = arith.addi %add3A_1006, %broadcast_in_dim3A_1007 : vector<16xi32>
      %gather3A_1009 = tpu.vector_load_idx %arg4[%add3A_1008] : memref<2728xf32, #tpu.memory_space<vmem>>[vector<16xi32>], vector<16xf32>,
      %swap3A_1010 = arith.index_cast %scan3A_921 : i32 to index
      %swap3A_1011 = arith.constant 96 : index
      %swap3A_1012 = tpu.vector_load %arg5[%swap3A_1010, %swap3A_1011] {strides = array<i32>} : memref<212x128xf32, #tpu.memory_space<vmem>>, vector<16xf32>,
      tpu.vector_store %arg5[%swap3A_1010, %swap3A_1011], %gather3A_1009 {strides = array<i32>} : memref<212x128xf32, #tpu.memory_space<vmem>>, vector<16xf32>,
      %iota3A_1013 = tpu.iota {dimensions = array<i32: 0>} : vector<16xi32>
      %add3A_1014 = arith.constant 112 : i32
      %add3A_1015 = vector.broadcast %add3A_1014 : i32 to vector<16xi32>
      %add3A_1016 = arith.addi %iota3A_1013, %add3A_1015 : vector<16xi32>
      %broadcast_in_dim3A_1017 = vector.broadcast %add3A_938 : i32 to vector<16xi32>
      %add3A_1018 = arith.addi %add3A_1016, %broadcast_in_dim3A_1017 : vector<16xi32>
      %gather3A_1019 = tpu.vector_load_idx %arg4[%add3A_1018] : memref<2728xf32, #tpu.memory_space<vmem>>[vector<16xi32>], vector<16xf32>,
      %swap3A_1020 = arith.index_cast %scan3A_921 : i32 to index
      %swap3A_1021 = arith.constant 112 : index
      %swap3A_1022 = tpu.vector_load %arg5[%swap3A_1020, %swap3A_1021] {strides = array<i32>} : memref<212x128xf32, #tpu.memory_space<vmem>>, vector<16xf32>,
      tpu.vector_store %arg5[%swap3A_1020, %swap3A_1021], %gather3A_1019 {strides = array<i32>} : memref<212x128xf32, #tpu.memory_space<vmem>>, vector<16xf32>,
    }
    %scan3A_8 = arith.constant 52 : i32
    %add3A_9 = arith.constant 0 : i32
    %add3A_10 = arith.addi %min3A_3, %add3A_9 : i32
    %dma_start3A = arith.constant 0 : i32
    %dma_start3A_11 = arith.constant 0 : i32
    %dma_start3A_12 = arith.constant 0 : i32
    %dma_start3A_13 = tpu.memref_slice %arg5[%dma_start3A_11, %dma_start3A_12] : memref<212x128xf32, #tpu.memory_space<vmem>> -> memref<52x128xf32, #tpu.memory_space<vmem>>
    %dma_start3A_14 = arith.constant 0 : i32
    %dma_start3A_15 = tpu.memref_slice %arg3[%add3A_10, %dma_start3A, %dma_start3A_14] : memref<6760x8x128xf32, #tpu.memory_space<hbm>> -> memref<52x1x128xf32, #tpu.memory_space<hbm>>
    %dma_start3A_16 = tpu.memref_squeeze %dma_start3A_15 : memref<52x1x128xf32, #tpu.memory_space<hbm>> -> memref<52x128xf32, #tpu.memory_space<hbm>>
    %dma_start3A_17 = arith.constant 0 : i32
    %dma_start3A_18 = tpu.memref_slice %arg3[%add3A_10, %dma_start3A, %dma_start3A_17] : memref<6760x8x128xf32, #tpu.memory_space<hbm>> -> memref<52x1x128xf32, #tpu.memory_space<hbm>>
    %dma_start3A_19 = tpu.memref_squeeze %dma_start3A_18 : memref<52x1x128xf32, #tpu.memory_space<hbm>> -> memref<52x128xf32, #tpu.memory_space<hbm>>
    %dma_start3A_20 = arith.constant 0 : i32
    %dma_start3A_21 = arith.constant 0 : i32
    %dma_start3A_22 = tpu.memref_slice %arg5[%dma_start3A_20, %dma_start3A_21] : memref<212x128xf32, #tpu.memory_space<vmem>> -> memref<52x128xf32, #tpu.memory_space<vmem>>
    tpu.enqueue_dma source(%dma_start3A_22 : memref<52x128xf32, #tpu.memory_space<vmem>>) target(%dma_start3A_19 : memref<52x128xf32, #tpu.memory_space<hbm>>) target_semaphore(%arg6 : memref<!tpu.dma_semaphore, #tpu.memory_space<semaphore_mem>>)
    %add3A_23 = arith.constant 0 : i32
    %add3A_24 = arith.addi %min3A_3, %add3A_23 : i32
    %dma_start3A_25 = arith.constant 1 : i32
    %dma_start3A_26 = arith.constant 0 : i32
    %dma_start3A_27 = arith.constant 0 : i32
    %dma_start3A_28 = tpu.memref_slice %arg5[%dma_start3A_26, %dma_start3A_27] : memref<212x128xf32, #tpu.memory_space<vmem>> -> memref<52x128xf32, #tpu.memory_space<vmem>>
    %dma_start3A_29 = arith.constant 0 : i32
    %dma_start3A_30 = tpu.memref_slice %arg3[%add3A_24, %dma_start3A_25, %dma_start3A_29] : memref<6760x8x128xf32, #tpu.memory_space<hbm>> -> memref<52x1x128xf32, #tpu.memory_space<hbm>>
    %dma_start3A_31 = tpu.memref_squeeze %dma_start3A_30 : memref<52x1x128xf32, #tpu.memory_space<hbm>> -> memref<52x128xf32, #tpu.memory_space<hbm>>
    %dma_start3A_32 = arith.constant 0 : i32
    %dma_start3A_33 = tpu.memref_slice %arg3[%add3A_24, %dma_start3A_25, %dma_start3A_32] : memref<6760x8x128xf32, #tpu.memory_space<hbm>> -> memref<52x1x128xf32, #tpu.memory_space<hbm>>
    %dma_start3A_34 = tpu.memref_squeeze %dma_start3A_33 : memref<52x1x128xf32, #tpu.memory_space<hbm>> -> memref<52x128xf32, #tpu.memory_space<hbm>>
    %dma_start3A_35 = arith.constant 0 : i32
    %dma_start3A_36 = arith.constant 0 : i32
    %dma_start3A_37 = tpu.memref_slice %arg5[%dma_start3A_35, %dma_start3A_36] : memref<212x128xf32, #tpu.memory_space<vmem>> -> memref<52x128xf32, #tpu.memory_space<vmem>>
    tpu.enqueue_dma source(%dma_start3A_37 : memref<52x128xf32, #tpu.memory_space<vmem>>) target(%dma_start3A_34 : memref<52x128xf32, #tpu.memory_space<hbm>>) target_semaphore(%arg6 : memref<!tpu.dma_semaphore, #tpu.memory_space<semaphore_mem>>)
    %add3A_38 = arith.constant 0 : i32
    %add3A_39 = arith.addi %min3A_3, %add3A_38 : i32
    %dma_start3A_40 = arith.constant 2 : i32
    %dma_start3A_41 = arith.constant 0 : i32
    %dma_start3A_42 = arith.constant 0 : i32
    %dma_start3A_43 = tpu.memref_slice %arg5[%dma_start3A_41, %dma_start3A_42] : memref<212x128xf32, #tpu.memory_space<vmem>> -> memref<52x128xf32, #tpu.memory_space<vmem>>
    %dma_start3A_44 = arith.constant 0 : i32
    %dma_start3A_45 = tpu.memref_slice %arg3[%add3A_39, %dma_start3A_40, %dma_start3A_44] : memref<6760x8x128xf32, #tpu.memory_space<hbm>> -> memref<52x1x128xf32, #tpu.memory_space<hbm>>
    %dma_start3A_46 = tpu.memref_squeeze %dma_start3A_45 : memref<52x1x128xf32, #tpu.memory_space<hbm>> -> memref<52x128xf32, #tpu.memory_space<hbm>>
    %dma_start3A_47 = arith.constant 0 : i32
    %dma_start3A_48 = tpu.memref_slice %arg3[%add3A_39, %dma_start3A_40, %dma_start3A_47] : memref<6760x8x128xf32, #tpu.memory_space<hbm>> -> memref<52x1x128xf32, #tpu.memory_space<hbm>>
    %dma_start3A_49 = tpu.memref_squeeze %dma_start3A_48 : memref<52x1x128xf32, #tpu.memory_space<hbm>> -> memref<52x128xf32, #tpu.memory_space<hbm>>
    %dma_start3A_50 = arith.constant 0 : i32
    %dma_start3A_51 = arith.constant 0 : i32
    %dma_start3A_52 = tpu.memref_slice %arg5[%dma_start3A_50, %dma_start3A_51] : memref<212x128xf32, #tpu.memory_space<vmem>> -> memref<52x128xf32, #tpu.memory_space<vmem>>
    tpu.enqueue_dma source(%dma_start3A_52 : memref<52x128xf32, #tpu.memory_space<vmem>>) target(%dma_start3A_49 : memref<52x128xf32, #tpu.memory_space<hbm>>) target_semaphore(%arg6 : memref<!tpu.dma_semaphore, #tpu.memory_space<semaphore_mem>>)
    %add3A_53 = arith.constant 0 : i32
    %add3A_54 = arith.addi %min3A_3, %add3A_53 : i32
    %dma_start3A_55 = arith.constant 3 : i32
    %dma_start3A_56 = arith.constant 0 : i32
    %dma_start3A_57 = arith.constant 0 : i32
    %dma_start3A_58 = tpu.memref_slice %arg5[%dma_start3A_56, %dma_start3A_57] : memref<212x128xf32, #tpu.memory_space<vmem>> -> memref<52x128xf32, #tpu.memory_space<vmem>>
    %dma_start3A_59 = arith.constant 0 : i32
    %dma_start3A_60 = tpu.memref_slice %arg3[%add3A_54, %dma_start3A_55, %dma_start3A_59] : memref<6760x8x128xf32, #tpu.memory_space<hbm>> -> memref<52x1x128xf32, #tpu.memory_space<hbm>>
    %dma_start3A_61 = tpu.memref_squeeze %dma_start3A_60 : memref<52x1x128xf32, #tpu.memory_space<hbm>> -> memref<52x128xf32, #tpu.memory_space<hbm>>
    %dma_start3A_62 = arith.constant 0 : i32
    %dma_start3A_63 = tpu.memref_slice %arg3[%add3A_54, %dma_start3A_55, %dma_start3A_62] : memref<6760x8x128xf32, #tpu.memory_space<hbm>> -> memref<52x1x128xf32, #tpu.memory_space<hbm>>
    %dma_start3A_64 = tpu.memref_squeeze %dma_start3A_63 : memref<52x1x128xf32, #tpu.memory_space<hbm>> -> memref<52x128xf32, #tpu.memory_space<hbm>>
    %dma_start3A_65 = arith.constant 0 : i32
    %dma_start3A_66 = arith.constant 0 : i32
    %dma_start3A_67 = tpu.memref_slice %arg5[%dma_start3A_65, %dma_start3A_66] : memref<212x128xf32, #tpu.memory_space<vmem>> -> memref<52x128xf32, #tpu.memory_space<vmem>>
    tpu.enqueue_dma source(%dma_start3A_67 : memref<52x128xf32, #tpu.memory_space<vmem>>) target(%dma_start3A_64 : memref<52x128xf32, #tpu.memory_space<hbm>>) target_semaphore(%arg6 : memref<!tpu.dma_semaphore, #tpu.memory_space<semaphore_mem>>)
    %add3A_68 = arith.constant 0 : i32
    %add3A_69 = arith.addi %min3A_3, %add3A_68 : i32
    %dma_start3A_70 = arith.constant 4 : i32
    %dma_start3A_71 = arith.constant 0 : i32
    %dma_start3A_72 = arith.constant 0 : i32
    %dma_start3A_73 = tpu.memref_slice %arg5[%dma_start3A_71, %dma_start3A_72] : memref<212x128xf32, #tpu.memory_space<vmem>> -> memref<52x128xf32, #tpu.memory_space<vmem>>
    %dma_start3A_74 = arith.constant 0 : i32
    %dma_start3A_75 = tpu.memref_slice %arg3[%add3A_69, %dma_start3A_70, %dma_start3A_74] : memref<6760x8x128xf32, #tpu.memory_space<hbm>> -> memref<52x1x128xf32, #tpu.memory_space<hbm>>
    %dma_start3A_76 = tpu.memref_squeeze %dma_start3A_75 : memref<52x1x128xf32, #tpu.memory_space<hbm>> -> memref<52x128xf32, #tpu.memory_space<hbm>>
    %dma_start3A_77 = arith.constant 0 : i32
    %dma_start3A_78 = tpu.memref_slice %arg3[%add3A_69, %dma_start3A_70, %dma_start3A_77] : memref<6760x8x128xf32, #tpu.memory_space<hbm>> -> memref<52x1x128xf32, #tpu.memory_space<hbm>>
    %dma_start3A_79 = tpu.memref_squeeze %dma_start3A_78 : memref<52x1x128xf32, #tpu.memory_space<hbm>> -> memref<52x128xf32, #tpu.memory_space<hbm>>
    %dma_start3A_80 = arith.constant 0 : i32
    %dma_start3A_81 = arith.constant 0 : i32
    %dma_start3A_82 = tpu.memref_slice %arg5[%dma_start3A_80, %dma_start3A_81] : memref<212x128xf32, #tpu.memory_space<vmem>> -> memref<52x128xf32, #tpu.memory_space<vmem>>
    tpu.enqueue_dma source(%dma_start3A_82 : memref<52x128xf32, #tpu.memory_space<vmem>>) target(%dma_start3A_79 : memref<52x128xf32, #tpu.memory_space<hbm>>) target_semaphore(%arg6 : memref<!tpu.dma_semaphore, #tpu.memory_space<semaphore_mem>>)
    %add3A_83 = arith.constant 0 : i32
    %add3A_84 = arith.addi %min3A_3, %add3A_83 : i32
    %dma_start3A_85 = arith.constant 5 : i32
    %dma_start3A_86 = arith.constant 0 : i32
    %dma_start3A_87 = arith.constant 0 : i32
    %dma_start3A_88 = tpu.memref_slice %arg5[%dma_start3A_86, %dma_start3A_87] : memref<212x128xf32, #tpu.memory_space<vmem>> -> memref<52x128xf32, #tpu.memory_space<vmem>>
    %dma_start3A_89 = arith.constant 0 : i32
    %dma_start3A_90 = tpu.memref_slice %arg3[%add3A_84, %dma_start3A_85, %dma_start3A_89] : memref<6760x8x128xf32, #tpu.memory_space<hbm>> -> memref<52x1x128xf32, #tpu.memory_space<hbm>>
    %dma_start3A_91 = tpu.memref_squeeze %dma_start3A_90 : memref<52x1x128xf32, #tpu.memory_space<hbm>> -> memref<52x128xf32, #tpu.memory_space<hbm>>
    %dma_start3A_92 = arith.constant 0 : i32
    %dma_start3A_93 = tpu.memref_slice %arg3[%add3A_84, %dma_start3A_85, %dma_start3A_92] : memref<6760x8x128xf32, #tpu.memory_space<hbm>> -> memref<52x1x128xf32, #tpu.memory_space<hbm>>
    %dma_start3A_94 = tpu.memref_squeeze %dma_start3A_93 : memref<52x1x128xf32, #tpu.memory_space<hbm>> -> memref<52x128xf32, #tpu.memory_space<hbm>>
    %dma_start3A_95 = arith.constant 0 : i32
    %dma_start3A_96 = arith.constant 0 : i32
    %dma_start3A_97 = tpu.memref_slice %arg5[%dma_start3A_95, %dma_start3A_96] : memref<212x128xf32, #tpu.memory_space<vmem>> -> memref<52x128xf32, #tpu.memory_space<vmem>>
    tpu.enqueue_dma source(%dma_start3A_97 : memref<52x128xf32, #tpu.memory_space<vmem>>) target(%dma_start3A_94 : memref<52x128xf32, #tpu.memory_space<hbm>>) target_semaphore(%arg6 : memref<!tpu.dma_semaphore, #tpu.memory_space<semaphore_mem>>)
    %add3A_98 = arith.constant 0 : i32
    %add3A_99 = arith.addi %min3A_3, %add3A_98 : i32
    %dma_start3A_100 = arith.constant 6 : i32
    %dma_start3A_101 = arith.constant 0 : i32
    %dma_start3A_102 = arith.constant 0 : i32
    %dma_start3A_103 = tpu.memref_slice %arg5[%dma_start3A_101, %dma_start3A_102] : memref<212x128xf32, #tpu.memory_space<vmem>> -> memref<52x128xf32, #tpu.memory_space<vmem>>
    %dma_start3A_104 = arith.constant 0 : i32
    %dma_start3A_105 = tpu.memref_slice %arg3[%add3A_99, %dma_start3A_100, %dma_start3A_104] : memref<6760x8x128xf32, #tpu.memory_space<hbm>> -> memref<52x1x128xf32, #tpu.memory_space<hbm>>
    %dma_start3A_106 = tpu.memref_squeeze %dma_start3A_105 : memref<52x1x128xf32, #tpu.memory_space<hbm>> -> memref<52x128xf32, #tpu.memory_space<hbm>>
    %dma_start3A_107 = arith.constant 0 : i32
    %dma_start3A_108 = tpu.memref_slice %arg3[%add3A_99, %dma_start3A_100, %dma_start3A_107] : memref<6760x8x128xf32, #tpu.memory_space<hbm>> -> memref<52x1x128xf32, #tpu.memory_space<hbm>>
    %dma_start3A_109 = tpu.memref_squeeze %dma_start3A_108 : memref<52x1x128xf32, #tpu.memory_space<hbm>> -> memref<52x128xf32, #tpu.memory_space<hbm>>
    %dma_start3A_110 = arith.constant 0 : i32
    %dma_start3A_111 = arith.constant 0 : i32
    %dma_start3A_112 = tpu.memref_slice %arg5[%dma_start3A_110, %dma_start3A_111] : memref<212x128xf32, #tpu.memory_space<vmem>> -> memref<52x128xf32, #tpu.memory_space<vmem>>
    tpu.enqueue_dma source(%dma_start3A_112 : memref<52x128xf32, #tpu.memory_space<vmem>>) target(%dma_start3A_109 : memref<52x128xf32, #tpu.memory_space<hbm>>) target_semaphore(%arg6 : memref<!tpu.dma_semaphore, #tpu.memory_space<semaphore_mem>>)
    %add3A_113 = arith.constant 0 : i32
    %add3A_114 = arith.addi %min3A_3, %add3A_113 : i32
    %dma_start3A_115 = arith.constant 7 : i32
    %dma_start3A_116 = arith.constant 0 : i32
    %dma_start3A_117 = arith.constant 0 : i32
    %dma_start3A_118 = tpu.memref_slice %arg5[%dma_start3A_116, %dma_start3A_117] : memref<212x128xf32, #tpu.memory_space<vmem>> -> memref<52x128xf32, #tpu.memory_space<vmem>>
    %dma_start3A_119 = arith.constant 0 : i32
    %dma_start3A_120 = tpu.memref_slice %arg3[%add3A_114, %dma_start3A_115, %dma_start3A_119] : memref<6760x8x128xf32, #tpu.memory_space<hbm>> -> memref<52x1x128xf32, #tpu.memory_space<hbm>>
    %dma_start3A_121 = tpu.memref_squeeze %dma_start3A_120 : memref<52x1x128xf32, #tpu.memory_space<hbm>> -> memref<52x128xf32, #tpu.memory_space<hbm>>
    %dma_start3A_122 = arith.constant 0 : i32
    %dma_start3A_123 = tpu.memref_slice %arg3[%add3A_114, %dma_start3A_115, %dma_start3A_122] : memref<6760x8x128xf32, #tpu.memory_space<hbm>> -> memref<52x1x128xf32, #tpu.memory_space<hbm>>
    %dma_start3A_124 = tpu.memref_squeeze %dma_start3A_123 : memref<52x1x128xf32, #tpu.memory_space<hbm>> -> memref<52x128xf32, #tpu.memory_space<hbm>>
    %dma_start3A_125 = arith.constant 0 : i32
    %dma_start3A_126 = arith.constant 0 : i32
    %dma_start3A_127 = tpu.memref_slice %arg5[%dma_start3A_125, %dma_start3A_126] : memref<212x128xf32, #tpu.memory_space<vmem>> -> memref<52x128xf32, #tpu.memory_space<vmem>>
    tpu.enqueue_dma source(%dma_start3A_127 : memref<52x128xf32, #tpu.memory_space<vmem>>) target(%dma_start3A_124 : memref<52x128xf32, #tpu.memory_space<hbm>>) target_semaphore(%arg6 : memref<!tpu.dma_semaphore, #tpu.memory_space<semaphore_mem>>)
    %scan3A_128 = arith.constant 0 : i32
    %scan3A_129 = arith.constant 52 : i32
    %scan3A_130 = arith.constant 52 : i32
    %scan3A_131 = arith.addi %scan3A_129, %scan3A_130 : i32
    %scan3A_132 = arith.constant 1 : i32
    scf.for %scan3A_921 = %scan3A_129 to %scan3A_131 step %scan3A_132  : i32 {
      %add3A_922 = arith.addi %min3A_3, %scan3A_921 : i32
      %rem3A = arith.constant 26 : i32
      %rem3A_923 = arith.remsi %add3A_922, %rem3A : i32
      %div3A = arith.constant 26 : i32
      %div3A_924 = arith.divsi %add3A_922, %div3A : i32
      %rem3A_925 = arith.constant 26 : i32
      %rem3A_926 = arith.remsi %div3A_924, %rem3A_925 : i32
      %div3A_927 = arith.constant 676 : i32
      %div3A_928 = arith.divsi %add3A_922, %div3A_927 : i32
      %mul3A_929 = arith.constant 44 : i32
      %mul3A_930 = arith.muli %mul3A_929, %rem3A_923 : i32
      %mul3A_931 = arith.constant 44 : i32
      %mul3A_932 = arith.muli %mul3A_931, %rem3A_926 : i32
      %add3A_933 = arith.constant 1100 : i32
      %add3A_934 = arith.addi %add3A_933, %mul3A_932 : i32
      %mul3A_935 = arith.constant 44 : i32
      %mul3A_936 = arith.muli %mul3A_935, %div3A_928 : i32
      %add3A_937 = arith.constant 2200 : i32
      %add3A_938 = arith.addi %add3A_937, %mul3A_936 : i32
      %iota3A = tpu.iota {dimensions = array<i32: 0>} : vector<16xi32>
      %add3A_939 = arith.constant 0 : i32
      %add3A_940 = vector.broadcast %add3A_939 : i32 to vector<16xi32>
      %add3A_941 = arith.addi %iota3A, %add3A_940 : vector<16xi32>
      %broadcast_in_dim3A = vector.broadcast %mul3A_930 : i32 to vector<16xi32>
      %add3A_942 = arith.addi %add3A_941, %broadcast_in_dim3A : vector<16xi32>
      %gather3A = tpu.vector_load_idx %arg4[%add3A_942] : memref<2728xf32, #tpu.memory_space<vmem>>[vector<16xi32>], vector<16xf32>,
      %swap3A = arith.index_cast %scan3A_921 : i32 to index
      %swap3A_943 = arith.constant 0 : index
      %swap3A_944 = tpu.vector_load %arg5[%swap3A, %swap3A_943] {strides = array<i32>} : memref<212x128xf32, #tpu.memory_space<vmem>>, vector<16xf32>,
      tpu.vector_store %arg5[%swap3A, %swap3A_943], %gather3A {strides = array<i32>} : memref<212x128xf32, #tpu.memory_space<vmem>>, vector<16xf32>,
      %iota3A_945 = tpu.iota {dimensions = array<i32: 0>} : vector<16xi32>
      %add3A_946 = arith.constant 16 : i32
      %add3A_947 = vector.broadcast %add3A_946 : i32 to vector<16xi32>
      %add3A_948 = arith.addi %iota3A_945, %add3A_947 : vector<16xi32>
      %broadcast_in_dim3A_949 = vector.broadcast %mul3A_930 : i32 to vector<16xi32>
      %add3A_950 = arith.addi %add3A_948, %broadcast_in_dim3A_949 : vector<16xi32>
      %gather3A_951 = tpu.vector_load_idx %arg4[%add3A_950] : memref<2728xf32, #tpu.memory_space<vmem>>[vector<16xi32>], vector<16xf32>,
      %swap3A_952 = arith.index_cast %scan3A_921 : i32 to index
      %swap3A_953 = arith.constant 16 : index
      %swap3A_954 = tpu.vector_load %arg5[%swap3A_952, %swap3A_953] {strides = array<i32>} : memref<212x128xf32, #tpu.memory_space<vmem>>, vector<16xf32>,
      tpu.vector_store %arg5[%swap3A_952, %swap3A_953], %gather3A_951 {strides = array<i32>} : memref<212x128xf32, #tpu.memory_space<vmem>>, vector<16xf32>,
      %iota3A_955 = tpu.iota {dimensions = array<i32: 0>} : vector<16xi32>
      %add3A_956 = arith.constant 32 : i32
      %add3A_957 = vector.broadcast %add3A_956 : i32 to vector<16xi32>
      %add3A_958 = arith.addi %iota3A_955, %add3A_957 : vector<16xi32>
      %lt3A = arith.constant 44 : i32
      %lt3A_959 = vector.broadcast %lt3A : i32 to vector<16xi32>
      %lt3A_960 = arith.cmpi slt, %add3A_958, %lt3A_959 : vector<16xi32>
      %broadcast_in_dim3A_961 = vector.broadcast %mul3A_930 : i32 to vector<16xi32>
      %broadcast_in_dim3A_962 = vector.broadcast %add3A_934 : i32 to vector<16xi32>
      %select_n3A = arith.select %lt3A_960, %broadcast_in_dim3A_961, %broadcast_in_dim3A_962 : vector<16xi1>, vector<16xi32>
      %add3A_963 = arith.addi %add3A_958, %select_n3A : vector<16xi32>
      %gather3A_964 = tpu.vector_load_idx %arg4[%add3A_963] : memref<2728xf32, #tpu.memory_space<vmem>>[vector<16xi32>], vector<16xf32>,
      %swap3A_965 = arith.index_cast %scan3A_921 : i32 to index
      %swap3A_966 = arith.constant 32 : index
      %swap3A_967 = tpu.vector_load %arg5[%swap3A_965, %swap3A_966] {strides = array<i32>} : memref<212x128xf32, #tpu.memory_space<vmem>>, vector<16xf32>,
      tpu.vector_store %arg5[%swap3A_965, %swap3A_966], %gather3A_964 {strides = array<i32>} : memref<212x128xf32, #tpu.memory_space<vmem>>, vector<16xf32>,
      %iota3A_968 = tpu.iota {dimensions = array<i32: 0>} : vector<16xi32>
      %add3A_969 = arith.constant 48 : i32
      %add3A_970 = vector.broadcast %add3A_969 : i32 to vector<16xi32>
      %add3A_971 = arith.addi %iota3A_968, %add3A_970 : vector<16xi32>
      %broadcast_in_dim3A_972 = vector.broadcast %add3A_934 : i32 to vector<16xi32>
      %add3A_973 = arith.addi %add3A_971, %broadcast_in_dim3A_972 : vector<16xi32>
      %gather3A_974 = tpu.vector_load_idx %arg4[%add3A_973] : memref<2728xf32, #tpu.memory_space<vmem>>[vector<16xi32>], vector<16xf32>,
      %swap3A_975 = arith.index_cast %scan3A_921 : i32 to index
      %swap3A_976 = arith.constant 48 : index
      %swap3A_977 = tpu.vector_load %arg5[%swap3A_975, %swap3A_976] {strides = array<i32>} : memref<212x128xf32, #tpu.memory_space<vmem>>, vector<16xf32>,
      tpu.vector_store %arg5[%swap3A_975, %swap3A_976], %gather3A_974 {strides = array<i32>} : memref<212x128xf32, #tpu.memory_space<vmem>>, vector<16xf32>,
      %iota3A_978 = tpu.iota {dimensions = array<i32: 0>} : vector<16xi32>
      %add3A_979 = arith.constant 64 : i32
      %add3A_980 = vector.broadcast %add3A_979 : i32 to vector<16xi32>
      %add3A_981 = arith.addi %iota3A_978, %add3A_980 : vector<16xi32>
      %broadcast_in_dim3A_982 = vector.broadcast %add3A_934 : i32 to vector<16xi32>
      %add3A_983 = arith.addi %add3A_981, %broadcast_in_dim3A_982 : vector<16xi32>
      %gather3A_984 = tpu.vector_load_idx %arg4[%add3A_983] : memref<2728xf32, #tpu.memory_space<vmem>>[vector<16xi32>], vector<16xf32>,
      %swap3A_985 = arith.index_cast %scan3A_921 : i32 to index
      %swap3A_986 = arith.constant 64 : index
      %swap3A_987 = tpu.vector_load %arg5[%swap3A_985, %swap3A_986] {strides = array<i32>} : memref<212x128xf32, #tpu.memory_space<vmem>>, vector<16xf32>,
      tpu.vector_store %arg5[%swap3A_985, %swap3A_986], %gather3A_984 {strides = array<i32>} : memref<212x128xf32, #tpu.memory_space<vmem>>, vector<16xf32>,
      %iota3A_988 = tpu.iota {dimensions = array<i32: 0>} : vector<16xi32>
      %add3A_989 = arith.constant 80 : i32
      %add3A_990 = vector.broadcast %add3A_989 : i32 to vector<16xi32>
      %add3A_991 = arith.addi %iota3A_988, %add3A_990 : vector<16xi32>
      %lt3A_992 = arith.constant 88 : i32
      %lt3A_993 = vector.broadcast %lt3A_992 : i32 to vector<16xi32>
      %lt3A_994 = arith.cmpi slt, %add3A_991, %lt3A_993 : vector<16xi32>
      %broadcast_in_dim3A_995 = vector.broadcast %add3A_934 : i32 to vector<16xi32>
      %broadcast_in_dim3A_996 = vector.broadcast %add3A_938 : i32 to vector<16xi32>
      %select_n3A_997 = arith.select %lt3A_994, %broadcast_in_dim3A_995, %broadcast_in_dim3A_996 : vector<16xi1>, vector<16xi32>
      %add3A_998 = arith.addi %add3A_991, %select_n3A_997 : vector<16xi32>
      %gather3A_999 = tpu.vector_load_idx %arg4[%add3A_998] : memref<2728xf32, #tpu.memory_space<vmem>>[vector<16xi32>], vector<16xf32>,
      %swap3A_1000 = arith.index_cast %scan3A_921 : i32 to index
      %swap3A_1001 = arith.constant 80 : index
      %swap3A_1002 = tpu.vector_load %arg5[%swap3A_1000, %swap3A_1001] {strides = array<i32>} : memref<212x128xf32, #tpu.memory_space<vmem>>, vector<16xf32>,
      tpu.vector_store %arg5[%swap3A_1000, %swap3A_1001], %gather3A_999 {strides = array<i32>} : memref<212x128xf32, #tpu.memory_space<vmem>>, vector<16xf32>,
      %iota3A_1003 = tpu.iota {dimensions = array<i32: 0>} : vector<16xi32>
      %add3A_1004 = arith.constant 96 : i32
      %add3A_1005 = vector.broadcast %add3A_1004 : i32 to vector<16xi32>
      %add3A_1006 = arith.addi %iota3A_1003, %add3A_1005 : vector<16xi32>
      %broadcast_in_dim3A_1007 = vector.broadcast %add3A_938 : i32 to vector<16xi32>
      %add3A_1008 = arith.addi %add3A_1006, %broadcast_in_dim3A_1007 : vector<16xi32>
      %gather3A_1009 = tpu.vector_load_idx %arg4[%add3A_1008] : memref<2728xf32, #tpu.memory_space<vmem>>[vector<16xi32>], vector<16xf32>,
      %swap3A_1010 = arith.index_cast %scan3A_921 : i32 to index
      %swap3A_1011 = arith.constant 96 : index
      %swap3A_1012 = tpu.vector_load %arg5[%swap3A_1010, %swap3A_1011] {strides = array<i32>} : memref<212x128xf32, #tpu.memory_space<vmem>>, vector<16xf32>,
      tpu.vector_store %arg5[%swap3A_1010, %swap3A_1011], %gather3A_1009 {strides = array<i32>} : memref<212x128xf32, #tpu.memory_space<vmem>>, vector<16xf32>,
      %iota3A_1013 = tpu.iota {dimensions = array<i32: 0>} : vector<16xi32>
      %add3A_1014 = arith.constant 112 : i32
      %add3A_1015 = vector.broadcast %add3A_1014 : i32 to vector<16xi32>
      %add3A_1016 = arith.addi %iota3A_1013, %add3A_1015 : vector<16xi32>
      %broadcast_in_dim3A_1017 = vector.broadcast %add3A_938 : i32 to vector<16xi32>
      %add3A_1018 = arith.addi %add3A_1016, %broadcast_in_dim3A_1017 : vector<16xi32>
      %gather3A_1019 = tpu.vector_load_idx %arg4[%add3A_1018] : memref<2728xf32, #tpu.memory_space<vmem>>[vector<16xi32>], vector<16xf32>,
      %swap3A_1020 = arith.index_cast %scan3A_921 : i32 to index
      %swap3A_1021 = arith.constant 112 : index
      %swap3A_1022 = tpu.vector_load %arg5[%swap3A_1020, %swap3A_1021] {strides = array<i32>} : memref<212x128xf32, #tpu.memory_space<vmem>>, vector<16xf32>,
      tpu.vector_store %arg5[%swap3A_1020, %swap3A_1021], %gather3A_1019 {strides = array<i32>} : memref<212x128xf32, #tpu.memory_space<vmem>>, vector<16xf32>,
    }
    %scan3A_133 = arith.constant 52 : i32
    %add3A_134 = arith.constant 52 : i32
    %add3A_135 = arith.addi %min3A_3, %add3A_134 : i32
    %dma_start3A_136 = arith.constant 0 : i32
    %dma_start3A_137 = arith.constant 52 : i32
    %dma_start3A_138 = arith.constant 0 : i32
    %dma_start3A_139 = tpu.memref_slice %arg5[%dma_start3A_137, %dma_start3A_138] : memref<212x128xf32, #tpu.memory_space<vmem>> -> memref<52x128xf32, #tpu.memory_space<vmem>>
    %dma_start3A_140 = arith.constant 0 : i32
    %dma_start3A_141 = tpu.memref_slice %arg3[%add3A_135, %dma_start3A_136, %dma_start3A_140] : memref<6760x8x128xf32, #tpu.memory_space<hbm>> -> memref<52x1x128xf32, #tpu.memory_space<hbm>>
    %dma_start3A_142 = tpu.memref_squeeze %dma_start3A_141 : memref<52x1x128xf32, #tpu.memory_space<hbm>> -> memref<52x128xf32, #tpu.memory_space<hbm>>
    %dma_start3A_143 = arith.constant 0 : i32
    %dma_start3A_144 = tpu.memref_slice %arg3[%add3A_135, %dma_start3A_136, %dma_start3A_143] : memref<6760x8x128xf32, #tpu.memory_space<hbm>> -> memref<52x1x128xf32, #tpu.memory_space<hbm>>
    %dma_start3A_145 = tpu.memref_squeeze %dma_start3A_144 : memref<52x1x128xf32, #tpu.memory_space<hbm>> -> memref<52x128xf32, #tpu.memory_space<hbm>>
    %dma_start3A_146 = arith.constant 52 : i32
    %dma_start3A_147 = arith.constant 0 : i32
    %dma_start3A_148 = tpu.memref_slice %arg5[%dma_start3A_146, %dma_start3A_147] : memref<212x128xf32, #tpu.memory_space<vmem>> -> memref<52x128xf32, #tpu.memory_space<vmem>>
    tpu.enqueue_dma source(%dma_start3A_148 : memref<52x128xf32, #tpu.memory_space<vmem>>) target(%dma_start3A_145 : memref<52x128xf32, #tpu.memory_space<hbm>>) target_semaphore(%arg6 : memref<!tpu.dma_semaphore, #tpu.memory_space<semaphore_mem>>)
    %add3A_149 = arith.constant 52 : i32
    %add3A_150 = arith.addi %min3A_3, %add3A_149 : i32
    %dma_start3A_151 = arith.constant 1 : i32
    %dma_start3A_152 = arith.constant 52 : i32
    %dma_start3A_153 = arith.constant 0 : i32
    %dma_start3A_154 = tpu.memref_slice %arg5[%dma_start3A_152, %dma_start3A_153] : memref<212x128xf32, #tpu.memory_space<vmem>> -> memref<52x128xf32, #tpu.memory_space<vmem>>
    %dma_start3A_155 = arith.constant 0 : i32
    %dma_start3A_156 = tpu.memref_slice %arg3[%add3A_150, %dma_start3A_151, %dma_start3A_155] : memref<6760x8x128xf32, #tpu.memory_space<hbm>> -> memref<52x1x128xf32, #tpu.memory_space<hbm>>
    %dma_start3A_157 = tpu.memref_squeeze %dma_start3A_156 : memref<52x1x128xf32, #tpu.memory_space<hbm>> -> memref<52x128xf32, #tpu.memory_space<hbm>>
    %dma_start3A_158 = arith.constant 0 : i32
    %dma_start3A_159 = tpu.memref_slice %arg3[%add3A_150, %dma_start3A_151, %dma_start3A_158] : memref<6760x8x128xf32, #tpu.memory_space<hbm>> -> memref<52x1x128xf32, #tpu.memory_space<hbm>>
    %dma_start3A_160 = tpu.memref_squeeze %dma_start3A_159 : memref<52x1x128xf32, #tpu.memory_space<hbm>> -> memref<52x128xf32, #tpu.memory_space<hbm>>
    %dma_start3A_161 = arith.constant 52 : i32
    %dma_start3A_162 = arith.constant 0 : i32
    %dma_start3A_163 = tpu.memref_slice %arg5[%dma_start3A_161, %dma_start3A_162] : memref<212x128xf32, #tpu.memory_space<vmem>> -> memref<52x128xf32, #tpu.memory_space<vmem>>
    tpu.enqueue_dma source(%dma_start3A_163 : memref<52x128xf32, #tpu.memory_space<vmem>>) target(%dma_start3A_160 : memref<52x128xf32, #tpu.memory_space<hbm>>) target_semaphore(%arg6 : memref<!tpu.dma_semaphore, #tpu.memory_space<semaphore_mem>>)
    %add3A_164 = arith.constant 52 : i32
    %add3A_165 = arith.addi %min3A_3, %add3A_164 : i32
    %dma_start3A_166 = arith.constant 2 : i32
    %dma_start3A_167 = arith.constant 52 : i32
    %dma_start3A_168 = arith.constant 0 : i32
    %dma_start3A_169 = tpu.memref_slice %arg5[%dma_start3A_167, %dma_start3A_168] : memref<212x128xf32, #tpu.memory_space<vmem>> -> memref<52x128xf32, #tpu.memory_space<vmem>>
    %dma_start3A_170 = arith.constant 0 : i32
    %dma_start3A_171 = tpu.memref_slice %arg3[%add3A_165, %dma_start3A_166, %dma_start3A_170] : memref<6760x8x128xf32, #tpu.memory_space<hbm>> -> memref<52x1x128xf32, #tpu.memory_space<hbm>>
    %dma_start3A_172 = tpu.memref_squeeze %dma_start3A_171 : memref<52x1x128xf32, #tpu.memory_space<hbm>> -> memref<52x128xf32, #tpu.memory_space<hbm>>
    %dma_start3A_173 = arith.constant 0 : i32
    %dma_start3A_174 = tpu.memref_slice %arg3[%add3A_165, %dma_start3A_166, %dma_start3A_173] : memref<6760x8x128xf32, #tpu.memory_space<hbm>> -> memref<52x1x128xf32, #tpu.memory_space<hbm>>
    %dma_start3A_175 = tpu.memref_squeeze %dma_start3A_174 : memref<52x1x128xf32, #tpu.memory_space<hbm>> -> memref<52x128xf32, #tpu.memory_space<hbm>>
    %dma_start3A_176 = arith.constant 52 : i32
    %dma_start3A_177 = arith.constant 0 : i32
    %dma_start3A_178 = tpu.memref_slice %arg5[%dma_start3A_176, %dma_start3A_177] : memref<212x128xf32, #tpu.memory_space<vmem>> -> memref<52x128xf32, #tpu.memory_space<vmem>>
    tpu.enqueue_dma source(%dma_start3A_178 : memref<52x128xf32, #tpu.memory_space<vmem>>) target(%dma_start3A_175 : memref<52x128xf32, #tpu.memory_space<hbm>>) target_semaphore(%arg6 : memref<!tpu.dma_semaphore, #tpu.memory_space<semaphore_mem>>)
    %add3A_179 = arith.constant 52 : i32
    %add3A_180 = arith.addi %min3A_3, %add3A_179 : i32
    %dma_start3A_181 = arith.constant 3 : i32
    %dma_start3A_182 = arith.constant 52 : i32
    %dma_start3A_183 = arith.constant 0 : i32
    %dma_start3A_184 = tpu.memref_slice %arg5[%dma_start3A_182, %dma_start3A_183] : memref<212x128xf32, #tpu.memory_space<vmem>> -> memref<52x128xf32, #tpu.memory_space<vmem>>
    %dma_start3A_185 = arith.constant 0 : i32
    %dma_start3A_186 = tpu.memref_slice %arg3[%add3A_180, %dma_start3A_181, %dma_start3A_185] : memref<6760x8x128xf32, #tpu.memory_space<hbm>> -> memref<52x1x128xf32, #tpu.memory_space<hbm>>
    %dma_start3A_187 = tpu.memref_squeeze %dma_start3A_186 : memref<52x1x128xf32, #tpu.memory_space<hbm>> -> memref<52x128xf32, #tpu.memory_space<hbm>>
    %dma_start3A_188 = arith.constant 0 : i32
    %dma_start3A_189 = tpu.memref_slice %arg3[%add3A_180, %dma_start3A_181, %dma_start3A_188] : memref<6760x8x128xf32, #tpu.memory_space<hbm>> -> memref<52x1x128xf32, #tpu.memory_space<hbm>>
    %dma_start3A_190 = tpu.memref_squeeze %dma_start3A_189 : memref<52x1x128xf32, #tpu.memory_space<hbm>> -> memref<52x128xf32, #tpu.memory_space<hbm>>
    %dma_start3A_191 = arith.constant 52 : i32
    %dma_start3A_192 = arith.constant 0 : i32
    %dma_start3A_193 = tpu.memref_slice %arg5[%dma_start3A_191, %dma_start3A_192] : memref<212x128xf32, #tpu.memory_space<vmem>> -> memref<52x128xf32, #tpu.memory_space<vmem>>
    tpu.enqueue_dma source(%dma_start3A_193 : memref<52x128xf32, #tpu.memory_space<vmem>>) target(%dma_start3A_190 : memref<52x128xf32, #tpu.memory_space<hbm>>) target_semaphore(%arg6 : memref<!tpu.dma_semaphore, #tpu.memory_space<semaphore_mem>>)
    %add3A_194 = arith.constant 52 : i32
    %add3A_195 = arith.addi %min3A_3, %add3A_194 : i32
    %dma_start3A_196 = arith.constant 4 : i32
    %dma_start3A_197 = arith.constant 52 : i32
    %dma_start3A_198 = arith.constant 0 : i32
    %dma_start3A_199 = tpu.memref_slice %arg5[%dma_start3A_197, %dma_start3A_198] : memref<212x128xf32, #tpu.memory_space<vmem>> -> memref<52x128xf32, #tpu.memory_space<vmem>>
    %dma_start3A_200 = arith.constant 0 : i32
    %dma_start3A_201 = tpu.memref_slice %arg3[%add3A_195, %dma_start3A_196, %dma_start3A_200] : memref<6760x8x128xf32, #tpu.memory_space<hbm>> -> memref<52x1x128xf32, #tpu.memory_space<hbm>>
    %dma_start3A_202 = tpu.memref_squeeze %dma_start3A_201 : memref<52x1x128xf32, #tpu.memory_space<hbm>> -> memref<52x128xf32, #tpu.memory_space<hbm>>
    %dma_start3A_203 = arith.constant 0 : i32
    %dma_start3A_204 = tpu.memref_slice %arg3[%add3A_195, %dma_start3A_196, %dma_start3A_203] : memref<6760x8x128xf32, #tpu.memory_space<hbm>> -> memref<52x1x128xf32, #tpu.memory_space<hbm>>
    %dma_start3A_205 = tpu.memref_squeeze %dma_start3A_204 : memref<52x1x128xf32, #tpu.memory_space<hbm>> -> memref<52x128xf32, #tpu.memory_space<hbm>>
    %dma_start3A_206 = arith.constant 52 : i32
    %dma_start3A_207 = arith.constant 0 : i32
    %dma_start3A_208 = tpu.memref_slice %arg5[%dma_start3A_206, %dma_start3A_207] : memref<212x128xf32, #tpu.memory_space<vmem>> -> memref<52x128xf32, #tpu.memory_space<vmem>>
    tpu.enqueue_dma source(%dma_start3A_208 : memref<52x128xf32, #tpu.memory_space<vmem>>) target(%dma_start3A_205 : memref<52x128xf32, #tpu.memory_space<hbm>>) target_semaphore(%arg6 : memref<!tpu.dma_semaphore, #tpu.memory_space<semaphore_mem>>)
    %add3A_209 = arith.constant 52 : i32
    %add3A_210 = arith.addi %min3A_3, %add3A_209 : i32
    %dma_start3A_211 = arith.constant 5 : i32
    %dma_start3A_212 = arith.constant 52 : i32
    %dma_start3A_213 = arith.constant 0 : i32
    %dma_start3A_214 = tpu.memref_slice %arg5[%dma_start3A_212, %dma_start3A_213] : memref<212x128xf32, #tpu.memory_space<vmem>> -> memref<52x128xf32, #tpu.memory_space<vmem>>
    %dma_start3A_215 = arith.constant 0 : i32
    %dma_start3A_216 = tpu.memref_slice %arg3[%add3A_210, %dma_start3A_211, %dma_start3A_215] : memref<6760x8x128xf32, #tpu.memory_space<hbm>> -> memref<52x1x128xf32, #tpu.memory_space<hbm>>
    %dma_start3A_217 = tpu.memref_squeeze %dma_start3A_216 : memref<52x1x128xf32, #tpu.memory_space<hbm>> -> memref<52x128xf32, #tpu.memory_space<hbm>>
    %dma_start3A_218 = arith.constant 0 : i32
    %dma_start3A_219 = tpu.memref_slice %arg3[%add3A_210, %dma_start3A_211, %dma_start3A_218] : memref<6760x8x128xf32, #tpu.memory_space<hbm>> -> memref<52x1x128xf32, #tpu.memory_space<hbm>>
    %dma_start3A_220 = tpu.memref_squeeze %dma_start3A_219 : memref<52x1x128xf32, #tpu.memory_space<hbm>> -> memref<52x128xf32, #tpu.memory_space<hbm>>
    %dma_start3A_221 = arith.constant 52 : i32
    %dma_start3A_222 = arith.constant 0 : i32
    %dma_start3A_223 = tpu.memref_slice %arg5[%dma_start3A_221, %dma_start3A_222] : memref<212x128xf32, #tpu.memory_space<vmem>> -> memref<52x128xf32, #tpu.memory_space<vmem>>
    tpu.enqueue_dma source(%dma_start3A_223 : memref<52x128xf32, #tpu.memory_space<vmem>>) target(%dma_start3A_220 : memref<52x128xf32, #tpu.memory_space<hbm>>) target_semaphore(%arg6 : memref<!tpu.dma_semaphore, #tpu.memory_space<semaphore_mem>>)
    %add3A_224 = arith.constant 52 : i32
    %add3A_225 = arith.addi %min3A_3, %add3A_224 : i32
    %dma_start3A_226 = arith.constant 6 : i32
    %dma_start3A_227 = arith.constant 52 : i32
    %dma_start3A_228 = arith.constant 0 : i32
    %dma_start3A_229 = tpu.memref_slice %arg5[%dma_start3A_227, %dma_start3A_228] : memref<212x128xf32, #tpu.memory_space<vmem>> -> memref<52x128xf32, #tpu.memory_space<vmem>>
    %dma_start3A_230 = arith.constant 0 : i32
    %dma_start3A_231 = tpu.memref_slice %arg3[%add3A_225, %dma_start3A_226, %dma_start3A_230] : memref<6760x8x128xf32, #tpu.memory_space<hbm>> -> memref<52x1x128xf32, #tpu.memory_space<hbm>>
    %dma_start3A_232 = tpu.memref_squeeze %dma_start3A_231 : memref<52x1x128xf32, #tpu.memory_space<hbm>> -> memref<52x128xf32, #tpu.memory_space<hbm>>
    %dma_start3A_233 = arith.constant 0 : i32
    %dma_start3A_234 = tpu.memref_slice %arg3[%add3A_225, %dma_start3A_226, %dma_start3A_233] : memref<6760x8x128xf32, #tpu.memory_space<hbm>> -> memref<52x1x128xf32, #tpu.memory_space<hbm>>
    %dma_start3A_235 = tpu.memref_squeeze %dma_start3A_234 : memref<52x1x128xf32, #tpu.memory_space<hbm>> -> memref<52x128xf32, #tpu.memory_space<hbm>>
    %dma_start3A_236 = arith.constant 52 : i32
    %dma_start3A_237 = arith.constant 0 : i32
    %dma_start3A_238 = tpu.memref_slice %arg5[%dma_start3A_236, %dma_start3A_237] : memref<212x128xf32, #tpu.memory_space<vmem>> -> memref<52x128xf32, #tpu.memory_space<vmem>>
    tpu.enqueue_dma source(%dma_start3A_238 : memref<52x128xf32, #tpu.memory_space<vmem>>) target(%dma_start3A_235 : memref<52x128xf32, #tpu.memory_space<hbm>>) target_semaphore(%arg6 : memref<!tpu.dma_semaphore, #tpu.memory_space<semaphore_mem>>)
    %add3A_239 = arith.constant 52 : i32
    %add3A_240 = arith.addi %min3A_3, %add3A_239 : i32
    %dma_start3A_241 = arith.constant 7 : i32
    %dma_start3A_242 = arith.constant 52 : i32
    %dma_start3A_243 = arith.constant 0 : i32
    %dma_start3A_244 = tpu.memref_slice %arg5[%dma_start3A_242, %dma_start3A_243] : memref<212x128xf32, #tpu.memory_space<vmem>> -> memref<52x128xf32, #tpu.memory_space<vmem>>
    %dma_start3A_245 = arith.constant 0 : i32
    %dma_start3A_246 = tpu.memref_slice %arg3[%add3A_240, %dma_start3A_241, %dma_start3A_245] : memref<6760x8x128xf32, #tpu.memory_space<hbm>> -> memref<52x1x128xf32, #tpu.memory_space<hbm>>
    %dma_start3A_247 = tpu.memref_squeeze %dma_start3A_246 : memref<52x1x128xf32, #tpu.memory_space<hbm>> -> memref<52x128xf32, #tpu.memory_space<hbm>>
    %dma_start3A_248 = arith.constant 0 : i32
    %dma_start3A_249 = tpu.memref_slice %arg3[%add3A_240, %dma_start3A_241, %dma_start3A_248] : memref<6760x8x128xf32, #tpu.memory_space<hbm>> -> memref<52x1x128xf32, #tpu.memory_space<hbm>>
    %dma_start3A_250 = tpu.memref_squeeze %dma_start3A_249 : memref<52x1x128xf32, #tpu.memory_space<hbm>> -> memref<52x128xf32, #tpu.memory_space<hbm>>
    %dma_start3A_251 = arith.constant 52 : i32
    %dma_start3A_252 = arith.constant 0 : i32
    %dma_start3A_253 = tpu.memref_slice %arg5[%dma_start3A_251, %dma_start3A_252] : memref<212x128xf32, #tpu.memory_space<vmem>> -> memref<52x128xf32, #tpu.memory_space<vmem>>
    tpu.enqueue_dma source(%dma_start3A_253 : memref<52x128xf32, #tpu.memory_space<vmem>>) target(%dma_start3A_250 : memref<52x128xf32, #tpu.memory_space<hbm>>) target_semaphore(%arg6 : memref<!tpu.dma_semaphore, #tpu.memory_space<semaphore_mem>>)
    %scan3A_254 = arith.constant 0 : i32
    %scan3A_255 = arith.constant 104 : i32
    %scan3A_256 = arith.constant 52 : i32
    %scan3A_257 = arith.addi %scan3A_255, %scan3A_256 : i32
    %scan3A_258 = arith.constant 1 : i32
    scf.for %scan3A_921 = %scan3A_255 to %scan3A_257 step %scan3A_258  : i32 {
      %add3A_922 = arith.addi %min3A_3, %scan3A_921 : i32
      %rem3A = arith.constant 26 : i32
      %rem3A_923 = arith.remsi %add3A_922, %rem3A : i32
      %div3A = arith.constant 26 : i32
      %div3A_924 = arith.divsi %add3A_922, %div3A : i32
      %rem3A_925 = arith.constant 26 : i32
      %rem3A_926 = arith.remsi %div3A_924, %rem3A_925 : i32
      %div3A_927 = arith.constant 676 : i32
      %div3A_928 = arith.divsi %add3A_922, %div3A_927 : i32
      %mul3A_929 = arith.constant 44 : i32
      %mul3A_930 = arith.muli %mul3A_929, %rem3A_923 : i32
      %mul3A_931 = arith.constant 44 : i32
      %mul3A_932 = arith.muli %mul3A_931, %rem3A_926 : i32
      %add3A_933 = arith.constant 1100 : i32
      %add3A_934 = arith.addi %add3A_933, %mul3A_932 : i32
      %mul3A_935 = arith.constant 44 : i32
      %mul3A_936 = arith.muli %mul3A_935, %div3A_928 : i32
      %add3A_937 = arith.constant 2200 : i32
      %add3A_938 = arith.addi %add3A_937, %mul3A_936 : i32
      %iota3A = tpu.iota {dimensions = array<i32: 0>} : vector<16xi32>
      %add3A_939 = arith.constant 0 : i32
      %add3A_940 = vector.broadcast %add3A_939 : i32 to vector<16xi32>
      %add3A_941 = arith.addi %iota3A, %add3A_940 : vector<16xi32>
      %broadcast_in_dim3A = vector.broadcast %mul3A_930 : i32 to vector<16xi32>
      %add3A_942 = arith.addi %add3A_941, %broadcast_in_dim3A : vector<16xi32>
      %gather3A = tpu.vector_load_idx %arg4[%add3A_942] : memref<2728xf32, #tpu.memory_space<vmem>>[vector<16xi32>], vector<16xf32>,
      %swap3A = arith.index_cast %scan3A_921 : i32 to index
      %swap3A_943 = arith.constant 0 : index
      %swap3A_944 = tpu.vector_load %arg5[%swap3A, %swap3A_943] {strides = array<i32>} : memref<212x128xf32, #tpu.memory_space<vmem>>, vector<16xf32>,
      tpu.vector_store %arg5[%swap3A, %swap3A_943], %gather3A {strides = array<i32>} : memref<212x128xf32, #tpu.memory_space<vmem>>, vector<16xf32>,
      %iota3A_945 = tpu.iota {dimensions = array<i32: 0>} : vector<16xi32>
      %add3A_946 = arith.constant 16 : i32
      %add3A_947 = vector.broadcast %add3A_946 : i32 to vector<16xi32>
      %add3A_948 = arith.addi %iota3A_945, %add3A_947 : vector<16xi32>
      %broadcast_in_dim3A_949 = vector.broadcast %mul3A_930 : i32 to vector<16xi32>
      %add3A_950 = arith.addi %add3A_948, %broadcast_in_dim3A_949 : vector<16xi32>
      %gather3A_951 = tpu.vector_load_idx %arg4[%add3A_950] : memref<2728xf32, #tpu.memory_space<vmem>>[vector<16xi32>], vector<16xf32>,
      %swap3A_952 = arith.index_cast %scan3A_921 : i32 to index
      %swap3A_953 = arith.constant 16 : index
      %swap3A_954 = tpu.vector_load %arg5[%swap3A_952, %swap3A_953] {strides = array<i32>} : memref<212x128xf32, #tpu.memory_space<vmem>>, vector<16xf32>,
      tpu.vector_store %arg5[%swap3A_952, %swap3A_953], %gather3A_951 {strides = array<i32>} : memref<212x128xf32, #tpu.memory_space<vmem>>, vector<16xf32>,
      %iota3A_955 = tpu.iota {dimensions = array<i32: 0>} : vector<16xi32>
      %add3A_956 = arith.constant 32 : i32
      %add3A_957 = vector.broadcast %add3A_956 : i32 to vector<16xi32>
      %add3A_958 = arith.addi %iota3A_955, %add3A_957 : vector<16xi32>
      %lt3A = arith.constant 44 : i32
      %lt3A_959 = vector.broadcast %lt3A : i32 to vector<16xi32>
      %lt3A_960 = arith.cmpi slt, %add3A_958, %lt3A_959 : vector<16xi32>
      %broadcast_in_dim3A_961 = vector.broadcast %mul3A_930 : i32 to vector<16xi32>
      %broadcast_in_dim3A_962 = vector.broadcast %add3A_934 : i32 to vector<16xi32>
      %select_n3A = arith.select %lt3A_960, %broadcast_in_dim3A_961, %broadcast_in_dim3A_962 : vector<16xi1>, vector<16xi32>
      %add3A_963 = arith.addi %add3A_958, %select_n3A : vector<16xi32>
      %gather3A_964 = tpu.vector_load_idx %arg4[%add3A_963] : memref<2728xf32, #tpu.memory_space<vmem>>[vector<16xi32>], vector<16xf32>,
      %swap3A_965 = arith.index_cast %scan3A_921 : i32 to index
      %swap3A_966 = arith.constant 32 : index
      %swap3A_967 = tpu.vector_load %arg5[%swap3A_965, %swap3A_966] {strides = array<i32>} : memref<212x128xf32, #tpu.memory_space<vmem>>, vector<16xf32>,
      tpu.vector_store %arg5[%swap3A_965, %swap3A_966], %gather3A_964 {strides = array<i32>} : memref<212x128xf32, #tpu.memory_space<vmem>>, vector<16xf32>,
      %iota3A_968 = tpu.iota {dimensions = array<i32: 0>} : vector<16xi32>
      %add3A_969 = arith.constant 48 : i32
      %add3A_970 = vector.broadcast %add3A_969 : i32 to vector<16xi32>
      %add3A_971 = arith.addi %iota3A_968, %add3A_970 : vector<16xi32>
      %broadcast_in_dim3A_972 = vector.broadcast %add3A_934 : i32 to vector<16xi32>
      %add3A_973 = arith.addi %add3A_971, %broadcast_in_dim3A_972 : vector<16xi32>
      %gather3A_974 = tpu.vector_load_idx %arg4[%add3A_973] : memref<2728xf32, #tpu.memory_space<vmem>>[vector<16xi32>], vector<16xf32>,
      %swap3A_975 = arith.index_cast %scan3A_921 : i32 to index
      %swap3A_976 = arith.constant 48 : index
      %swap3A_977 = tpu.vector_load %arg5[%swap3A_975, %swap3A_976] {strides = array<i32>} : memref<212x128xf32, #tpu.memory_space<vmem>>, vector<16xf32>,
      tpu.vector_store %arg5[%swap3A_975, %swap3A_976], %gather3A_974 {strides = array<i32>} : memref<212x128xf32, #tpu.memory_space<vmem>>, vector<16xf32>,
      %iota3A_978 = tpu.iota {dimensions = array<i32: 0>} : vector<16xi32>
      %add3A_979 = arith.constant 64 : i32
      %add3A_980 = vector.broadcast %add3A_979 : i32 to vector<16xi32>
      %add3A_981 = arith.addi %iota3A_978, %add3A_980 : vector<16xi32>
      %broadcast_in_dim3A_982 = vector.broadcast %add3A_934 : i32 to vector<16xi32>
      %add3A_983 = arith.addi %add3A_981, %broadcast_in_dim3A_982 : vector<16xi32>
      %gather3A_984 = tpu.vector_load_idx %arg4[%add3A_983] : memref<2728xf32, #tpu.memory_space<vmem>>[vector<16xi32>], vector<16xf32>,
      %swap3A_985 = arith.index_cast %scan3A_921 : i32 to index
      %swap3A_986 = arith.constant 64 : index
      %swap3A_987 = tpu.vector_load %arg5[%swap3A_985, %swap3A_986] {strides = array<i32>} : memref<212x128xf32, #tpu.memory_space<vmem>>, vector<16xf32>,
      tpu.vector_store %arg5[%swap3A_985, %swap3A_986], %gather3A_984 {strides = array<i32>} : memref<212x128xf32, #tpu.memory_space<vmem>>, vector<16xf32>,
      %iota3A_988 = tpu.iota {dimensions = array<i32: 0>} : vector<16xi32>
      %add3A_989 = arith.constant 80 : i32
      %add3A_990 = vector.broadcast %add3A_989 : i32 to vector<16xi32>
      %add3A_991 = arith.addi %iota3A_988, %add3A_990 : vector<16xi32>
      %lt3A_992 = arith.constant 88 : i32
      %lt3A_993 = vector.broadcast %lt3A_992 : i32 to vector<16xi32>
      %lt3A_994 = arith.cmpi slt, %add3A_991, %lt3A_993 : vector<16xi32>
      %broadcast_in_dim3A_995 = vector.broadcast %add3A_934 : i32 to vector<16xi32>
      %broadcast_in_dim3A_996 = vector.broadcast %add3A_938 : i32 to vector<16xi32>
      %select_n3A_997 = arith.select %lt3A_994, %broadcast_in_dim3A_995, %broadcast_in_dim3A_996 : vector<16xi1>, vector<16xi32>
      %add3A_998 = arith.addi %add3A_991, %select_n3A_997 : vector<16xi32>
      %gather3A_999 = tpu.vector_load_idx %arg4[%add3A_998] : memref<2728xf32, #tpu.memory_space<vmem>>[vector<16xi32>], vector<16xf32>,
      %swap3A_1000 = arith.index_cast %scan3A_921 : i32 to index
      %swap3A_1001 = arith.constant 80 : index
      %swap3A_1002 = tpu.vector_load %arg5[%swap3A_1000, %swap3A_1001] {strides = array<i32>} : memref<212x128xf32, #tpu.memory_space<vmem>>, vector<16xf32>,
      tpu.vector_store %arg5[%swap3A_1000, %swap3A_1001], %gather3A_999 {strides = array<i32>} : memref<212x128xf32, #tpu.memory_space<vmem>>, vector<16xf32>,
      %iota3A_1003 = tpu.iota {dimensions = array<i32: 0>} : vector<16xi32>
      %add3A_1004 = arith.constant 96 : i32
      %add3A_1005 = vector.broadcast %add3A_1004 : i32 to vector<16xi32>
      %add3A_1006 = arith.addi %iota3A_1003, %add3A_1005 : vector<16xi32>
      %broadcast_in_dim3A_1007 = vector.broadcast %add3A_938 : i32 to vector<16xi32>
      %add3A_1008 = arith.addi %add3A_1006, %broadcast_in_dim3A_1007 : vector<16xi32>
      %gather3A_1009 = tpu.vector_load_idx %arg4[%add3A_1008] : memref<2728xf32, #tpu.memory_space<vmem>>[vector<16xi32>], vector<16xf32>,
      %swap3A_1010 = arith.index_cast %scan3A_921 : i32 to index
      %swap3A_1011 = arith.constant 96 : index
      %swap3A_1012 = tpu.vector_load %arg5[%swap3A_1010, %swap3A_1011] {strides = array<i32>} : memref<212x128xf32, #tpu.memory_space<vmem>>, vector<16xf32>,
      tpu.vector_store %arg5[%swap3A_1010, %swap3A_1011], %gather3A_1009 {strides = array<i32>} : memref<212x128xf32, #tpu.memory_space<vmem>>, vector<16xf32>,
      %iota3A_1013 = tpu.iota {dimensions = array<i32: 0>} : vector<16xi32>
      %add3A_1014 = arith.constant 112 : i32
      %add3A_1015 = vector.broadcast %add3A_1014 : i32 to vector<16xi32>
      %add3A_1016 = arith.addi %iota3A_1013, %add3A_1015 : vector<16xi32>
      %broadcast_in_dim3A_1017 = vector.broadcast %add3A_938 : i32 to vector<16xi32>
      %add3A_1018 = arith.addi %add3A_1016, %broadcast_in_dim3A_1017 : vector<16xi32>
      %gather3A_1019 = tpu.vector_load_idx %arg4[%add3A_1018] : memref<2728xf32, #tpu.memory_space<vmem>>[vector<16xi32>], vector<16xf32>,
      %swap3A_1020 = arith.index_cast %scan3A_921 : i32 to index
      %swap3A_1021 = arith.constant 112 : index
      %swap3A_1022 = tpu.vector_load %arg5[%swap3A_1020, %swap3A_1021] {strides = array<i32>} : memref<212x128xf32, #tpu.memory_space<vmem>>, vector<16xf32>,
      tpu.vector_store %arg5[%swap3A_1020, %swap3A_1021], %gather3A_1019 {strides = array<i32>} : memref<212x128xf32, #tpu.memory_space<vmem>>, vector<16xf32>,
    }
    %scan3A_259 = arith.constant 52 : i32
    %add3A_260 = arith.constant 104 : i32
    %add3A_261 = arith.addi %min3A_3, %add3A_260 : i32
    %dma_start3A_262 = arith.constant 0 : i32
    %dma_start3A_263 = arith.constant 104 : i32
    %dma_start3A_264 = arith.constant 0 : i32
    %dma_start3A_265 = tpu.memref_slice %arg5[%dma_start3A_263, %dma_start3A_264] : memref<212x128xf32, #tpu.memory_space<vmem>> -> memref<52x128xf32, #tpu.memory_space<vmem>>
    %dma_start3A_266 = arith.constant 0 : i32
    %dma_start3A_267 = tpu.memref_slice %arg3[%add3A_261, %dma_start3A_262, %dma_start3A_266] : memref<6760x8x128xf32, #tpu.memory_space<hbm>> -> memref<52x1x128xf32, #tpu.memory_space<hbm>>
    %dma_start3A_268 = tpu.memref_squeeze %dma_start3A_267 : memref<52x1x128xf32, #tpu.memory_space<hbm>> -> memref<52x128xf32, #tpu.memory_space<hbm>>
    %dma_start3A_269 = arith.constant 0 : i32
    %dma_start3A_270 = tpu.memref_slice %arg3[%add3A_261, %dma_start3A_262, %dma_start3A_269] : memref<6760x8x128xf32, #tpu.memory_space<hbm>> -> memref<52x1x128xf32, #tpu.memory_space<hbm>>
    %dma_start3A_271 = tpu.memref_squeeze %dma_start3A_270 : memref<52x1x128xf32, #tpu.memory_space<hbm>> -> memref<52x128xf32, #tpu.memory_space<hbm>>
    %dma_start3A_272 = arith.constant 104 : i32
    %dma_start3A_273 = arith.constant 0 : i32
    %dma_start3A_274 = tpu.memref_slice %arg5[%dma_start3A_272, %dma_start3A_273] : memref<212x128xf32, #tpu.memory_space<vmem>> -> memref<52x128xf32, #tpu.memory_space<vmem>>
    tpu.enqueue_dma source(%dma_start3A_274 : memref<52x128xf32, #tpu.memory_space<vmem>>) target(%dma_start3A_271 : memref<52x128xf32, #tpu.memory_space<hbm>>) target_semaphore(%arg6 : memref<!tpu.dma_semaphore, #tpu.memory_space<semaphore_mem>>)
    %add3A_275 = arith.constant 104 : i32
    %add3A_276 = arith.addi %min3A_3, %add3A_275 : i32
    %dma_start3A_277 = arith.constant 1 : i32
    %dma_start3A_278 = arith.constant 104 : i32
    %dma_start3A_279 = arith.constant 0 : i32
    %dma_start3A_280 = tpu.memref_slice %arg5[%dma_start3A_278, %dma_start3A_279] : memref<212x128xf32, #tpu.memory_space<vmem>> -> memref<52x128xf32, #tpu.memory_space<vmem>>
    %dma_start3A_281 = arith.constant 0 : i32
    %dma_start3A_282 = tpu.memref_slice %arg3[%add3A_276, %dma_start3A_277, %dma_start3A_281] : memref<6760x8x128xf32, #tpu.memory_space<hbm>> -> memref<52x1x128xf32, #tpu.memory_space<hbm>>
    %dma_start3A_283 = tpu.memref_squeeze %dma_start3A_282 : memref<52x1x128xf32, #tpu.memory_space<hbm>> -> memref<52x128xf32, #tpu.memory_space<hbm>>
    %dma_start3A_284 = arith.constant 0 : i32
    %dma_start3A_285 = tpu.memref_slice %arg3[%add3A_276, %dma_start3A_277, %dma_start3A_284] : memref<6760x8x128xf32, #tpu.memory_space<hbm>> -> memref<52x1x128xf32, #tpu.memory_space<hbm>>
    %dma_start3A_286 = tpu.memref_squeeze %dma_start3A_285 : memref<52x1x128xf32, #tpu.memory_space<hbm>> -> memref<52x128xf32, #tpu.memory_space<hbm>>
    %dma_start3A_287 = arith.constant 104 : i32
    %dma_start3A_288 = arith.constant 0 : i32
    %dma_start3A_289 = tpu.memref_slice %arg5[%dma_start3A_287, %dma_start3A_288] : memref<212x128xf32, #tpu.memory_space<vmem>> -> memref<52x128xf32, #tpu.memory_space<vmem>>
    tpu.enqueue_dma source(%dma_start3A_289 : memref<52x128xf32, #tpu.memory_space<vmem>>) target(%dma_start3A_286 : memref<52x128xf32, #tpu.memory_space<hbm>>) target_semaphore(%arg6 : memref<!tpu.dma_semaphore, #tpu.memory_space<semaphore_mem>>)
    %add3A_290 = arith.constant 104 : i32
    %add3A_291 = arith.addi %min3A_3, %add3A_290 : i32
    %dma_start3A_292 = arith.constant 2 : i32
    %dma_start3A_293 = arith.constant 104 : i32
    %dma_start3A_294 = arith.constant 0 : i32
    %dma_start3A_295 = tpu.memref_slice %arg5[%dma_start3A_293, %dma_start3A_294] : memref<212x128xf32, #tpu.memory_space<vmem>> -> memref<52x128xf32, #tpu.memory_space<vmem>>
    %dma_start3A_296 = arith.constant 0 : i32
    %dma_start3A_297 = tpu.memref_slice %arg3[%add3A_291, %dma_start3A_292, %dma_start3A_296] : memref<6760x8x128xf32, #tpu.memory_space<hbm>> -> memref<52x1x128xf32, #tpu.memory_space<hbm>>
    %dma_start3A_298 = tpu.memref_squeeze %dma_start3A_297 : memref<52x1x128xf32, #tpu.memory_space<hbm>> -> memref<52x128xf32, #tpu.memory_space<hbm>>
    %dma_start3A_299 = arith.constant 0 : i32
    %dma_start3A_300 = tpu.memref_slice %arg3[%add3A_291, %dma_start3A_292, %dma_start3A_299] : memref<6760x8x128xf32, #tpu.memory_space<hbm>> -> memref<52x1x128xf32, #tpu.memory_space<hbm>>
    %dma_start3A_301 = tpu.memref_squeeze %dma_start3A_300 : memref<52x1x128xf32, #tpu.memory_space<hbm>> -> memref<52x128xf32, #tpu.memory_space<hbm>>
    %dma_start3A_302 = arith.constant 104 : i32
    %dma_start3A_303 = arith.constant 0 : i32
    %dma_start3A_304 = tpu.memref_slice %arg5[%dma_start3A_302, %dma_start3A_303] : memref<212x128xf32, #tpu.memory_space<vmem>> -> memref<52x128xf32, #tpu.memory_space<vmem>>
    tpu.enqueue_dma source(%dma_start3A_304 : memref<52x128xf32, #tpu.memory_space<vmem>>) target(%dma_start3A_301 : memref<52x128xf32, #tpu.memory_space<hbm>>) target_semaphore(%arg6 : memref<!tpu.dma_semaphore, #tpu.memory_space<semaphore_mem>>)
    %add3A_305 = arith.constant 104 : i32
    %add3A_306 = arith.addi %min3A_3, %add3A_305 : i32
    %dma_start3A_307 = arith.constant 3 : i32
    %dma_start3A_308 = arith.constant 104 : i32
    %dma_start3A_309 = arith.constant 0 : i32
    %dma_start3A_310 = tpu.memref_slice %arg5[%dma_start3A_308, %dma_start3A_309] : memref<212x128xf32, #tpu.memory_space<vmem>> -> memref<52x128xf32, #tpu.memory_space<vmem>>
    %dma_start3A_311 = arith.constant 0 : i32
    %dma_start3A_312 = tpu.memref_slice %arg3[%add3A_306, %dma_start3A_307, %dma_start3A_311] : memref<6760x8x128xf32, #tpu.memory_space<hbm>> -> memref<52x1x128xf32, #tpu.memory_space<hbm>>
    %dma_start3A_313 = tpu.memref_squeeze %dma_start3A_312 : memref<52x1x128xf32, #tpu.memory_space<hbm>> -> memref<52x128xf32, #tpu.memory_space<hbm>>
    %dma_start3A_314 = arith.constant 0 : i32
    %dma_start3A_315 = tpu.memref_slice %arg3[%add3A_306, %dma_start3A_307, %dma_start3A_314] : memref<6760x8x128xf32, #tpu.memory_space<hbm>> -> memref<52x1x128xf32, #tpu.memory_space<hbm>>
    %dma_start3A_316 = tpu.memref_squeeze %dma_start3A_315 : memref<52x1x128xf32, #tpu.memory_space<hbm>> -> memref<52x128xf32, #tpu.memory_space<hbm>>
    %dma_start3A_317 = arith.constant 104 : i32
    %dma_start3A_318 = arith.constant 0 : i32
    %dma_start3A_319 = tpu.memref_slice %arg5[%dma_start3A_317, %dma_start3A_318] : memref<212x128xf32, #tpu.memory_space<vmem>> -> memref<52x128xf32, #tpu.memory_space<vmem>>
    tpu.enqueue_dma source(%dma_start3A_319 : memref<52x128xf32, #tpu.memory_space<vmem>>) target(%dma_start3A_316 : memref<52x128xf32, #tpu.memory_space<hbm>>) target_semaphore(%arg6 : memref<!tpu.dma_semaphore, #tpu.memory_space<semaphore_mem>>)
    %add3A_320 = arith.constant 104 : i32
    %add3A_321 = arith.addi %min3A_3, %add3A_320 : i32
    %dma_start3A_322 = arith.constant 4 : i32
    %dma_start3A_323 = arith.constant 104 : i32
    %dma_start3A_324 = arith.constant 0 : i32
    %dma_start3A_325 = tpu.memref_slice %arg5[%dma_start3A_323, %dma_start3A_324] : memref<212x128xf32, #tpu.memory_space<vmem>> -> memref<52x128xf32, #tpu.memory_space<vmem>>
    %dma_start3A_326 = arith.constant 0 : i32
    %dma_start3A_327 = tpu.memref_slice %arg3[%add3A_321, %dma_start3A_322, %dma_start3A_326] : memref<6760x8x128xf32, #tpu.memory_space<hbm>> -> memref<52x1x128xf32, #tpu.memory_space<hbm>>
    %dma_start3A_328 = tpu.memref_squeeze %dma_start3A_327 : memref<52x1x128xf32, #tpu.memory_space<hbm>> -> memref<52x128xf32, #tpu.memory_space<hbm>>
    %dma_start3A_329 = arith.constant 0 : i32
    %dma_start3A_330 = tpu.memref_slice %arg3[%add3A_321, %dma_start3A_322, %dma_start3A_329] : memref<6760x8x128xf32, #tpu.memory_space<hbm>> -> memref<52x1x128xf32, #tpu.memory_space<hbm>>
    %dma_start3A_331 = tpu.memref_squeeze %dma_start3A_330 : memref<52x1x128xf32, #tpu.memory_space<hbm>> -> memref<52x128xf32, #tpu.memory_space<hbm>>
    %dma_start3A_332 = arith.constant 104 : i32
    %dma_start3A_333 = arith.constant 0 : i32
    %dma_start3A_334 = tpu.memref_slice %arg5[%dma_start3A_332, %dma_start3A_333] : memref<212x128xf32, #tpu.memory_space<vmem>> -> memref<52x128xf32, #tpu.memory_space<vmem>>
    tpu.enqueue_dma source(%dma_start3A_334 : memref<52x128xf32, #tpu.memory_space<vmem>>) target(%dma_start3A_331 : memref<52x128xf32, #tpu.memory_space<hbm>>) target_semaphore(%arg6 : memref<!tpu.dma_semaphore, #tpu.memory_space<semaphore_mem>>)
    %add3A_335 = arith.constant 104 : i32
    %add3A_336 = arith.addi %min3A_3, %add3A_335 : i32
    %dma_start3A_337 = arith.constant 5 : i32
    %dma_start3A_338 = arith.constant 104 : i32
    %dma_start3A_339 = arith.constant 0 : i32
    %dma_start3A_340 = tpu.memref_slice %arg5[%dma_start3A_338, %dma_start3A_339] : memref<212x128xf32, #tpu.memory_space<vmem>> -> memref<52x128xf32, #tpu.memory_space<vmem>>
    %dma_start3A_341 = arith.constant 0 : i32
    %dma_start3A_342 = tpu.memref_slice %arg3[%add3A_336, %dma_start3A_337, %dma_start3A_341] : memref<6760x8x128xf32, #tpu.memory_space<hbm>> -> memref<52x1x128xf32, #tpu.memory_space<hbm>>
    %dma_start3A_343 = tpu.memref_squeeze %dma_start3A_342 : memref<52x1x128xf32, #tpu.memory_space<hbm>> -> memref<52x128xf32, #tpu.memory_space<hbm>>
    %dma_start3A_344 = arith.constant 0 : i32
    %dma_start3A_345 = tpu.memref_slice %arg3[%add3A_336, %dma_start3A_337, %dma_start3A_344] : memref<6760x8x128xf32, #tpu.memory_space<hbm>> -> memref<52x1x128xf32, #tpu.memory_space<hbm>>
    %dma_start3A_346 = tpu.memref_squeeze %dma_start3A_345 : memref<52x1x128xf32, #tpu.memory_space<hbm>> -> memref<52x128xf32, #tpu.memory_space<hbm>>
    %dma_start3A_347 = arith.constant 104 : i32
    %dma_start3A_348 = arith.constant 0 : i32
    %dma_start3A_349 = tpu.memref_slice %arg5[%dma_start3A_347, %dma_start3A_348] : memref<212x128xf32, #tpu.memory_space<vmem>> -> memref<52x128xf32, #tpu.memory_space<vmem>>
    tpu.enqueue_dma source(%dma_start3A_349 : memref<52x128xf32, #tpu.memory_space<vmem>>) target(%dma_start3A_346 : memref<52x128xf32, #tpu.memory_space<hbm>>) target_semaphore(%arg6 : memref<!tpu.dma_semaphore, #tpu.memory_space<semaphore_mem>>)
    %add3A_350 = arith.constant 104 : i32
    %add3A_351 = arith.addi %min3A_3, %add3A_350 : i32
    %dma_start3A_352 = arith.constant 6 : i32
    %dma_start3A_353 = arith.constant 104 : i32
    %dma_start3A_354 = arith.constant 0 : i32
    %dma_start3A_355 = tpu.memref_slice %arg5[%dma_start3A_353, %dma_start3A_354] : memref<212x128xf32, #tpu.memory_space<vmem>> -> memref<52x128xf32, #tpu.memory_space<vmem>>
    %dma_start3A_356 = arith.constant 0 : i32
    %dma_start3A_357 = tpu.memref_slice %arg3[%add3A_351, %dma_start3A_352, %dma_start3A_356] : memref<6760x8x128xf32, #tpu.memory_space<hbm>> -> memref<52x1x128xf32, #tpu.memory_space<hbm>>
    %dma_start3A_358 = tpu.memref_squeeze %dma_start3A_357 : memref<52x1x128xf32, #tpu.memory_space<hbm>> -> memref<52x128xf32, #tpu.memory_space<hbm>>
    %dma_start3A_359 = arith.constant 0 : i32
    %dma_start3A_360 = tpu.memref_slice %arg3[%add3A_351, %dma_start3A_352, %dma_start3A_359] : memref<6760x8x128xf32, #tpu.memory_space<hbm>> -> memref<52x1x128xf32, #tpu.memory_space<hbm>>
    %dma_start3A_361 = tpu.memref_squeeze %dma_start3A_360 : memref<52x1x128xf32, #tpu.memory_space<hbm>> -> memref<52x128xf32, #tpu.memory_space<hbm>>
    %dma_start3A_362 = arith.constant 104 : i32
    %dma_start3A_363 = arith.constant 0 : i32
    %dma_start3A_364 = tpu.memref_slice %arg5[%dma_start3A_362, %dma_start3A_363] : memref<212x128xf32, #tpu.memory_space<vmem>> -> memref<52x128xf32, #tpu.memory_space<vmem>>
    tpu.enqueue_dma source(%dma_start3A_364 : memref<52x128xf32, #tpu.memory_space<vmem>>) target(%dma_start3A_361 : memref<52x128xf32, #tpu.memory_space<hbm>>) target_semaphore(%arg6 : memref<!tpu.dma_semaphore, #tpu.memory_space<semaphore_mem>>)
    %add3A_365 = arith.constant 104 : i32
    %add3A_366 = arith.addi %min3A_3, %add3A_365 : i32
    %dma_start3A_367 = arith.constant 7 : i32
    %dma_start3A_368 = arith.constant 104 : i32
    %dma_start3A_369 = arith.constant 0 : i32
    %dma_start3A_370 = tpu.memref_slice %arg5[%dma_start3A_368, %dma_start3A_369] : memref<212x128xf32, #tpu.memory_space<vmem>> -> memref<52x128xf32, #tpu.memory_space<vmem>>
    %dma_start3A_371 = arith.constant 0 : i32
    %dma_start3A_372 = tpu.memref_slice %arg3[%add3A_366, %dma_start3A_367, %dma_start3A_371] : memref<6760x8x128xf32, #tpu.memory_space<hbm>> -> memref<52x1x128xf32, #tpu.memory_space<hbm>>
    %dma_start3A_373 = tpu.memref_squeeze %dma_start3A_372 : memref<52x1x128xf32, #tpu.memory_space<hbm>> -> memref<52x128xf32, #tpu.memory_space<hbm>>
    %dma_start3A_374 = arith.constant 0 : i32
    %dma_start3A_375 = tpu.memref_slice %arg3[%add3A_366, %dma_start3A_367, %dma_start3A_374] : memref<6760x8x128xf32, #tpu.memory_space<hbm>> -> memref<52x1x128xf32, #tpu.memory_space<hbm>>
    %dma_start3A_376 = tpu.memref_squeeze %dma_start3A_375 : memref<52x1x128xf32, #tpu.memory_space<hbm>> -> memref<52x128xf32, #tpu.memory_space<hbm>>
    %dma_start3A_377 = arith.constant 104 : i32
    %dma_start3A_378 = arith.constant 0 : i32
    %dma_start3A_379 = tpu.memref_slice %arg5[%dma_start3A_377, %dma_start3A_378] : memref<212x128xf32, #tpu.memory_space<vmem>> -> memref<52x128xf32, #tpu.memory_space<vmem>>
    tpu.enqueue_dma source(%dma_start3A_379 : memref<52x128xf32, #tpu.memory_space<vmem>>) target(%dma_start3A_376 : memref<52x128xf32, #tpu.memory_space<hbm>>) target_semaphore(%arg6 : memref<!tpu.dma_semaphore, #tpu.memory_space<semaphore_mem>>)
    %scan3A_380 = arith.constant 0 : i32
    %scan3A_381 = arith.constant 156 : i32
    %scan3A_382 = arith.constant 56 : i32
    %scan3A_383 = arith.addi %scan3A_381, %scan3A_382 : i32
    %scan3A_384 = arith.constant 1 : i32
    scf.for %scan3A_921 = %scan3A_381 to %scan3A_383 step %scan3A_384  : i32 {
      %add3A_922 = arith.addi %min3A_3, %scan3A_921 : i32
      %rem3A = arith.constant 26 : i32
      %rem3A_923 = arith.remsi %add3A_922, %rem3A : i32
      %div3A = arith.constant 26 : i32
      %div3A_924 = arith.divsi %add3A_922, %div3A : i32
      %rem3A_925 = arith.constant 26 : i32
      %rem3A_926 = arith.remsi %div3A_924, %rem3A_925 : i32
      %div3A_927 = arith.constant 676 : i32
      %div3A_928 = arith.divsi %add3A_922, %div3A_927 : i32
      %mul3A_929 = arith.constant 44 : i32
      %mul3A_930 = arith.muli %mul3A_929, %rem3A_923 : i32
      %mul3A_931 = arith.constant 44 : i32
      %mul3A_932 = arith.muli %mul3A_931, %rem3A_926 : i32
      %add3A_933 = arith.constant 1100 : i32
      %add3A_934 = arith.addi %add3A_933, %mul3A_932 : i32
      %mul3A_935 = arith.constant 44 : i32
      %mul3A_936 = arith.muli %mul3A_935, %div3A_928 : i32
      %add3A_937 = arith.constant 2200 : i32
      %add3A_938 = arith.addi %add3A_937, %mul3A_936 : i32
      %iota3A = tpu.iota {dimensions = array<i32: 0>} : vector<16xi32>
      %add3A_939 = arith.constant 0 : i32
      %add3A_940 = vector.broadcast %add3A_939 : i32 to vector<16xi32>
      %add3A_941 = arith.addi %iota3A, %add3A_940 : vector<16xi32>
      %broadcast_in_dim3A = vector.broadcast %mul3A_930 : i32 to vector<16xi32>
      %add3A_942 = arith.addi %add3A_941, %broadcast_in_dim3A : vector<16xi32>
      %gather3A = tpu.vector_load_idx %arg4[%add3A_942] : memref<2728xf32, #tpu.memory_space<vmem>>[vector<16xi32>], vector<16xf32>,
      %swap3A = arith.index_cast %scan3A_921 : i32 to index
      %swap3A_943 = arith.constant 0 : index
      %swap3A_944 = tpu.vector_load %arg5[%swap3A, %swap3A_943] {strides = array<i32>} : memref<212x128xf32, #tpu.memory_space<vmem>>, vector<16xf32>,
      tpu.vector_store %arg5[%swap3A, %swap3A_943], %gather3A {strides = array<i32>} : memref<212x128xf32, #tpu.memory_space<vmem>>, vector<16xf32>,
      %iota3A_945 = tpu.iota {dimensions = array<i32: 0>} : vector<16xi32>
      %add3A_946 = arith.constant 16 : i32
      %add3A_947 = vector.broadcast %add3A_946 : i32 to vector<16xi32>
      %add3A_948 = arith.addi %iota3A_945, %add3A_947 : vector<16xi32>
      %broadcast_in_dim3A_949 = vector.broadcast %mul3A_930 : i32 to vector<16xi32>
      %add3A_950 = arith.addi %add3A_948, %broadcast_in_dim3A_949 : vector<16xi32>
      %gather3A_951 = tpu.vector_load_idx %arg4[%add3A_950] : memref<2728xf32, #tpu.memory_space<vmem>>[vector<16xi32>], vector<16xf32>,
      %swap3A_952 = arith.index_cast %scan3A_921 : i32 to index
      %swap3A_953 = arith.constant 16 : index
      %swap3A_954 = tpu.vector_load %arg5[%swap3A_952, %swap3A_953] {strides = array<i32>} : memref<212x128xf32, #tpu.memory_space<vmem>>, vector<16xf32>,
      tpu.vector_store %arg5[%swap3A_952, %swap3A_953], %gather3A_951 {strides = array<i32>} : memref<212x128xf32, #tpu.memory_space<vmem>>, vector<16xf32>,
      %iota3A_955 = tpu.iota {dimensions = array<i32: 0>} : vector<16xi32>
      %add3A_956 = arith.constant 32 : i32
      %add3A_957 = vector.broadcast %add3A_956 : i32 to vector<16xi32>
      %add3A_958 = arith.addi %iota3A_955, %add3A_957 : vector<16xi32>
      %lt3A = arith.constant 44 : i32
      %lt3A_959 = vector.broadcast %lt3A : i32 to vector<16xi32>
      %lt3A_960 = arith.cmpi slt, %add3A_958, %lt3A_959 : vector<16xi32>
      %broadcast_in_dim3A_961 = vector.broadcast %mul3A_930 : i32 to vector<16xi32>
      %broadcast_in_dim3A_962 = vector.broadcast %add3A_934 : i32 to vector<16xi32>
      %select_n3A = arith.select %lt3A_960, %broadcast_in_dim3A_961, %broadcast_in_dim3A_962 : vector<16xi1>, vector<16xi32>
      %add3A_963 = arith.addi %add3A_958, %select_n3A : vector<16xi32>
      %gather3A_964 = tpu.vector_load_idx %arg4[%add3A_963] : memref<2728xf32, #tpu.memory_space<vmem>>[vector<16xi32>], vector<16xf32>,
      %swap3A_965 = arith.index_cast %scan3A_921 : i32 to index
      %swap3A_966 = arith.constant 32 : index
      %swap3A_967 = tpu.vector_load %arg5[%swap3A_965, %swap3A_966] {strides = array<i32>} : memref<212x128xf32, #tpu.memory_space<vmem>>, vector<16xf32>,
      tpu.vector_store %arg5[%swap3A_965, %swap3A_966], %gather3A_964 {strides = array<i32>} : memref<212x128xf32, #tpu.memory_space<vmem>>, vector<16xf32>,
      %iota3A_968 = tpu.iota {dimensions = array<i32: 0>} : vector<16xi32>
      %add3A_969 = arith.constant 48 : i32
      %add3A_970 = vector.broadcast %add3A_969 : i32 to vector<16xi32>
      %add3A_971 = arith.addi %iota3A_968, %add3A_970 : vector<16xi32>
      %broadcast_in_dim3A_972 = vector.broadcast %add3A_934 : i32 to vector<16xi32>
      %add3A_973 = arith.addi %add3A_971, %broadcast_in_dim3A_972 : vector<16xi32>
      %gather3A_974 = tpu.vector_load_idx %arg4[%add3A_973] : memref<2728xf32, #tpu.memory_space<vmem>>[vector<16xi32>], vector<16xf32>,
      %swap3A_975 = arith.index_cast %scan3A_921 : i32 to index
      %swap3A_976 = arith.constant 48 : index
      %swap3A_977 = tpu.vector_load %arg5[%swap3A_975, %swap3A_976] {strides = array<i32>} : memref<212x128xf32, #tpu.memory_space<vmem>>, vector<16xf32>,
      tpu.vector_store %arg5[%swap3A_975, %swap3A_976], %gather3A_974 {strides = array<i32>} : memref<212x128xf32, #tpu.memory_space<vmem>>, vector<16xf32>,
      %iota3A_978 = tpu.iota {dimensions = array<i32: 0>} : vector<16xi32>
      %add3A_979 = arith.constant 64 : i32
      %add3A_980 = vector.broadcast %add3A_979 : i32 to vector<16xi32>
      %add3A_981 = arith.addi %iota3A_978, %add3A_980 : vector<16xi32>
      %broadcast_in_dim3A_982 = vector.broadcast %add3A_934 : i32 to vector<16xi32>
      %add3A_983 = arith.addi %add3A_981, %broadcast_in_dim3A_982 : vector<16xi32>
      %gather3A_984 = tpu.vector_load_idx %arg4[%add3A_983] : memref<2728xf32, #tpu.memory_space<vmem>>[vector<16xi32>], vector<16xf32>,
      %swap3A_985 = arith.index_cast %scan3A_921 : i32 to index
      %swap3A_986 = arith.constant 64 : index
      %swap3A_987 = tpu.vector_load %arg5[%swap3A_985, %swap3A_986] {strides = array<i32>} : memref<212x128xf32, #tpu.memory_space<vmem>>, vector<16xf32>,
      tpu.vector_store %arg5[%swap3A_985, %swap3A_986], %gather3A_984 {strides = array<i32>} : memref<212x128xf32, #tpu.memory_space<vmem>>, vector<16xf32>,
      %iota3A_988 = tpu.iota {dimensions = array<i32: 0>} : vector<16xi32>
      %add3A_989 = arith.constant 80 : i32
      %add3A_990 = vector.broadcast %add3A_989 : i32 to vector<16xi32>
      %add3A_991 = arith.addi %iota3A_988, %add3A_990 : vector<16xi32>
      %lt3A_992 = arith.constant 88 : i32
      %lt3A_993 = vector.broadcast %lt3A_992 : i32 to vector<16xi32>
      %lt3A_994 = arith.cmpi slt, %add3A_991, %lt3A_993 : vector<16xi32>
      %broadcast_in_dim3A_995 = vector.broadcast %add3A_934 : i32 to vector<16xi32>
      %broadcast_in_dim3A_996 = vector.broadcast %add3A_938 : i32 to vector<16xi32>
      %select_n3A_997 = arith.select %lt3A_994, %broadcast_in_dim3A_995, %broadcast_in_dim3A_996 : vector<16xi1>, vector<16xi32>
      %add3A_998 = arith.addi %add3A_991, %select_n3A_997 : vector<16xi32>
      %gather3A_999 = tpu.vector_load_idx %arg4[%add3A_998] : memref<2728xf32, #tpu.memory_space<vmem>>[vector<16xi32>], vector<16xf32>,
      %swap3A_1000 = arith.index_cast %scan3A_921 : i32 to index
      %swap3A_1001 = arith.constant 80 : index
      %swap3A_1002 = tpu.vector_load %arg5[%swap3A_1000, %swap3A_1001] {strides = array<i32>} : memref<212x128xf32, #tpu.memory_space<vmem>>, vector<16xf32>,
      tpu.vector_store %arg5[%swap3A_1000, %swap3A_1001], %gather3A_999 {strides = array<i32>} : memref<212x128xf32, #tpu.memory_space<vmem>>, vector<16xf32>,
      %iota3A_1003 = tpu.iota {dimensions = array<i32: 0>} : vector<16xi32>
      %add3A_1004 = arith.constant 96 : i32
      %add3A_1005 = vector.broadcast %add3A_1004 : i32 to vector<16xi32>
      %add3A_1006 = arith.addi %iota3A_1003, %add3A_1005 : vector<16xi32>
      %broadcast_in_dim3A_1007 = vector.broadcast %add3A_938 : i32 to vector<16xi32>
      %add3A_1008 = arith.addi %add3A_1006, %broadcast_in_dim3A_1007 : vector<16xi32>
      %gather3A_1009 = tpu.vector_load_idx %arg4[%add3A_1008] : memref<2728xf32, #tpu.memory_space<vmem>>[vector<16xi32>], vector<16xf32>,
      %swap3A_1010 = arith.index_cast %scan3A_921 : i32 to index
      %swap3A_1011 = arith.constant 96 : index
      %swap3A_1012 = tpu.vector_load %arg5[%swap3A_1010, %swap3A_1011] {strides = array<i32>} : memref<212x128xf32, #tpu.memory_space<vmem>>, vector<16xf32>,
      tpu.vector_store %arg5[%swap3A_1010, %swap3A_1011], %gather3A_1009 {strides = array<i32>} : memref<212x128xf32, #tpu.memory_space<vmem>>, vector<16xf32>,
      %iota3A_1013 = tpu.iota {dimensions = array<i32: 0>} : vector<16xi32>
      %add3A_1014 = arith.constant 112 : i32
      %add3A_1015 = vector.broadcast %add3A_1014 : i32 to vector<16xi32>
      %add3A_1016 = arith.addi %iota3A_1013, %add3A_1015 : vector<16xi32>
      %broadcast_in_dim3A_1017 = vector.broadcast %add3A_938 : i32 to vector<16xi32>
      %add3A_1018 = arith.addi %add3A_1016, %broadcast_in_dim3A_1017 : vector<16xi32>
      %gather3A_1019 = tpu.vector_load_idx %arg4[%add3A_1018] : memref<2728xf32, #tpu.memory_space<vmem>>[vector<16xi32>], vector<16xf32>,
      %swap3A_1020 = arith.index_cast %scan3A_921 : i32 to index
      %swap3A_1021 = arith.constant 112 : index
      %swap3A_1022 = tpu.vector_load %arg5[%swap3A_1020, %swap3A_1021] {strides = array<i32>} : memref<212x128xf32, #tpu.memory_space<vmem>>, vector<16xf32>,
      tpu.vector_store %arg5[%swap3A_1020, %swap3A_1021], %gather3A_1019 {strides = array<i32>} : memref<212x128xf32, #tpu.memory_space<vmem>>, vector<16xf32>,
    }
    %scan3A_385 = arith.constant 56 : i32
    %add3A_386 = arith.constant 156 : i32
    %add3A_387 = arith.addi %min3A_3, %add3A_386 : i32
    %dma_start3A_388 = arith.constant 0 : i32
    %dma_start3A_389 = arith.constant 156 : i32
    %dma_start3A_390 = arith.constant 0 : i32
    %dma_start3A_391 = tpu.memref_slice %arg5[%dma_start3A_389, %dma_start3A_390] : memref<212x128xf32, #tpu.memory_space<vmem>> -> memref<56x128xf32, #tpu.memory_space<vmem>>
    %dma_start3A_392 = arith.constant 0 : i32
    %dma_start3A_393 = tpu.memref_slice %arg3[%add3A_387, %dma_start3A_388, %dma_start3A_392] : memref<6760x8x128xf32, #tpu.memory_space<hbm>> -> memref<56x1x128xf32, #tpu.memory_space<hbm>>
    %dma_start3A_394 = tpu.memref_squeeze %dma_start3A_393 : memref<56x1x128xf32, #tpu.memory_space<hbm>> -> memref<56x128xf32, #tpu.memory_space<hbm>>
    %dma_start3A_395 = arith.constant 0 : i32
    %dma_start3A_396 = tpu.memref_slice %arg3[%add3A_387, %dma_start3A_388, %dma_start3A_395] : memref<6760x8x128xf32, #tpu.memory_space<hbm>> -> memref<56x1x128xf32, #tpu.memory_space<hbm>>
    %dma_start3A_397 = tpu.memref_squeeze %dma_start3A_396 : memref<56x1x128xf32, #tpu.memory_space<hbm>> -> memref<56x128xf32, #tpu.memory_space<hbm>>
    %dma_start3A_398 = arith.constant 156 : i32
    %dma_start3A_399 = arith.constant 0 : i32
    %dma_start3A_400 = tpu.memref_slice %arg5[%dma_start3A_398, %dma_start3A_399] : memref<212x128xf32, #tpu.memory_space<vmem>> -> memref<56x128xf32, #tpu.memory_space<vmem>>
    tpu.enqueue_dma source(%dma_start3A_400 : memref<56x128xf32, #tpu.memory_space<vmem>>) target(%dma_start3A_397 : memref<56x128xf32, #tpu.memory_space<hbm>>) target_semaphore(%arg6 : memref<!tpu.dma_semaphore, #tpu.memory_space<semaphore_mem>>)
    %add3A_401 = arith.constant 156 : i32
    %add3A_402 = arith.addi %min3A_3, %add3A_401 : i32
    %dma_start3A_403 = arith.constant 1 : i32
    %dma_start3A_404 = arith.constant 156 : i32
    %dma_start3A_405 = arith.constant 0 : i32
    %dma_start3A_406 = tpu.memref_slice %arg5[%dma_start3A_404, %dma_start3A_405] : memref<212x128xf32, #tpu.memory_space<vmem>> -> memref<56x128xf32, #tpu.memory_space<vmem>>
    %dma_start3A_407 = arith.constant 0 : i32
    %dma_start3A_408 = tpu.memref_slice %arg3[%add3A_402, %dma_start3A_403, %dma_start3A_407] : memref<6760x8x128xf32, #tpu.memory_space<hbm>> -> memref<56x1x128xf32, #tpu.memory_space<hbm>>
    %dma_start3A_409 = tpu.memref_squeeze %dma_start3A_408 : memref<56x1x128xf32, #tpu.memory_space<hbm>> -> memref<56x128xf32, #tpu.memory_space<hbm>>
    %dma_start3A_410 = arith.constant 0 : i32
    %dma_start3A_411 = tpu.memref_slice %arg3[%add3A_402, %dma_start3A_403, %dma_start3A_410] : memref<6760x8x128xf32, #tpu.memory_space<hbm>> -> memref<56x1x128xf32, #tpu.memory_space<hbm>>
    %dma_start3A_412 = tpu.memref_squeeze %dma_start3A_411 : memref<56x1x128xf32, #tpu.memory_space<hbm>> -> memref<56x128xf32, #tpu.memory_space<hbm>>
    %dma_start3A_413 = arith.constant 156 : i32
    %dma_start3A_414 = arith.constant 0 : i32
    %dma_start3A_415 = tpu.memref_slice %arg5[%dma_start3A_413, %dma_start3A_414] : memref<212x128xf32, #tpu.memory_space<vmem>> -> memref<56x128xf32, #tpu.memory_space<vmem>>
    tpu.enqueue_dma source(%dma_start3A_415 : memref<56x128xf32, #tpu.memory_space<vmem>>) target(%dma_start3A_412 : memref<56x128xf32, #tpu.memory_space<hbm>>) target_semaphore(%arg6 : memref<!tpu.dma_semaphore, #tpu.memory_space<semaphore_mem>>)
    %add3A_416 = arith.constant 156 : i32
    %add3A_417 = arith.addi %min3A_3, %add3A_416 : i32
    %dma_start3A_418 = arith.constant 2 : i32
    %dma_start3A_419 = arith.constant 156 : i32
    %dma_start3A_420 = arith.constant 0 : i32
    %dma_start3A_421 = tpu.memref_slice %arg5[%dma_start3A_419, %dma_start3A_420] : memref<212x128xf32, #tpu.memory_space<vmem>> -> memref<56x128xf32, #tpu.memory_space<vmem>>
    %dma_start3A_422 = arith.constant 0 : i32
    %dma_start3A_423 = tpu.memref_slice %arg3[%add3A_417, %dma_start3A_418, %dma_start3A_422] : memref<6760x8x128xf32, #tpu.memory_space<hbm>> -> memref<56x1x128xf32, #tpu.memory_space<hbm>>
    %dma_start3A_424 = tpu.memref_squeeze %dma_start3A_423 : memref<56x1x128xf32, #tpu.memory_space<hbm>> -> memref<56x128xf32, #tpu.memory_space<hbm>>
    %dma_start3A_425 = arith.constant 0 : i32
    %dma_start3A_426 = tpu.memref_slice %arg3[%add3A_417, %dma_start3A_418, %dma_start3A_425] : memref<6760x8x128xf32, #tpu.memory_space<hbm>> -> memref<56x1x128xf32, #tpu.memory_space<hbm>>
    %dma_start3A_427 = tpu.memref_squeeze %dma_start3A_426 : memref<56x1x128xf32, #tpu.memory_space<hbm>> -> memref<56x128xf32, #tpu.memory_space<hbm>>
    %dma_start3A_428 = arith.constant 156 : i32
    %dma_start3A_429 = arith.constant 0 : i32
    %dma_start3A_430 = tpu.memref_slice %arg5[%dma_start3A_428, %dma_start3A_429] : memref<212x128xf32, #tpu.memory_space<vmem>> -> memref<56x128xf32, #tpu.memory_space<vmem>>
    tpu.enqueue_dma source(%dma_start3A_430 : memref<56x128xf32, #tpu.memory_space<vmem>>) target(%dma_start3A_427 : memref<56x128xf32, #tpu.memory_space<hbm>>) target_semaphore(%arg6 : memref<!tpu.dma_semaphore, #tpu.memory_space<semaphore_mem>>)
    %add3A_431 = arith.constant 156 : i32
    %add3A_432 = arith.addi %min3A_3, %add3A_431 : i32
    %dma_start3A_433 = arith.constant 3 : i32
    %dma_start3A_434 = arith.constant 156 : i32
    %dma_start3A_435 = arith.constant 0 : i32
    %dma_start3A_436 = tpu.memref_slice %arg5[%dma_start3A_434, %dma_start3A_435] : memref<212x128xf32, #tpu.memory_space<vmem>> -> memref<56x128xf32, #tpu.memory_space<vmem>>
    %dma_start3A_437 = arith.constant 0 : i32
    %dma_start3A_438 = tpu.memref_slice %arg3[%add3A_432, %dma_start3A_433, %dma_start3A_437] : memref<6760x8x128xf32, #tpu.memory_space<hbm>> -> memref<56x1x128xf32, #tpu.memory_space<hbm>>
    %dma_start3A_439 = tpu.memref_squeeze %dma_start3A_438 : memref<56x1x128xf32, #tpu.memory_space<hbm>> -> memref<56x128xf32, #tpu.memory_space<hbm>>
    %dma_start3A_440 = arith.constant 0 : i32
    %dma_start3A_441 = tpu.memref_slice %arg3[%add3A_432, %dma_start3A_433, %dma_start3A_440] : memref<6760x8x128xf32, #tpu.memory_space<hbm>> -> memref<56x1x128xf32, #tpu.memory_space<hbm>>
    %dma_start3A_442 = tpu.memref_squeeze %dma_start3A_441 : memref<56x1x128xf32, #tpu.memory_space<hbm>> -> memref<56x128xf32, #tpu.memory_space<hbm>>
    %dma_start3A_443 = arith.constant 156 : i32
    %dma_start3A_444 = arith.constant 0 : i32
    %dma_start3A_445 = tpu.memref_slice %arg5[%dma_start3A_443, %dma_start3A_444] : memref<212x128xf32, #tpu.memory_space<vmem>> -> memref<56x128xf32, #tpu.memory_space<vmem>>
    tpu.enqueue_dma source(%dma_start3A_445 : memref<56x128xf32, #tpu.memory_space<vmem>>) target(%dma_start3A_442 : memref<56x128xf32, #tpu.memory_space<hbm>>) target_semaphore(%arg6 : memref<!tpu.dma_semaphore, #tpu.memory_space<semaphore_mem>>)
    %add3A_446 = arith.constant 156 : i32
    %add3A_447 = arith.addi %min3A_3, %add3A_446 : i32
    %dma_start3A_448 = arith.constant 4 : i32
    %dma_start3A_449 = arith.constant 156 : i32
    %dma_start3A_450 = arith.constant 0 : i32
    %dma_start3A_451 = tpu.memref_slice %arg5[%dma_start3A_449, %dma_start3A_450] : memref<212x128xf32, #tpu.memory_space<vmem>> -> memref<56x128xf32, #tpu.memory_space<vmem>>
    %dma_start3A_452 = arith.constant 0 : i32
    %dma_start3A_453 = tpu.memref_slice %arg3[%add3A_447, %dma_start3A_448, %dma_start3A_452] : memref<6760x8x128xf32, #tpu.memory_space<hbm>> -> memref<56x1x128xf32, #tpu.memory_space<hbm>>
    %dma_start3A_454 = tpu.memref_squeeze %dma_start3A_453 : memref<56x1x128xf32, #tpu.memory_space<hbm>> -> memref<56x128xf32, #tpu.memory_space<hbm>>
    %dma_start3A_455 = arith.constant 0 : i32
    %dma_start3A_456 = tpu.memref_slice %arg3[%add3A_447, %dma_start3A_448, %dma_start3A_455] : memref<6760x8x128xf32, #tpu.memory_space<hbm>> -> memref<56x1x128xf32, #tpu.memory_space<hbm>>
    %dma_start3A_457 = tpu.memref_squeeze %dma_start3A_456 : memref<56x1x128xf32, #tpu.memory_space<hbm>> -> memref<56x128xf32, #tpu.memory_space<hbm>>
    %dma_start3A_458 = arith.constant 156 : i32
    %dma_start3A_459 = arith.constant 0 : i32
    %dma_start3A_460 = tpu.memref_slice %arg5[%dma_start3A_458, %dma_start3A_459] : memref<212x128xf32, #tpu.memory_space<vmem>> -> memref<56x128xf32, #tpu.memory_space<vmem>>
    tpu.enqueue_dma source(%dma_start3A_460 : memref<56x128xf32, #tpu.memory_space<vmem>>) target(%dma_start3A_457 : memref<56x128xf32, #tpu.memory_space<hbm>>) target_semaphore(%arg6 : memref<!tpu.dma_semaphore, #tpu.memory_space<semaphore_mem>>)
    %add3A_461 = arith.constant 156 : i32
    %add3A_462 = arith.addi %min3A_3, %add3A_461 : i32
    %dma_start3A_463 = arith.constant 5 : i32
    %dma_start3A_464 = arith.constant 156 : i32
    %dma_start3A_465 = arith.constant 0 : i32
    %dma_start3A_466 = tpu.memref_slice %arg5[%dma_start3A_464, %dma_start3A_465] : memref<212x128xf32, #tpu.memory_space<vmem>> -> memref<56x128xf32, #tpu.memory_space<vmem>>
    %dma_start3A_467 = arith.constant 0 : i32
    %dma_start3A_468 = tpu.memref_slice %arg3[%add3A_462, %dma_start3A_463, %dma_start3A_467] : memref<6760x8x128xf32, #tpu.memory_space<hbm>> -> memref<56x1x128xf32, #tpu.memory_space<hbm>>
    %dma_start3A_469 = tpu.memref_squeeze %dma_start3A_468 : memref<56x1x128xf32, #tpu.memory_space<hbm>> -> memref<56x128xf32, #tpu.memory_space<hbm>>
    %dma_start3A_470 = arith.constant 0 : i32
    %dma_start3A_471 = tpu.memref_slice %arg3[%add3A_462, %dma_start3A_463, %dma_start3A_470] : memref<6760x8x128xf32, #tpu.memory_space<hbm>> -> memref<56x1x128xf32, #tpu.memory_space<hbm>>
    %dma_start3A_472 = tpu.memref_squeeze %dma_start3A_471 : memref<56x1x128xf32, #tpu.memory_space<hbm>> -> memref<56x128xf32, #tpu.memory_space<hbm>>
    %dma_start3A_473 = arith.constant 156 : i32
    %dma_start3A_474 = arith.constant 0 : i32
    %dma_start3A_475 = tpu.memref_slice %arg5[%dma_start3A_473, %dma_start3A_474] : memref<212x128xf32, #tpu.memory_space<vmem>> -> memref<56x128xf32, #tpu.memory_space<vmem>>
    tpu.enqueue_dma source(%dma_start3A_475 : memref<56x128xf32, #tpu.memory_space<vmem>>) target(%dma_start3A_472 : memref<56x128xf32, #tpu.memory_space<hbm>>) target_semaphore(%arg6 : memref<!tpu.dma_semaphore, #tpu.memory_space<semaphore_mem>>)
    %add3A_476 = arith.constant 156 : i32
    %add3A_477 = arith.addi %min3A_3, %add3A_476 : i32
    %dma_start3A_478 = arith.constant 6 : i32
    %dma_start3A_479 = arith.constant 156 : i32
    %dma_start3A_480 = arith.constant 0 : i32
    %dma_start3A_481 = tpu.memref_slice %arg5[%dma_start3A_479, %dma_start3A_480] : memref<212x128xf32, #tpu.memory_space<vmem>> -> memref<56x128xf32, #tpu.memory_space<vmem>>
    %dma_start3A_482 = arith.constant 0 : i32
    %dma_start3A_483 = tpu.memref_slice %arg3[%add3A_477, %dma_start3A_478, %dma_start3A_482] : memref<6760x8x128xf32, #tpu.memory_space<hbm>> -> memref<56x1x128xf32, #tpu.memory_space<hbm>>
    %dma_start3A_484 = tpu.memref_squeeze %dma_start3A_483 : memref<56x1x128xf32, #tpu.memory_space<hbm>> -> memref<56x128xf32, #tpu.memory_space<hbm>>
    %dma_start3A_485 = arith.constant 0 : i32
    %dma_start3A_486 = tpu.memref_slice %arg3[%add3A_477, %dma_start3A_478, %dma_start3A_485] : memref<6760x8x128xf32, #tpu.memory_space<hbm>> -> memref<56x1x128xf32, #tpu.memory_space<hbm>>
    %dma_start3A_487 = tpu.memref_squeeze %dma_start3A_486 : memref<56x1x128xf32, #tpu.memory_space<hbm>> -> memref<56x128xf32, #tpu.memory_space<hbm>>
    %dma_start3A_488 = arith.constant 156 : i32
    %dma_start3A_489 = arith.constant 0 : i32
    %dma_start3A_490 = tpu.memref_slice %arg5[%dma_start3A_488, %dma_start3A_489] : memref<212x128xf32, #tpu.memory_space<vmem>> -> memref<56x128xf32, #tpu.memory_space<vmem>>
    tpu.enqueue_dma source(%dma_start3A_490 : memref<56x128xf32, #tpu.memory_space<vmem>>) target(%dma_start3A_487 : memref<56x128xf32, #tpu.memory_space<hbm>>) target_semaphore(%arg6 : memref<!tpu.dma_semaphore, #tpu.memory_space<semaphore_mem>>)
    %add3A_491 = arith.constant 156 : i32
    %add3A_492 = arith.addi %min3A_3, %add3A_491 : i32
    %dma_start3A_493 = arith.constant 7 : i32
    %dma_start3A_494 = arith.constant 156 : i32
    %dma_start3A_495 = arith.constant 0 : i32
    %dma_start3A_496 = tpu.memref_slice %arg5[%dma_start3A_494, %dma_start3A_495] : memref<212x128xf32, #tpu.memory_space<vmem>> -> memref<56x128xf32, #tpu.memory_space<vmem>>
    %dma_start3A_497 = arith.constant 0 : i32
    %dma_start3A_498 = tpu.memref_slice %arg3[%add3A_492, %dma_start3A_493, %dma_start3A_497] : memref<6760x8x128xf32, #tpu.memory_space<hbm>> -> memref<56x1x128xf32, #tpu.memory_space<hbm>>
    %dma_start3A_499 = tpu.memref_squeeze %dma_start3A_498 : memref<56x1x128xf32, #tpu.memory_space<hbm>> -> memref<56x128xf32, #tpu.memory_space<hbm>>
    %dma_start3A_500 = arith.constant 0 : i32
    %dma_start3A_501 = tpu.memref_slice %arg3[%add3A_492, %dma_start3A_493, %dma_start3A_500] : memref<6760x8x128xf32, #tpu.memory_space<hbm>> -> memref<56x1x128xf32, #tpu.memory_space<hbm>>
    %dma_start3A_502 = tpu.memref_squeeze %dma_start3A_501 : memref<56x1x128xf32, #tpu.memory_space<hbm>> -> memref<56x128xf32, #tpu.memory_space<hbm>>
    %dma_start3A_503 = arith.constant 156 : i32
    %dma_start3A_504 = arith.constant 0 : i32
    %dma_start3A_505 = tpu.memref_slice %arg5[%dma_start3A_503, %dma_start3A_504] : memref<212x128xf32, #tpu.memory_space<vmem>> -> memref<56x128xf32, #tpu.memory_space<vmem>>
    tpu.enqueue_dma source(%dma_start3A_505 : memref<56x128xf32, #tpu.memory_space<vmem>>) target(%dma_start3A_502 : memref<56x128xf32, #tpu.memory_space<hbm>>) target_semaphore(%arg6 : memref<!tpu.dma_semaphore, #tpu.memory_space<semaphore_mem>>)
    %dma_wait3A = arith.constant 0 : i32
    %dma_wait3A_506 = arith.constant 0 : i32
    %dma_wait3A_507 = arith.constant 0 : i32
    %dma_wait3A_508 = tpu.memref_slice %arg5[%dma_wait3A_506, %dma_wait3A_507] : memref<212x128xf32, #tpu.memory_space<vmem>> -> memref<52x128xf32, #tpu.memory_space<vmem>>
    %dma_wait3A_509 = arith.constant 0 : i32
    %dma_wait3A_510 = tpu.memref_slice %arg3[%add3A_10, %dma_wait3A, %dma_wait3A_509] : memref<6760x8x128xf32, #tpu.memory_space<hbm>> -> memref<52x1x128xf32, #tpu.memory_space<hbm>>
    %dma_wait3A_511 = tpu.memref_squeeze %dma_wait3A_510 : memref<52x1x128xf32, #tpu.memory_space<hbm>> -> memref<52x128xf32, #tpu.memory_space<hbm>>
    %dma_wait3A_512 = arith.constant 0 : i32
    %dma_wait3A_513 = tpu.memref_slice %arg3[%add3A_10, %dma_wait3A, %dma_wait3A_512] : memref<6760x8x128xf32, #tpu.memory_space<hbm>> -> memref<52x1x128xf32, #tpu.memory_space<hbm>>
    %dma_wait3A_514 = tpu.memref_squeeze %dma_wait3A_513 : memref<52x1x128xf32, #tpu.memory_space<hbm>> -> memref<52x128xf32, #tpu.memory_space<hbm>>
    %dma_wait3A_515 = arith.constant 0 : i32
    %dma_wait3A_516 = arith.constant 0 : i32
    %dma_wait3A_517 = tpu.memref_slice %arg5[%dma_wait3A_515, %dma_wait3A_516] : memref<212x128xf32, #tpu.memory_space<vmem>> -> memref<52x128xf32, #tpu.memory_space<vmem>>
    tpu.wait_dma2 semaphore(%arg6 : memref<!tpu.dma_semaphore, #tpu.memory_space<semaphore_mem>>) src(%dma_wait3A_517 : memref<52x128xf32, #tpu.memory_space<vmem>>) dst(%dma_wait3A_514 : memref<52x128xf32, #tpu.memory_space<hbm>>)
    %dma_wait3A_518 = arith.constant 1 : i32
    %dma_wait3A_519 = arith.constant 0 : i32
    %dma_wait3A_520 = arith.constant 0 : i32
    %dma_wait3A_521 = tpu.memref_slice %arg5[%dma_wait3A_519, %dma_wait3A_520] : memref<212x128xf32, #tpu.memory_space<vmem>> -> memref<52x128xf32, #tpu.memory_space<vmem>>
    %dma_wait3A_522 = arith.constant 0 : i32
    %dma_wait3A_523 = tpu.memref_slice %arg3[%add3A_24, %dma_wait3A_518, %dma_wait3A_522] : memref<6760x8x128xf32, #tpu.memory_space<hbm>> -> memref<52x1x128xf32, #tpu.memory_space<hbm>>
    %dma_wait3A_524 = tpu.memref_squeeze %dma_wait3A_523 : memref<52x1x128xf32, #tpu.memory_space<hbm>> -> memref<52x128xf32, #tpu.memory_space<hbm>>
    %dma_wait3A_525 = arith.constant 0 : i32
    %dma_wait3A_526 = tpu.memref_slice %arg3[%add3A_24, %dma_wait3A_518, %dma_wait3A_525] : memref<6760x8x128xf32, #tpu.memory_space<hbm>> -> memref<52x1x128xf32, #tpu.memory_space<hbm>>
    %dma_wait3A_527 = tpu.memref_squeeze %dma_wait3A_526 : memref<52x1x128xf32, #tpu.memory_space<hbm>> -> memref<52x128xf32, #tpu.memory_space<hbm>>
    %dma_wait3A_528 = arith.constant 0 : i32
    %dma_wait3A_529 = arith.constant 0 : i32
    %dma_wait3A_530 = tpu.memref_slice %arg5[%dma_wait3A_528, %dma_wait3A_529] : memref<212x128xf32, #tpu.memory_space<vmem>> -> memref<52x128xf32, #tpu.memory_space<vmem>>
    tpu.wait_dma2 semaphore(%arg6 : memref<!tpu.dma_semaphore, #tpu.memory_space<semaphore_mem>>) src(%dma_wait3A_530 : memref<52x128xf32, #tpu.memory_space<vmem>>) dst(%dma_wait3A_527 : memref<52x128xf32, #tpu.memory_space<hbm>>)
    %dma_wait3A_531 = arith.constant 2 : i32
    %dma_wait3A_532 = arith.constant 0 : i32
    %dma_wait3A_533 = arith.constant 0 : i32
    %dma_wait3A_534 = tpu.memref_slice %arg5[%dma_wait3A_532, %dma_wait3A_533] : memref<212x128xf32, #tpu.memory_space<vmem>> -> memref<52x128xf32, #tpu.memory_space<vmem>>
    %dma_wait3A_535 = arith.constant 0 : i32
    %dma_wait3A_536 = tpu.memref_slice %arg3[%add3A_39, %dma_wait3A_531, %dma_wait3A_535] : memref<6760x8x128xf32, #tpu.memory_space<hbm>> -> memref<52x1x128xf32, #tpu.memory_space<hbm>>
    %dma_wait3A_537 = tpu.memref_squeeze %dma_wait3A_536 : memref<52x1x128xf32, #tpu.memory_space<hbm>> -> memref<52x128xf32, #tpu.memory_space<hbm>>
    %dma_wait3A_538 = arith.constant 0 : i32
    %dma_wait3A_539 = tpu.memref_slice %arg3[%add3A_39, %dma_wait3A_531, %dma_wait3A_538] : memref<6760x8x128xf32, #tpu.memory_space<hbm>> -> memref<52x1x128xf32, #tpu.memory_space<hbm>>
    %dma_wait3A_540 = tpu.memref_squeeze %dma_wait3A_539 : memref<52x1x128xf32, #tpu.memory_space<hbm>> -> memref<52x128xf32, #tpu.memory_space<hbm>>
    %dma_wait3A_541 = arith.constant 0 : i32
    %dma_wait3A_542 = arith.constant 0 : i32
    %dma_wait3A_543 = tpu.memref_slice %arg5[%dma_wait3A_541, %dma_wait3A_542] : memref<212x128xf32, #tpu.memory_space<vmem>> -> memref<52x128xf32, #tpu.memory_space<vmem>>
    tpu.wait_dma2 semaphore(%arg6 : memref<!tpu.dma_semaphore, #tpu.memory_space<semaphore_mem>>) src(%dma_wait3A_543 : memref<52x128xf32, #tpu.memory_space<vmem>>) dst(%dma_wait3A_540 : memref<52x128xf32, #tpu.memory_space<hbm>>)
    %dma_wait3A_544 = arith.constant 3 : i32
    %dma_wait3A_545 = arith.constant 0 : i32
    %dma_wait3A_546 = arith.constant 0 : i32
    %dma_wait3A_547 = tpu.memref_slice %arg5[%dma_wait3A_545, %dma_wait3A_546] : memref<212x128xf32, #tpu.memory_space<vmem>> -> memref<52x128xf32, #tpu.memory_space<vmem>>
    %dma_wait3A_548 = arith.constant 0 : i32
    %dma_wait3A_549 = tpu.memref_slice %arg3[%add3A_54, %dma_wait3A_544, %dma_wait3A_548] : memref<6760x8x128xf32, #tpu.memory_space<hbm>> -> memref<52x1x128xf32, #tpu.memory_space<hbm>>
    %dma_wait3A_550 = tpu.memref_squeeze %dma_wait3A_549 : memref<52x1x128xf32, #tpu.memory_space<hbm>> -> memref<52x128xf32, #tpu.memory_space<hbm>>
    %dma_wait3A_551 = arith.constant 0 : i32
    %dma_wait3A_552 = tpu.memref_slice %arg3[%add3A_54, %dma_wait3A_544, %dma_wait3A_551] : memref<6760x8x128xf32, #tpu.memory_space<hbm>> -> memref<52x1x128xf32, #tpu.memory_space<hbm>>
    %dma_wait3A_553 = tpu.memref_squeeze %dma_wait3A_552 : memref<52x1x128xf32, #tpu.memory_space<hbm>> -> memref<52x128xf32, #tpu.memory_space<hbm>>
    %dma_wait3A_554 = arith.constant 0 : i32
    %dma_wait3A_555 = arith.constant 0 : i32
    %dma_wait3A_556 = tpu.memref_slice %arg5[%dma_wait3A_554, %dma_wait3A_555] : memref<212x128xf32, #tpu.memory_space<vmem>> -> memref<52x128xf32, #tpu.memory_space<vmem>>
    tpu.wait_dma2 semaphore(%arg6 : memref<!tpu.dma_semaphore, #tpu.memory_space<semaphore_mem>>) src(%dma_wait3A_556 : memref<52x128xf32, #tpu.memory_space<vmem>>) dst(%dma_wait3A_553 : memref<52x128xf32, #tpu.memory_space<hbm>>)
    %dma_wait3A_557 = arith.constant 4 : i32
    %dma_wait3A_558 = arith.constant 0 : i32
    %dma_wait3A_559 = arith.constant 0 : i32
    %dma_wait3A_560 = tpu.memref_slice %arg5[%dma_wait3A_558, %dma_wait3A_559] : memref<212x128xf32, #tpu.memory_space<vmem>> -> memref<52x128xf32, #tpu.memory_space<vmem>>
    %dma_wait3A_561 = arith.constant 0 : i32
    %dma_wait3A_562 = tpu.memref_slice %arg3[%add3A_69, %dma_wait3A_557, %dma_wait3A_561] : memref<6760x8x128xf32, #tpu.memory_space<hbm>> -> memref<52x1x128xf32, #tpu.memory_space<hbm>>
    %dma_wait3A_563 = tpu.memref_squeeze %dma_wait3A_562 : memref<52x1x128xf32, #tpu.memory_space<hbm>> -> memref<52x128xf32, #tpu.memory_space<hbm>>
    %dma_wait3A_564 = arith.constant 0 : i32
    %dma_wait3A_565 = tpu.memref_slice %arg3[%add3A_69, %dma_wait3A_557, %dma_wait3A_564] : memref<6760x8x128xf32, #tpu.memory_space<hbm>> -> memref<52x1x128xf32, #tpu.memory_space<hbm>>
    %dma_wait3A_566 = tpu.memref_squeeze %dma_wait3A_565 : memref<52x1x128xf32, #tpu.memory_space<hbm>> -> memref<52x128xf32, #tpu.memory_space<hbm>>
    %dma_wait3A_567 = arith.constant 0 : i32
    %dma_wait3A_568 = arith.constant 0 : i32
    %dma_wait3A_569 = tpu.memref_slice %arg5[%dma_wait3A_567, %dma_wait3A_568] : memref<212x128xf32, #tpu.memory_space<vmem>> -> memref<52x128xf32, #tpu.memory_space<vmem>>
    tpu.wait_dma2 semaphore(%arg6 : memref<!tpu.dma_semaphore, #tpu.memory_space<semaphore_mem>>) src(%dma_wait3A_569 : memref<52x128xf32, #tpu.memory_space<vmem>>) dst(%dma_wait3A_566 : memref<52x128xf32, #tpu.memory_space<hbm>>)
    %dma_wait3A_570 = arith.constant 5 : i32
    %dma_wait3A_571 = arith.constant 0 : i32
    %dma_wait3A_572 = arith.constant 0 : i32
    %dma_wait3A_573 = tpu.memref_slice %arg5[%dma_wait3A_571, %dma_wait3A_572] : memref<212x128xf32, #tpu.memory_space<vmem>> -> memref<52x128xf32, #tpu.memory_space<vmem>>
    %dma_wait3A_574 = arith.constant 0 : i32
    %dma_wait3A_575 = tpu.memref_slice %arg3[%add3A_84, %dma_wait3A_570, %dma_wait3A_574] : memref<6760x8x128xf32, #tpu.memory_space<hbm>> -> memref<52x1x128xf32, #tpu.memory_space<hbm>>
    %dma_wait3A_576 = tpu.memref_squeeze %dma_wait3A_575 : memref<52x1x128xf32, #tpu.memory_space<hbm>> -> memref<52x128xf32, #tpu.memory_space<hbm>>
    %dma_wait3A_577 = arith.constant 0 : i32
    %dma_wait3A_578 = tpu.memref_slice %arg3[%add3A_84, %dma_wait3A_570, %dma_wait3A_577] : memref<6760x8x128xf32, #tpu.memory_space<hbm>> -> memref<52x1x128xf32, #tpu.memory_space<hbm>>
    %dma_wait3A_579 = tpu.memref_squeeze %dma_wait3A_578 : memref<52x1x128xf32, #tpu.memory_space<hbm>> -> memref<52x128xf32, #tpu.memory_space<hbm>>
    %dma_wait3A_580 = arith.constant 0 : i32
    %dma_wait3A_581 = arith.constant 0 : i32
    %dma_wait3A_582 = tpu.memref_slice %arg5[%dma_wait3A_580, %dma_wait3A_581] : memref<212x128xf32, #tpu.memory_space<vmem>> -> memref<52x128xf32, #tpu.memory_space<vmem>>
    tpu.wait_dma2 semaphore(%arg6 : memref<!tpu.dma_semaphore, #tpu.memory_space<semaphore_mem>>) src(%dma_wait3A_582 : memref<52x128xf32, #tpu.memory_space<vmem>>) dst(%dma_wait3A_579 : memref<52x128xf32, #tpu.memory_space<hbm>>)
    %dma_wait3A_583 = arith.constant 6 : i32
    %dma_wait3A_584 = arith.constant 0 : i32
    %dma_wait3A_585 = arith.constant 0 : i32
    %dma_wait3A_586 = tpu.memref_slice %arg5[%dma_wait3A_584, %dma_wait3A_585] : memref<212x128xf32, #tpu.memory_space<vmem>> -> memref<52x128xf32, #tpu.memory_space<vmem>>
    %dma_wait3A_587 = arith.constant 0 : i32
    %dma_wait3A_588 = tpu.memref_slice %arg3[%add3A_99, %dma_wait3A_583, %dma_wait3A_587] : memref<6760x8x128xf32, #tpu.memory_space<hbm>> -> memref<52x1x128xf32, #tpu.memory_space<hbm>>
    %dma_wait3A_589 = tpu.memref_squeeze %dma_wait3A_588 : memref<52x1x128xf32, #tpu.memory_space<hbm>> -> memref<52x128xf32, #tpu.memory_space<hbm>>
    %dma_wait3A_590 = arith.constant 0 : i32
    %dma_wait3A_591 = tpu.memref_slice %arg3[%add3A_99, %dma_wait3A_583, %dma_wait3A_590] : memref<6760x8x128xf32, #tpu.memory_space<hbm>> -> memref<52x1x128xf32, #tpu.memory_space<hbm>>
    %dma_wait3A_592 = tpu.memref_squeeze %dma_wait3A_591 : memref<52x1x128xf32, #tpu.memory_space<hbm>> -> memref<52x128xf32, #tpu.memory_space<hbm>>
    %dma_wait3A_593 = arith.constant 0 : i32
    %dma_wait3A_594 = arith.constant 0 : i32
    %dma_wait3A_595 = tpu.memref_slice %arg5[%dma_wait3A_593, %dma_wait3A_594] : memref<212x128xf32, #tpu.memory_space<vmem>> -> memref<52x128xf32, #tpu.memory_space<vmem>>
    tpu.wait_dma2 semaphore(%arg6 : memref<!tpu.dma_semaphore, #tpu.memory_space<semaphore_mem>>) src(%dma_wait3A_595 : memref<52x128xf32, #tpu.memory_space<vmem>>) dst(%dma_wait3A_592 : memref<52x128xf32, #tpu.memory_space<hbm>>)
    %dma_wait3A_596 = arith.constant 7 : i32
    %dma_wait3A_597 = arith.constant 0 : i32
    %dma_wait3A_598 = arith.constant 0 : i32
    %dma_wait3A_599 = tpu.memref_slice %arg5[%dma_wait3A_597, %dma_wait3A_598] : memref<212x128xf32, #tpu.memory_space<vmem>> -> memref<52x128xf32, #tpu.memory_space<vmem>>
    %dma_wait3A_600 = arith.constant 0 : i32
    %dma_wait3A_601 = tpu.memref_slice %arg3[%add3A_114, %dma_wait3A_596, %dma_wait3A_600] : memref<6760x8x128xf32, #tpu.memory_space<hbm>> -> memref<52x1x128xf32, #tpu.memory_space<hbm>>
    %dma_wait3A_602 = tpu.memref_squeeze %dma_wait3A_601 : memref<52x1x128xf32, #tpu.memory_space<hbm>> -> memref<52x128xf32, #tpu.memory_space<hbm>>
    %dma_wait3A_603 = arith.constant 0 : i32
    %dma_wait3A_604 = tpu.memref_slice %arg3[%add3A_114, %dma_wait3A_596, %dma_wait3A_603] : memref<6760x8x128xf32, #tpu.memory_space<hbm>> -> memref<52x1x128xf32, #tpu.memory_space<hbm>>
    %dma_wait3A_605 = tpu.memref_squeeze %dma_wait3A_604 : memref<52x1x128xf32, #tpu.memory_space<hbm>> -> memref<52x128xf32, #tpu.memory_space<hbm>>
    %dma_wait3A_606 = arith.constant 0 : i32
    %dma_wait3A_607 = arith.constant 0 : i32
    %dma_wait3A_608 = tpu.memref_slice %arg5[%dma_wait3A_606, %dma_wait3A_607] : memref<212x128xf32, #tpu.memory_space<vmem>> -> memref<52x128xf32, #tpu.memory_space<vmem>>
    tpu.wait_dma2 semaphore(%arg6 : memref<!tpu.dma_semaphore, #tpu.memory_space<semaphore_mem>>) src(%dma_wait3A_608 : memref<52x128xf32, #tpu.memory_space<vmem>>) dst(%dma_wait3A_605 : memref<52x128xf32, #tpu.memory_space<hbm>>)
    %dma_wait3A_609 = arith.constant 0 : i32
    %dma_wait3A_610 = arith.constant 52 : i32
    %dma_wait3A_611 = arith.constant 0 : i32
    %dma_wait3A_612 = tpu.memref_slice %arg5[%dma_wait3A_610, %dma_wait3A_611] : memref<212x128xf32, #tpu.memory_space<vmem>> -> memref<52x128xf32, #tpu.memory_space<vmem>>
    %dma_wait3A_613 = arith.constant 0 : i32
    %dma_wait3A_614 = tpu.memref_slice %arg3[%add3A_135, %dma_wait3A_609, %dma_wait3A_613] : memref<6760x8x128xf32, #tpu.memory_space<hbm>> -> memref<52x1x128xf32, #tpu.memory_space<hbm>>
    %dma_wait3A_615 = tpu.memref_squeeze %dma_wait3A_614 : memref<52x1x128xf32, #tpu.memory_space<hbm>> -> memref<52x128xf32, #tpu.memory_space<hbm>>
    %dma_wait3A_616 = arith.constant 0 : i32
    %dma_wait3A_617 = tpu.memref_slice %arg3[%add3A_135, %dma_wait3A_609, %dma_wait3A_616] : memref<6760x8x128xf32, #tpu.memory_space<hbm>> -> memref<52x1x128xf32, #tpu.memory_space<hbm>>
    %dma_wait3A_618 = tpu.memref_squeeze %dma_wait3A_617 : memref<52x1x128xf32, #tpu.memory_space<hbm>> -> memref<52x128xf32, #tpu.memory_space<hbm>>
    %dma_wait3A_619 = arith.constant 52 : i32
    %dma_wait3A_620 = arith.constant 0 : i32
    %dma_wait3A_621 = tpu.memref_slice %arg5[%dma_wait3A_619, %dma_wait3A_620] : memref<212x128xf32, #tpu.memory_space<vmem>> -> memref<52x128xf32, #tpu.memory_space<vmem>>
    tpu.wait_dma2 semaphore(%arg6 : memref<!tpu.dma_semaphore, #tpu.memory_space<semaphore_mem>>) src(%dma_wait3A_621 : memref<52x128xf32, #tpu.memory_space<vmem>>) dst(%dma_wait3A_618 : memref<52x128xf32, #tpu.memory_space<hbm>>)
    %dma_wait3A_622 = arith.constant 1 : i32
    %dma_wait3A_623 = arith.constant 52 : i32
    %dma_wait3A_624 = arith.constant 0 : i32
    %dma_wait3A_625 = tpu.memref_slice %arg5[%dma_wait3A_623, %dma_wait3A_624] : memref<212x128xf32, #tpu.memory_space<vmem>> -> memref<52x128xf32, #tpu.memory_space<vmem>>
    %dma_wait3A_626 = arith.constant 0 : i32
    %dma_wait3A_627 = tpu.memref_slice %arg3[%add3A_150, %dma_wait3A_622, %dma_wait3A_626] : memref<6760x8x128xf32, #tpu.memory_space<hbm>> -> memref<52x1x128xf32, #tpu.memory_space<hbm>>
    %dma_wait3A_628 = tpu.memref_squeeze %dma_wait3A_627 : memref<52x1x128xf32, #tpu.memory_space<hbm>> -> memref<52x128xf32, #tpu.memory_space<hbm>>
    %dma_wait3A_629 = arith.constant 0 : i32
    %dma_wait3A_630 = tpu.memref_slice %arg3[%add3A_150, %dma_wait3A_622, %dma_wait3A_629] : memref<6760x8x128xf32, #tpu.memory_space<hbm>> -> memref<52x1x128xf32, #tpu.memory_space<hbm>>
    %dma_wait3A_631 = tpu.memref_squeeze %dma_wait3A_630 : memref<52x1x128xf32, #tpu.memory_space<hbm>> -> memref<52x128xf32, #tpu.memory_space<hbm>>
    %dma_wait3A_632 = arith.constant 52 : i32
    %dma_wait3A_633 = arith.constant 0 : i32
    %dma_wait3A_634 = tpu.memref_slice %arg5[%dma_wait3A_632, %dma_wait3A_633] : memref<212x128xf32, #tpu.memory_space<vmem>> -> memref<52x128xf32, #tpu.memory_space<vmem>>
    tpu.wait_dma2 semaphore(%arg6 : memref<!tpu.dma_semaphore, #tpu.memory_space<semaphore_mem>>) src(%dma_wait3A_634 : memref<52x128xf32, #tpu.memory_space<vmem>>) dst(%dma_wait3A_631 : memref<52x128xf32, #tpu.memory_space<hbm>>)
    %dma_wait3A_635 = arith.constant 2 : i32
    %dma_wait3A_636 = arith.constant 52 : i32
    %dma_wait3A_637 = arith.constant 0 : i32
    %dma_wait3A_638 = tpu.memref_slice %arg5[%dma_wait3A_636, %dma_wait3A_637] : memref<212x128xf32, #tpu.memory_space<vmem>> -> memref<52x128xf32, #tpu.memory_space<vmem>>
    %dma_wait3A_639 = arith.constant 0 : i32
    %dma_wait3A_640 = tpu.memref_slice %arg3[%add3A_165, %dma_wait3A_635, %dma_wait3A_639] : memref<6760x8x128xf32, #tpu.memory_space<hbm>> -> memref<52x1x128xf32, #tpu.memory_space<hbm>>
    %dma_wait3A_641 = tpu.memref_squeeze %dma_wait3A_640 : memref<52x1x128xf32, #tpu.memory_space<hbm>> -> memref<52x128xf32, #tpu.memory_space<hbm>>
    %dma_wait3A_642 = arith.constant 0 : i32
    %dma_wait3A_643 = tpu.memref_slice %arg3[%add3A_165, %dma_wait3A_635, %dma_wait3A_642] : memref<6760x8x128xf32, #tpu.memory_space<hbm>> -> memref<52x1x128xf32, #tpu.memory_space<hbm>>
    %dma_wait3A_644 = tpu.memref_squeeze %dma_wait3A_643 : memref<52x1x128xf32, #tpu.memory_space<hbm>> -> memref<52x128xf32, #tpu.memory_space<hbm>>
    %dma_wait3A_645 = arith.constant 52 : i32
    %dma_wait3A_646 = arith.constant 0 : i32
    %dma_wait3A_647 = tpu.memref_slice %arg5[%dma_wait3A_645, %dma_wait3A_646] : memref<212x128xf32, #tpu.memory_space<vmem>> -> memref<52x128xf32, #tpu.memory_space<vmem>>
    tpu.wait_dma2 semaphore(%arg6 : memref<!tpu.dma_semaphore, #tpu.memory_space<semaphore_mem>>) src(%dma_wait3A_647 : memref<52x128xf32, #tpu.memory_space<vmem>>) dst(%dma_wait3A_644 : memref<52x128xf32, #tpu.memory_space<hbm>>)
    %dma_wait3A_648 = arith.constant 3 : i32
    %dma_wait3A_649 = arith.constant 52 : i32
    %dma_wait3A_650 = arith.constant 0 : i32
    %dma_wait3A_651 = tpu.memref_slice %arg5[%dma_wait3A_649, %dma_wait3A_650] : memref<212x128xf32, #tpu.memory_space<vmem>> -> memref<52x128xf32, #tpu.memory_space<vmem>>
    %dma_wait3A_652 = arith.constant 0 : i32
    %dma_wait3A_653 = tpu.memref_slice %arg3[%add3A_180, %dma_wait3A_648, %dma_wait3A_652] : memref<6760x8x128xf32, #tpu.memory_space<hbm>> -> memref<52x1x128xf32, #tpu.memory_space<hbm>>
    %dma_wait3A_654 = tpu.memref_squeeze %dma_wait3A_653 : memref<52x1x128xf32, #tpu.memory_space<hbm>> -> memref<52x128xf32, #tpu.memory_space<hbm>>
    %dma_wait3A_655 = arith.constant 0 : i32
    %dma_wait3A_656 = tpu.memref_slice %arg3[%add3A_180, %dma_wait3A_648, %dma_wait3A_655] : memref<6760x8x128xf32, #tpu.memory_space<hbm>> -> memref<52x1x128xf32, #tpu.memory_space<hbm>>
    %dma_wait3A_657 = tpu.memref_squeeze %dma_wait3A_656 : memref<52x1x128xf32, #tpu.memory_space<hbm>> -> memref<52x128xf32, #tpu.memory_space<hbm>>
    %dma_wait3A_658 = arith.constant 52 : i32
    %dma_wait3A_659 = arith.constant 0 : i32
    %dma_wait3A_660 = tpu.memref_slice %arg5[%dma_wait3A_658, %dma_wait3A_659] : memref<212x128xf32, #tpu.memory_space<vmem>> -> memref<52x128xf32, #tpu.memory_space<vmem>>
    tpu.wait_dma2 semaphore(%arg6 : memref<!tpu.dma_semaphore, #tpu.memory_space<semaphore_mem>>) src(%dma_wait3A_660 : memref<52x128xf32, #tpu.memory_space<vmem>>) dst(%dma_wait3A_657 : memref<52x128xf32, #tpu.memory_space<hbm>>)
    %dma_wait3A_661 = arith.constant 4 : i32
    %dma_wait3A_662 = arith.constant 52 : i32
    %dma_wait3A_663 = arith.constant 0 : i32
    %dma_wait3A_664 = tpu.memref_slice %arg5[%dma_wait3A_662, %dma_wait3A_663] : memref<212x128xf32, #tpu.memory_space<vmem>> -> memref<52x128xf32, #tpu.memory_space<vmem>>
    %dma_wait3A_665 = arith.constant 0 : i32
    %dma_wait3A_666 = tpu.memref_slice %arg3[%add3A_195, %dma_wait3A_661, %dma_wait3A_665] : memref<6760x8x128xf32, #tpu.memory_space<hbm>> -> memref<52x1x128xf32, #tpu.memory_space<hbm>>
    %dma_wait3A_667 = tpu.memref_squeeze %dma_wait3A_666 : memref<52x1x128xf32, #tpu.memory_space<hbm>> -> memref<52x128xf32, #tpu.memory_space<hbm>>
    %dma_wait3A_668 = arith.constant 0 : i32
    %dma_wait3A_669 = tpu.memref_slice %arg3[%add3A_195, %dma_wait3A_661, %dma_wait3A_668] : memref<6760x8x128xf32, #tpu.memory_space<hbm>> -> memref<52x1x128xf32, #tpu.memory_space<hbm>>
    %dma_wait3A_670 = tpu.memref_squeeze %dma_wait3A_669 : memref<52x1x128xf32, #tpu.memory_space<hbm>> -> memref<52x128xf32, #tpu.memory_space<hbm>>
    %dma_wait3A_671 = arith.constant 52 : i32
    %dma_wait3A_672 = arith.constant 0 : i32
    %dma_wait3A_673 = tpu.memref_slice %arg5[%dma_wait3A_671, %dma_wait3A_672] : memref<212x128xf32, #tpu.memory_space<vmem>> -> memref<52x128xf32, #tpu.memory_space<vmem>>
    tpu.wait_dma2 semaphore(%arg6 : memref<!tpu.dma_semaphore, #tpu.memory_space<semaphore_mem>>) src(%dma_wait3A_673 : memref<52x128xf32, #tpu.memory_space<vmem>>) dst(%dma_wait3A_670 : memref<52x128xf32, #tpu.memory_space<hbm>>)
    %dma_wait3A_674 = arith.constant 5 : i32
    %dma_wait3A_675 = arith.constant 52 : i32
    %dma_wait3A_676 = arith.constant 0 : i32
    %dma_wait3A_677 = tpu.memref_slice %arg5[%dma_wait3A_675, %dma_wait3A_676] : memref<212x128xf32, #tpu.memory_space<vmem>> -> memref<52x128xf32, #tpu.memory_space<vmem>>
    %dma_wait3A_678 = arith.constant 0 : i32
    %dma_wait3A_679 = tpu.memref_slice %arg3[%add3A_210, %dma_wait3A_674, %dma_wait3A_678] : memref<6760x8x128xf32, #tpu.memory_space<hbm>> -> memref<52x1x128xf32, #tpu.memory_space<hbm>>
    %dma_wait3A_680 = tpu.memref_squeeze %dma_wait3A_679 : memref<52x1x128xf32, #tpu.memory_space<hbm>> -> memref<52x128xf32, #tpu.memory_space<hbm>>
    %dma_wait3A_681 = arith.constant 0 : i32
    %dma_wait3A_682 = tpu.memref_slice %arg3[%add3A_210, %dma_wait3A_674, %dma_wait3A_681] : memref<6760x8x128xf32, #tpu.memory_space<hbm>> -> memref<52x1x128xf32, #tpu.memory_space<hbm>>
    %dma_wait3A_683 = tpu.memref_squeeze %dma_wait3A_682 : memref<52x1x128xf32, #tpu.memory_space<hbm>> -> memref<52x128xf32, #tpu.memory_space<hbm>>
    %dma_wait3A_684 = arith.constant 52 : i32
    %dma_wait3A_685 = arith.constant 0 : i32
    %dma_wait3A_686 = tpu.memref_slice %arg5[%dma_wait3A_684, %dma_wait3A_685] : memref<212x128xf32, #tpu.memory_space<vmem>> -> memref<52x128xf32, #tpu.memory_space<vmem>>
    tpu.wait_dma2 semaphore(%arg6 : memref<!tpu.dma_semaphore, #tpu.memory_space<semaphore_mem>>) src(%dma_wait3A_686 : memref<52x128xf32, #tpu.memory_space<vmem>>) dst(%dma_wait3A_683 : memref<52x128xf32, #tpu.memory_space<hbm>>)
    %dma_wait3A_687 = arith.constant 6 : i32
    %dma_wait3A_688 = arith.constant 52 : i32
    %dma_wait3A_689 = arith.constant 0 : i32
    %dma_wait3A_690 = tpu.memref_slice %arg5[%dma_wait3A_688, %dma_wait3A_689] : memref<212x128xf32, #tpu.memory_space<vmem>> -> memref<52x128xf32, #tpu.memory_space<vmem>>
    %dma_wait3A_691 = arith.constant 0 : i32
    %dma_wait3A_692 = tpu.memref_slice %arg3[%add3A_225, %dma_wait3A_687, %dma_wait3A_691] : memref<6760x8x128xf32, #tpu.memory_space<hbm>> -> memref<52x1x128xf32, #tpu.memory_space<hbm>>
    %dma_wait3A_693 = tpu.memref_squeeze %dma_wait3A_692 : memref<52x1x128xf32, #tpu.memory_space<hbm>> -> memref<52x128xf32, #tpu.memory_space<hbm>>
    %dma_wait3A_694 = arith.constant 0 : i32
    %dma_wait3A_695 = tpu.memref_slice %arg3[%add3A_225, %dma_wait3A_687, %dma_wait3A_694] : memref<6760x8x128xf32, #tpu.memory_space<hbm>> -> memref<52x1x128xf32, #tpu.memory_space<hbm>>
    %dma_wait3A_696 = tpu.memref_squeeze %dma_wait3A_695 : memref<52x1x128xf32, #tpu.memory_space<hbm>> -> memref<52x128xf32, #tpu.memory_space<hbm>>
    %dma_wait3A_697 = arith.constant 52 : i32
    %dma_wait3A_698 = arith.constant 0 : i32
    %dma_wait3A_699 = tpu.memref_slice %arg5[%dma_wait3A_697, %dma_wait3A_698] : memref<212x128xf32, #tpu.memory_space<vmem>> -> memref<52x128xf32, #tpu.memory_space<vmem>>
    tpu.wait_dma2 semaphore(%arg6 : memref<!tpu.dma_semaphore, #tpu.memory_space<semaphore_mem>>) src(%dma_wait3A_699 : memref<52x128xf32, #tpu.memory_space<vmem>>) dst(%dma_wait3A_696 : memref<52x128xf32, #tpu.memory_space<hbm>>)
    %dma_wait3A_700 = arith.constant 7 : i32
    %dma_wait3A_701 = arith.constant 52 : i32
    %dma_wait3A_702 = arith.constant 0 : i32
    %dma_wait3A_703 = tpu.memref_slice %arg5[%dma_wait3A_701, %dma_wait3A_702] : memref<212x128xf32, #tpu.memory_space<vmem>> -> memref<52x128xf32, #tpu.memory_space<vmem>>
    %dma_wait3A_704 = arith.constant 0 : i32
    %dma_wait3A_705 = tpu.memref_slice %arg3[%add3A_240, %dma_wait3A_700, %dma_wait3A_704] : memref<6760x8x128xf32, #tpu.memory_space<hbm>> -> memref<52x1x128xf32, #tpu.memory_space<hbm>>
    %dma_wait3A_706 = tpu.memref_squeeze %dma_wait3A_705 : memref<52x1x128xf32, #tpu.memory_space<hbm>> -> memref<52x128xf32, #tpu.memory_space<hbm>>
    %dma_wait3A_707 = arith.constant 0 : i32
    %dma_wait3A_708 = tpu.memref_slice %arg3[%add3A_240, %dma_wait3A_700, %dma_wait3A_707] : memref<6760x8x128xf32, #tpu.memory_space<hbm>> -> memref<52x1x128xf32, #tpu.memory_space<hbm>>
    %dma_wait3A_709 = tpu.memref_squeeze %dma_wait3A_708 : memref<52x1x128xf32, #tpu.memory_space<hbm>> -> memref<52x128xf32, #tpu.memory_space<hbm>>
    %dma_wait3A_710 = arith.constant 52 : i32
    %dma_wait3A_711 = arith.constant 0 : i32
    %dma_wait3A_712 = tpu.memref_slice %arg5[%dma_wait3A_710, %dma_wait3A_711] : memref<212x128xf32, #tpu.memory_space<vmem>> -> memref<52x128xf32, #tpu.memory_space<vmem>>
    tpu.wait_dma2 semaphore(%arg6 : memref<!tpu.dma_semaphore, #tpu.memory_space<semaphore_mem>>) src(%dma_wait3A_712 : memref<52x128xf32, #tpu.memory_space<vmem>>) dst(%dma_wait3A_709 : memref<52x128xf32, #tpu.memory_space<hbm>>)
    %dma_wait3A_713 = arith.constant 0 : i32
    %dma_wait3A_714 = arith.constant 104 : i32
    %dma_wait3A_715 = arith.constant 0 : i32
    %dma_wait3A_716 = tpu.memref_slice %arg5[%dma_wait3A_714, %dma_wait3A_715] : memref<212x128xf32, #tpu.memory_space<vmem>> -> memref<52x128xf32, #tpu.memory_space<vmem>>
    %dma_wait3A_717 = arith.constant 0 : i32
    %dma_wait3A_718 = tpu.memref_slice %arg3[%add3A_261, %dma_wait3A_713, %dma_wait3A_717] : memref<6760x8x128xf32, #tpu.memory_space<hbm>> -> memref<52x1x128xf32, #tpu.memory_space<hbm>>
    %dma_wait3A_719 = tpu.memref_squeeze %dma_wait3A_718 : memref<52x1x128xf32, #tpu.memory_space<hbm>> -> memref<52x128xf32, #tpu.memory_space<hbm>>
    %dma_wait3A_720 = arith.constant 0 : i32
    %dma_wait3A_721 = tpu.memref_slice %arg3[%add3A_261, %dma_wait3A_713, %dma_wait3A_720] : memref<6760x8x128xf32, #tpu.memory_space<hbm>> -> memref<52x1x128xf32, #tpu.memory_space<hbm>>
    %dma_wait3A_722 = tpu.memref_squeeze %dma_wait3A_721 : memref<52x1x128xf32, #tpu.memory_space<hbm>> -> memref<52x128xf32, #tpu.memory_space<hbm>>
    %dma_wait3A_723 = arith.constant 104 : i32
    %dma_wait3A_724 = arith.constant 0 : i32
    %dma_wait3A_725 = tpu.memref_slice %arg5[%dma_wait3A_723, %dma_wait3A_724] : memref<212x128xf32, #tpu.memory_space<vmem>> -> memref<52x128xf32, #tpu.memory_space<vmem>>
    tpu.wait_dma2 semaphore(%arg6 : memref<!tpu.dma_semaphore, #tpu.memory_space<semaphore_mem>>) src(%dma_wait3A_725 : memref<52x128xf32, #tpu.memory_space<vmem>>) dst(%dma_wait3A_722 : memref<52x128xf32, #tpu.memory_space<hbm>>)
    %dma_wait3A_726 = arith.constant 1 : i32
    %dma_wait3A_727 = arith.constant 104 : i32
    %dma_wait3A_728 = arith.constant 0 : i32
    %dma_wait3A_729 = tpu.memref_slice %arg5[%dma_wait3A_727, %dma_wait3A_728] : memref<212x128xf32, #tpu.memory_space<vmem>> -> memref<52x128xf32, #tpu.memory_space<vmem>>
    %dma_wait3A_730 = arith.constant 0 : i32
    %dma_wait3A_731 = tpu.memref_slice %arg3[%add3A_276, %dma_wait3A_726, %dma_wait3A_730] : memref<6760x8x128xf32, #tpu.memory_space<hbm>> -> memref<52x1x128xf32, #tpu.memory_space<hbm>>
    %dma_wait3A_732 = tpu.memref_squeeze %dma_wait3A_731 : memref<52x1x128xf32, #tpu.memory_space<hbm>> -> memref<52x128xf32, #tpu.memory_space<hbm>>
    %dma_wait3A_733 = arith.constant 0 : i32
    %dma_wait3A_734 = tpu.memref_slice %arg3[%add3A_276, %dma_wait3A_726, %dma_wait3A_733] : memref<6760x8x128xf32, #tpu.memory_space<hbm>> -> memref<52x1x128xf32, #tpu.memory_space<hbm>>
    %dma_wait3A_735 = tpu.memref_squeeze %dma_wait3A_734 : memref<52x1x128xf32, #tpu.memory_space<hbm>> -> memref<52x128xf32, #tpu.memory_space<hbm>>
    %dma_wait3A_736 = arith.constant 104 : i32
    %dma_wait3A_737 = arith.constant 0 : i32
    %dma_wait3A_738 = tpu.memref_slice %arg5[%dma_wait3A_736, %dma_wait3A_737] : memref<212x128xf32, #tpu.memory_space<vmem>> -> memref<52x128xf32, #tpu.memory_space<vmem>>
    tpu.wait_dma2 semaphore(%arg6 : memref<!tpu.dma_semaphore, #tpu.memory_space<semaphore_mem>>) src(%dma_wait3A_738 : memref<52x128xf32, #tpu.memory_space<vmem>>) dst(%dma_wait3A_735 : memref<52x128xf32, #tpu.memory_space<hbm>>)
    %dma_wait3A_739 = arith.constant 2 : i32
    %dma_wait3A_740 = arith.constant 104 : i32
    %dma_wait3A_741 = arith.constant 0 : i32
    %dma_wait3A_742 = tpu.memref_slice %arg5[%dma_wait3A_740, %dma_wait3A_741] : memref<212x128xf32, #tpu.memory_space<vmem>> -> memref<52x128xf32, #tpu.memory_space<vmem>>
    %dma_wait3A_743 = arith.constant 0 : i32
    %dma_wait3A_744 = tpu.memref_slice %arg3[%add3A_291, %dma_wait3A_739, %dma_wait3A_743] : memref<6760x8x128xf32, #tpu.memory_space<hbm>> -> memref<52x1x128xf32, #tpu.memory_space<hbm>>
    %dma_wait3A_745 = tpu.memref_squeeze %dma_wait3A_744 : memref<52x1x128xf32, #tpu.memory_space<hbm>> -> memref<52x128xf32, #tpu.memory_space<hbm>>
    %dma_wait3A_746 = arith.constant 0 : i32
    %dma_wait3A_747 = tpu.memref_slice %arg3[%add3A_291, %dma_wait3A_739, %dma_wait3A_746] : memref<6760x8x128xf32, #tpu.memory_space<hbm>> -> memref<52x1x128xf32, #tpu.memory_space<hbm>>
    %dma_wait3A_748 = tpu.memref_squeeze %dma_wait3A_747 : memref<52x1x128xf32, #tpu.memory_space<hbm>> -> memref<52x128xf32, #tpu.memory_space<hbm>>
    %dma_wait3A_749 = arith.constant 104 : i32
    %dma_wait3A_750 = arith.constant 0 : i32
    %dma_wait3A_751 = tpu.memref_slice %arg5[%dma_wait3A_749, %dma_wait3A_750] : memref<212x128xf32, #tpu.memory_space<vmem>> -> memref<52x128xf32, #tpu.memory_space<vmem>>
    tpu.wait_dma2 semaphore(%arg6 : memref<!tpu.dma_semaphore, #tpu.memory_space<semaphore_mem>>) src(%dma_wait3A_751 : memref<52x128xf32, #tpu.memory_space<vmem>>) dst(%dma_wait3A_748 : memref<52x128xf32, #tpu.memory_space<hbm>>)
    %dma_wait3A_752 = arith.constant 3 : i32
    %dma_wait3A_753 = arith.constant 104 : i32
    %dma_wait3A_754 = arith.constant 0 : i32
    %dma_wait3A_755 = tpu.memref_slice %arg5[%dma_wait3A_753, %dma_wait3A_754] : memref<212x128xf32, #tpu.memory_space<vmem>> -> memref<52x128xf32, #tpu.memory_space<vmem>>
    %dma_wait3A_756 = arith.constant 0 : i32
    %dma_wait3A_757 = tpu.memref_slice %arg3[%add3A_306, %dma_wait3A_752, %dma_wait3A_756] : memref<6760x8x128xf32, #tpu.memory_space<hbm>> -> memref<52x1x128xf32, #tpu.memory_space<hbm>>
    %dma_wait3A_758 = tpu.memref_squeeze %dma_wait3A_757 : memref<52x1x128xf32, #tpu.memory_space<hbm>> -> memref<52x128xf32, #tpu.memory_space<hbm>>
    %dma_wait3A_759 = arith.constant 0 : i32
    %dma_wait3A_760 = tpu.memref_slice %arg3[%add3A_306, %dma_wait3A_752, %dma_wait3A_759] : memref<6760x8x128xf32, #tpu.memory_space<hbm>> -> memref<52x1x128xf32, #tpu.memory_space<hbm>>
    %dma_wait3A_761 = tpu.memref_squeeze %dma_wait3A_760 : memref<52x1x128xf32, #tpu.memory_space<hbm>> -> memref<52x128xf32, #tpu.memory_space<hbm>>
    %dma_wait3A_762 = arith.constant 104 : i32
    %dma_wait3A_763 = arith.constant 0 : i32
    %dma_wait3A_764 = tpu.memref_slice %arg5[%dma_wait3A_762, %dma_wait3A_763] : memref<212x128xf32, #tpu.memory_space<vmem>> -> memref<52x128xf32, #tpu.memory_space<vmem>>
    tpu.wait_dma2 semaphore(%arg6 : memref<!tpu.dma_semaphore, #tpu.memory_space<semaphore_mem>>) src(%dma_wait3A_764 : memref<52x128xf32, #tpu.memory_space<vmem>>) dst(%dma_wait3A_761 : memref<52x128xf32, #tpu.memory_space<hbm>>)
    %dma_wait3A_765 = arith.constant 4 : i32
    %dma_wait3A_766 = arith.constant 104 : i32
    %dma_wait3A_767 = arith.constant 0 : i32
    %dma_wait3A_768 = tpu.memref_slice %arg5[%dma_wait3A_766, %dma_wait3A_767] : memref<212x128xf32, #tpu.memory_space<vmem>> -> memref<52x128xf32, #tpu.memory_space<vmem>>
    %dma_wait3A_769 = arith.constant 0 : i32
    %dma_wait3A_770 = tpu.memref_slice %arg3[%add3A_321, %dma_wait3A_765, %dma_wait3A_769] : memref<6760x8x128xf32, #tpu.memory_space<hbm>> -> memref<52x1x128xf32, #tpu.memory_space<hbm>>
    %dma_wait3A_771 = tpu.memref_squeeze %dma_wait3A_770 : memref<52x1x128xf32, #tpu.memory_space<hbm>> -> memref<52x128xf32, #tpu.memory_space<hbm>>
    %dma_wait3A_772 = arith.constant 0 : i32
    %dma_wait3A_773 = tpu.memref_slice %arg3[%add3A_321, %dma_wait3A_765, %dma_wait3A_772] : memref<6760x8x128xf32, #tpu.memory_space<hbm>> -> memref<52x1x128xf32, #tpu.memory_space<hbm>>
    %dma_wait3A_774 = tpu.memref_squeeze %dma_wait3A_773 : memref<52x1x128xf32, #tpu.memory_space<hbm>> -> memref<52x128xf32, #tpu.memory_space<hbm>>
    %dma_wait3A_775 = arith.constant 104 : i32
    %dma_wait3A_776 = arith.constant 0 : i32
    %dma_wait3A_777 = tpu.memref_slice %arg5[%dma_wait3A_775, %dma_wait3A_776] : memref<212x128xf32, #tpu.memory_space<vmem>> -> memref<52x128xf32, #tpu.memory_space<vmem>>
    tpu.wait_dma2 semaphore(%arg6 : memref<!tpu.dma_semaphore, #tpu.memory_space<semaphore_mem>>) src(%dma_wait3A_777 : memref<52x128xf32, #tpu.memory_space<vmem>>) dst(%dma_wait3A_774 : memref<52x128xf32, #tpu.memory_space<hbm>>)
    %dma_wait3A_778 = arith.constant 5 : i32
    %dma_wait3A_779 = arith.constant 104 : i32
    %dma_wait3A_780 = arith.constant 0 : i32
    %dma_wait3A_781 = tpu.memref_slice %arg5[%dma_wait3A_779, %dma_wait3A_780] : memref<212x128xf32, #tpu.memory_space<vmem>> -> memref<52x128xf32, #tpu.memory_space<vmem>>
    %dma_wait3A_782 = arith.constant 0 : i32
    %dma_wait3A_783 = tpu.memref_slice %arg3[%add3A_336, %dma_wait3A_778, %dma_wait3A_782] : memref<6760x8x128xf32, #tpu.memory_space<hbm>> -> memref<52x1x128xf32, #tpu.memory_space<hbm>>
    %dma_wait3A_784 = tpu.memref_squeeze %dma_wait3A_783 : memref<52x1x128xf32, #tpu.memory_space<hbm>> -> memref<52x128xf32, #tpu.memory_space<hbm>>
    %dma_wait3A_785 = arith.constant 0 : i32
    %dma_wait3A_786 = tpu.memref_slice %arg3[%add3A_336, %dma_wait3A_778, %dma_wait3A_785] : memref<6760x8x128xf32, #tpu.memory_space<hbm>> -> memref<52x1x128xf32, #tpu.memory_space<hbm>>
    %dma_wait3A_787 = tpu.memref_squeeze %dma_wait3A_786 : memref<52x1x128xf32, #tpu.memory_space<hbm>> -> memref<52x128xf32, #tpu.memory_space<hbm>>
    %dma_wait3A_788 = arith.constant 104 : i32
    %dma_wait3A_789 = arith.constant 0 : i32
    %dma_wait3A_790 = tpu.memref_slice %arg5[%dma_wait3A_788, %dma_wait3A_789] : memref<212x128xf32, #tpu.memory_space<vmem>> -> memref<52x128xf32, #tpu.memory_space<vmem>>
    tpu.wait_dma2 semaphore(%arg6 : memref<!tpu.dma_semaphore, #tpu.memory_space<semaphore_mem>>) src(%dma_wait3A_790 : memref<52x128xf32, #tpu.memory_space<vmem>>) dst(%dma_wait3A_787 : memref<52x128xf32, #tpu.memory_space<hbm>>)
    %dma_wait3A_791 = arith.constant 6 : i32
    %dma_wait3A_792 = arith.constant 104 : i32
    %dma_wait3A_793 = arith.constant 0 : i32
    %dma_wait3A_794 = tpu.memref_slice %arg5[%dma_wait3A_792, %dma_wait3A_793] : memref<212x128xf32, #tpu.memory_space<vmem>> -> memref<52x128xf32, #tpu.memory_space<vmem>>
    %dma_wait3A_795 = arith.constant 0 : i32
    %dma_wait3A_796 = tpu.memref_slice %arg3[%add3A_351, %dma_wait3A_791, %dma_wait3A_795] : memref<6760x8x128xf32, #tpu.memory_space<hbm>> -> memref<52x1x128xf32, #tpu.memory_space<hbm>>
    %dma_wait3A_797 = tpu.memref_squeeze %dma_wait3A_796 : memref<52x1x128xf32, #tpu.memory_space<hbm>> -> memref<52x128xf32, #tpu.memory_space<hbm>>
    %dma_wait3A_798 = arith.constant 0 : i32
    %dma_wait3A_799 = tpu.memref_slice %arg3[%add3A_351, %dma_wait3A_791, %dma_wait3A_798] : memref<6760x8x128xf32, #tpu.memory_space<hbm>> -> memref<52x1x128xf32, #tpu.memory_space<hbm>>
    %dma_wait3A_800 = tpu.memref_squeeze %dma_wait3A_799 : memref<52x1x128xf32, #tpu.memory_space<hbm>> -> memref<52x128xf32, #tpu.memory_space<hbm>>
    %dma_wait3A_801 = arith.constant 104 : i32
    %dma_wait3A_802 = arith.constant 0 : i32
    %dma_wait3A_803 = tpu.memref_slice %arg5[%dma_wait3A_801, %dma_wait3A_802] : memref<212x128xf32, #tpu.memory_space<vmem>> -> memref<52x128xf32, #tpu.memory_space<vmem>>
    tpu.wait_dma2 semaphore(%arg6 : memref<!tpu.dma_semaphore, #tpu.memory_space<semaphore_mem>>) src(%dma_wait3A_803 : memref<52x128xf32, #tpu.memory_space<vmem>>) dst(%dma_wait3A_800 : memref<52x128xf32, #tpu.memory_space<hbm>>)
    %dma_wait3A_804 = arith.constant 7 : i32
    %dma_wait3A_805 = arith.constant 104 : i32
    %dma_wait3A_806 = arith.constant 0 : i32
    %dma_wait3A_807 = tpu.memref_slice %arg5[%dma_wait3A_805, %dma_wait3A_806] : memref<212x128xf32, #tpu.memory_space<vmem>> -> memref<52x128xf32, #tpu.memory_space<vmem>>
    %dma_wait3A_808 = arith.constant 0 : i32
    %dma_wait3A_809 = tpu.memref_slice %arg3[%add3A_366, %dma_wait3A_804, %dma_wait3A_808] : memref<6760x8x128xf32, #tpu.memory_space<hbm>> -> memref<52x1x128xf32, #tpu.memory_space<hbm>>
    %dma_wait3A_810 = tpu.memref_squeeze %dma_wait3A_809 : memref<52x1x128xf32, #tpu.memory_space<hbm>> -> memref<52x128xf32, #tpu.memory_space<hbm>>
    %dma_wait3A_811 = arith.constant 0 : i32
    %dma_wait3A_812 = tpu.memref_slice %arg3[%add3A_366, %dma_wait3A_804, %dma_wait3A_811] : memref<6760x8x128xf32, #tpu.memory_space<hbm>> -> memref<52x1x128xf32, #tpu.memory_space<hbm>>
    %dma_wait3A_813 = tpu.memref_squeeze %dma_wait3A_812 : memref<52x1x128xf32, #tpu.memory_space<hbm>> -> memref<52x128xf32, #tpu.memory_space<hbm>>
    %dma_wait3A_814 = arith.constant 104 : i32
    %dma_wait3A_815 = arith.constant 0 : i32
    %dma_wait3A_816 = tpu.memref_slice %arg5[%dma_wait3A_814, %dma_wait3A_815] : memref<212x128xf32, #tpu.memory_space<vmem>> -> memref<52x128xf32, #tpu.memory_space<vmem>>
    tpu.wait_dma2 semaphore(%arg6 : memref<!tpu.dma_semaphore, #tpu.memory_space<semaphore_mem>>) src(%dma_wait3A_816 : memref<52x128xf32, #tpu.memory_space<vmem>>) dst(%dma_wait3A_813 : memref<52x128xf32, #tpu.memory_space<hbm>>)
    %dma_wait3A_817 = arith.constant 0 : i32
    %dma_wait3A_818 = arith.constant 156 : i32
    %dma_wait3A_819 = arith.constant 0 : i32
    %dma_wait3A_820 = tpu.memref_slice %arg5[%dma_wait3A_818, %dma_wait3A_819] : memref<212x128xf32, #tpu.memory_space<vmem>> -> memref<56x128xf32, #tpu.memory_space<vmem>>
    %dma_wait3A_821 = arith.constant 0 : i32
    %dma_wait3A_822 = tpu.memref_slice %arg3[%add3A_387, %dma_wait3A_817, %dma_wait3A_821] : memref<6760x8x128xf32, #tpu.memory_space<hbm>> -> memref<56x1x128xf32, #tpu.memory_space<hbm>>
    %dma_wait3A_823 = tpu.memref_squeeze %dma_wait3A_822 : memref<56x1x128xf32, #tpu.memory_space<hbm>> -> memref<56x128xf32, #tpu.memory_space<hbm>>
    %dma_wait3A_824 = arith.constant 0 : i32
    %dma_wait3A_825 = tpu.memref_slice %arg3[%add3A_387, %dma_wait3A_817, %dma_wait3A_824] : memref<6760x8x128xf32, #tpu.memory_space<hbm>> -> memref<56x1x128xf32, #tpu.memory_space<hbm>>
    %dma_wait3A_826 = tpu.memref_squeeze %dma_wait3A_825 : memref<56x1x128xf32, #tpu.memory_space<hbm>> -> memref<56x128xf32, #tpu.memory_space<hbm>>
    %dma_wait3A_827 = arith.constant 156 : i32
    %dma_wait3A_828 = arith.constant 0 : i32
    %dma_wait3A_829 = tpu.memref_slice %arg5[%dma_wait3A_827, %dma_wait3A_828] : memref<212x128xf32, #tpu.memory_space<vmem>> -> memref<56x128xf32, #tpu.memory_space<vmem>>
    tpu.wait_dma2 semaphore(%arg6 : memref<!tpu.dma_semaphore, #tpu.memory_space<semaphore_mem>>) src(%dma_wait3A_829 : memref<56x128xf32, #tpu.memory_space<vmem>>) dst(%dma_wait3A_826 : memref<56x128xf32, #tpu.memory_space<hbm>>)
    %dma_wait3A_830 = arith.constant 1 : i32
    %dma_wait3A_831 = arith.constant 156 : i32
    %dma_wait3A_832 = arith.constant 0 : i32
    %dma_wait3A_833 = tpu.memref_slice %arg5[%dma_wait3A_831, %dma_wait3A_832] : memref<212x128xf32, #tpu.memory_space<vmem>> -> memref<56x128xf32, #tpu.memory_space<vmem>>
    %dma_wait3A_834 = arith.constant 0 : i32
    %dma_wait3A_835 = tpu.memref_slice %arg3[%add3A_402, %dma_wait3A_830, %dma_wait3A_834] : memref<6760x8x128xf32, #tpu.memory_space<hbm>> -> memref<56x1x128xf32, #tpu.memory_space<hbm>>
    %dma_wait3A_836 = tpu.memref_squeeze %dma_wait3A_835 : memref<56x1x128xf32, #tpu.memory_space<hbm>> -> memref<56x128xf32, #tpu.memory_space<hbm>>
    %dma_wait3A_837 = arith.constant 0 : i32
    %dma_wait3A_838 = tpu.memref_slice %arg3[%add3A_402, %dma_wait3A_830, %dma_wait3A_837] : memref<6760x8x128xf32, #tpu.memory_space<hbm>> -> memref<56x1x128xf32, #tpu.memory_space<hbm>>
    %dma_wait3A_839 = tpu.memref_squeeze %dma_wait3A_838 : memref<56x1x128xf32, #tpu.memory_space<hbm>> -> memref<56x128xf32, #tpu.memory_space<hbm>>
    %dma_wait3A_840 = arith.constant 156 : i32
    %dma_wait3A_841 = arith.constant 0 : i32
    %dma_wait3A_842 = tpu.memref_slice %arg5[%dma_wait3A_840, %dma_wait3A_841] : memref<212x128xf32, #tpu.memory_space<vmem>> -> memref<56x128xf32, #tpu.memory_space<vmem>>
    tpu.wait_dma2 semaphore(%arg6 : memref<!tpu.dma_semaphore, #tpu.memory_space<semaphore_mem>>) src(%dma_wait3A_842 : memref<56x128xf32, #tpu.memory_space<vmem>>) dst(%dma_wait3A_839 : memref<56x128xf32, #tpu.memory_space<hbm>>)
    %dma_wait3A_843 = arith.constant 2 : i32
    %dma_wait3A_844 = arith.constant 156 : i32
    %dma_wait3A_845 = arith.constant 0 : i32
    %dma_wait3A_846 = tpu.memref_slice %arg5[%dma_wait3A_844, %dma_wait3A_845] : memref<212x128xf32, #tpu.memory_space<vmem>> -> memref<56x128xf32, #tpu.memory_space<vmem>>
    %dma_wait3A_847 = arith.constant 0 : i32
    %dma_wait3A_848 = tpu.memref_slice %arg3[%add3A_417, %dma_wait3A_843, %dma_wait3A_847] : memref<6760x8x128xf32, #tpu.memory_space<hbm>> -> memref<56x1x128xf32, #tpu.memory_space<hbm>>
    %dma_wait3A_849 = tpu.memref_squeeze %dma_wait3A_848 : memref<56x1x128xf32, #tpu.memory_space<hbm>> -> memref<56x128xf32, #tpu.memory_space<hbm>>
    %dma_wait3A_850 = arith.constant 0 : i32
    %dma_wait3A_851 = tpu.memref_slice %arg3[%add3A_417, %dma_wait3A_843, %dma_wait3A_850] : memref<6760x8x128xf32, #tpu.memory_space<hbm>> -> memref<56x1x128xf32, #tpu.memory_space<hbm>>
    %dma_wait3A_852 = tpu.memref_squeeze %dma_wait3A_851 : memref<56x1x128xf32, #tpu.memory_space<hbm>> -> memref<56x128xf32, #tpu.memory_space<hbm>>
    %dma_wait3A_853 = arith.constant 156 : i32
    %dma_wait3A_854 = arith.constant 0 : i32
    %dma_wait3A_855 = tpu.memref_slice %arg5[%dma_wait3A_853, %dma_wait3A_854] : memref<212x128xf32, #tpu.memory_space<vmem>> -> memref<56x128xf32, #tpu.memory_space<vmem>>
    tpu.wait_dma2 semaphore(%arg6 : memref<!tpu.dma_semaphore, #tpu.memory_space<semaphore_mem>>) src(%dma_wait3A_855 : memref<56x128xf32, #tpu.memory_space<vmem>>) dst(%dma_wait3A_852 : memref<56x128xf32, #tpu.memory_space<hbm>>)
    %dma_wait3A_856 = arith.constant 3 : i32
    %dma_wait3A_857 = arith.constant 156 : i32
    %dma_wait3A_858 = arith.constant 0 : i32
    %dma_wait3A_859 = tpu.memref_slice %arg5[%dma_wait3A_857, %dma_wait3A_858] : memref<212x128xf32, #tpu.memory_space<vmem>> -> memref<56x128xf32, #tpu.memory_space<vmem>>
    %dma_wait3A_860 = arith.constant 0 : i32
    %dma_wait3A_861 = tpu.memref_slice %arg3[%add3A_432, %dma_wait3A_856, %dma_wait3A_860] : memref<6760x8x128xf32, #tpu.memory_space<hbm>> -> memref<56x1x128xf32, #tpu.memory_space<hbm>>
    %dma_wait3A_862 = tpu.memref_squeeze %dma_wait3A_861 : memref<56x1x128xf32, #tpu.memory_space<hbm>> -> memref<56x128xf32, #tpu.memory_space<hbm>>
    %dma_wait3A_863 = arith.constant 0 : i32
    %dma_wait3A_864 = tpu.memref_slice %arg3[%add3A_432, %dma_wait3A_856, %dma_wait3A_863] : memref<6760x8x128xf32, #tpu.memory_space<hbm>> -> memref<56x1x128xf32, #tpu.memory_space<hbm>>
    %dma_wait3A_865 = tpu.memref_squeeze %dma_wait3A_864 : memref<56x1x128xf32, #tpu.memory_space<hbm>> -> memref<56x128xf32, #tpu.memory_space<hbm>>
    %dma_wait3A_866 = arith.constant 156 : i32
    %dma_wait3A_867 = arith.constant 0 : i32
    %dma_wait3A_868 = tpu.memref_slice %arg5[%dma_wait3A_866, %dma_wait3A_867] : memref<212x128xf32, #tpu.memory_space<vmem>> -> memref<56x128xf32, #tpu.memory_space<vmem>>
    tpu.wait_dma2 semaphore(%arg6 : memref<!tpu.dma_semaphore, #tpu.memory_space<semaphore_mem>>) src(%dma_wait3A_868 : memref<56x128xf32, #tpu.memory_space<vmem>>) dst(%dma_wait3A_865 : memref<56x128xf32, #tpu.memory_space<hbm>>)
    %dma_wait3A_869 = arith.constant 4 : i32
    %dma_wait3A_870 = arith.constant 156 : i32
    %dma_wait3A_871 = arith.constant 0 : i32
    %dma_wait3A_872 = tpu.memref_slice %arg5[%dma_wait3A_870, %dma_wait3A_871] : memref<212x128xf32, #tpu.memory_space<vmem>> -> memref<56x128xf32, #tpu.memory_space<vmem>>
    %dma_wait3A_873 = arith.constant 0 : i32
    %dma_wait3A_874 = tpu.memref_slice %arg3[%add3A_447, %dma_wait3A_869, %dma_wait3A_873] : memref<6760x8x128xf32, #tpu.memory_space<hbm>> -> memref<56x1x128xf32, #tpu.memory_space<hbm>>
    %dma_wait3A_875 = tpu.memref_squeeze %dma_wait3A_874 : memref<56x1x128xf32, #tpu.memory_space<hbm>> -> memref<56x128xf32, #tpu.memory_space<hbm>>
    %dma_wait3A_876 = arith.constant 0 : i32
    %dma_wait3A_877 = tpu.memref_slice %arg3[%add3A_447, %dma_wait3A_869, %dma_wait3A_876] : memref<6760x8x128xf32, #tpu.memory_space<hbm>> -> memref<56x1x128xf32, #tpu.memory_space<hbm>>
    %dma_wait3A_878 = tpu.memref_squeeze %dma_wait3A_877 : memref<56x1x128xf32, #tpu.memory_space<hbm>> -> memref<56x128xf32, #tpu.memory_space<hbm>>
    %dma_wait3A_879 = arith.constant 156 : i32
    %dma_wait3A_880 = arith.constant 0 : i32
    %dma_wait3A_881 = tpu.memref_slice %arg5[%dma_wait3A_879, %dma_wait3A_880] : memref<212x128xf32, #tpu.memory_space<vmem>> -> memref<56x128xf32, #tpu.memory_space<vmem>>
    tpu.wait_dma2 semaphore(%arg6 : memref<!tpu.dma_semaphore, #tpu.memory_space<semaphore_mem>>) src(%dma_wait3A_881 : memref<56x128xf32, #tpu.memory_space<vmem>>) dst(%dma_wait3A_878 : memref<56x128xf32, #tpu.memory_space<hbm>>)
    %dma_wait3A_882 = arith.constant 5 : i32
    %dma_wait3A_883 = arith.constant 156 : i32
    %dma_wait3A_884 = arith.constant 0 : i32
    %dma_wait3A_885 = tpu.memref_slice %arg5[%dma_wait3A_883, %dma_wait3A_884] : memref<212x128xf32, #tpu.memory_space<vmem>> -> memref<56x128xf32, #tpu.memory_space<vmem>>
    %dma_wait3A_886 = arith.constant 0 : i32
    %dma_wait3A_887 = tpu.memref_slice %arg3[%add3A_462, %dma_wait3A_882, %dma_wait3A_886] : memref<6760x8x128xf32, #tpu.memory_space<hbm>> -> memref<56x1x128xf32, #tpu.memory_space<hbm>>
    %dma_wait3A_888 = tpu.memref_squeeze %dma_wait3A_887 : memref<56x1x128xf32, #tpu.memory_space<hbm>> -> memref<56x128xf32, #tpu.memory_space<hbm>>
    %dma_wait3A_889 = arith.constant 0 : i32
    %dma_wait3A_890 = tpu.memref_slice %arg3[%add3A_462, %dma_wait3A_882, %dma_wait3A_889] : memref<6760x8x128xf32, #tpu.memory_space<hbm>> -> memref<56x1x128xf32, #tpu.memory_space<hbm>>
    %dma_wait3A_891 = tpu.memref_squeeze %dma_wait3A_890 : memref<56x1x128xf32, #tpu.memory_space<hbm>> -> memref<56x128xf32, #tpu.memory_space<hbm>>
    %dma_wait3A_892 = arith.constant 156 : i32
    %dma_wait3A_893 = arith.constant 0 : i32
    %dma_wait3A_894 = tpu.memref_slice %arg5[%dma_wait3A_892, %dma_wait3A_893] : memref<212x128xf32, #tpu.memory_space<vmem>> -> memref<56x128xf32, #tpu.memory_space<vmem>>
    tpu.wait_dma2 semaphore(%arg6 : memref<!tpu.dma_semaphore, #tpu.memory_space<semaphore_mem>>) src(%dma_wait3A_894 : memref<56x128xf32, #tpu.memory_space<vmem>>) dst(%dma_wait3A_891 : memref<56x128xf32, #tpu.memory_space<hbm>>)
    %dma_wait3A_895 = arith.constant 6 : i32
    %dma_wait3A_896 = arith.constant 156 : i32
    %dma_wait3A_897 = arith.constant 0 : i32
    %dma_wait3A_898 = tpu.memref_slice %arg5[%dma_wait3A_896, %dma_wait3A_897] : memref<212x128xf32, #tpu.memory_space<vmem>> -> memref<56x128xf32, #tpu.memory_space<vmem>>
    %dma_wait3A_899 = arith.constant 0 : i32
    %dma_wait3A_900 = tpu.memref_slice %arg3[%add3A_477, %dma_wait3A_895, %dma_wait3A_899] : memref<6760x8x128xf32, #tpu.memory_space<hbm>> -> memref<56x1x128xf32, #tpu.memory_space<hbm>>
    %dma_wait3A_901 = tpu.memref_squeeze %dma_wait3A_900 : memref<56x1x128xf32, #tpu.memory_space<hbm>> -> memref<56x128xf32, #tpu.memory_space<hbm>>
    %dma_wait3A_902 = arith.constant 0 : i32
    %dma_wait3A_903 = tpu.memref_slice %arg3[%add3A_477, %dma_wait3A_895, %dma_wait3A_902] : memref<6760x8x128xf32, #tpu.memory_space<hbm>> -> memref<56x1x128xf32, #tpu.memory_space<hbm>>
    %dma_wait3A_904 = tpu.memref_squeeze %dma_wait3A_903 : memref<56x1x128xf32, #tpu.memory_space<hbm>> -> memref<56x128xf32, #tpu.memory_space<hbm>>
    %dma_wait3A_905 = arith.constant 156 : i32
    %dma_wait3A_906 = arith.constant 0 : i32
    %dma_wait3A_907 = tpu.memref_slice %arg5[%dma_wait3A_905, %dma_wait3A_906] : memref<212x128xf32, #tpu.memory_space<vmem>> -> memref<56x128xf32, #tpu.memory_space<vmem>>
    tpu.wait_dma2 semaphore(%arg6 : memref<!tpu.dma_semaphore, #tpu.memory_space<semaphore_mem>>) src(%dma_wait3A_907 : memref<56x128xf32, #tpu.memory_space<vmem>>) dst(%dma_wait3A_904 : memref<56x128xf32, #tpu.memory_space<hbm>>)
    %dma_wait3A_908 = arith.constant 7 : i32
    %dma_wait3A_909 = arith.constant 156 : i32
    %dma_wait3A_910 = arith.constant 0 : i32
    %dma_wait3A_911 = tpu.memref_slice %arg5[%dma_wait3A_909, %dma_wait3A_910] : memref<212x128xf32, #tpu.memory_space<vmem>> -> memref<56x128xf32, #tpu.memory_space<vmem>>
    %dma_wait3A_912 = arith.constant 0 : i32
    %dma_wait3A_913 = tpu.memref_slice %arg3[%add3A_492, %dma_wait3A_908, %dma_wait3A_912] : memref<6760x8x128xf32, #tpu.memory_space<hbm>> -> memref<56x1x128xf32, #tpu.memory_space<hbm>>
    %dma_wait3A_914 = tpu.memref_squeeze %dma_wait3A_913 : memref<56x1x128xf32, #tpu.memory_space<hbm>> -> memref<56x128xf32, #tpu.memory_space<hbm>>
    %dma_wait3A_915 = arith.constant 0 : i32
    %dma_wait3A_916 = tpu.memref_slice %arg3[%add3A_492, %dma_wait3A_908, %dma_wait3A_915] : memref<6760x8x128xf32, #tpu.memory_space<hbm>> -> memref<56x1x128xf32, #tpu.memory_space<hbm>>
    %dma_wait3A_917 = tpu.memref_squeeze %dma_wait3A_916 : memref<56x1x128xf32, #tpu.memory_space<hbm>> -> memref<56x128xf32, #tpu.memory_space<hbm>>
    %dma_wait3A_918 = arith.constant 156 : i32
    %dma_wait3A_919 = arith.constant 0 : i32
    %dma_wait3A_920 = tpu.memref_slice %arg5[%dma_wait3A_918, %dma_wait3A_919] : memref<212x128xf32, #tpu.memory_space<vmem>> -> memref<56x128xf32, #tpu.memory_space<vmem>>
    tpu.wait_dma2 semaphore(%arg6 : memref<!tpu.dma_semaphore, #tpu.memory_space<semaphore_mem>>) src(%dma_wait3A_920 : memref<56x128xf32, #tpu.memory_space<vmem>>) dst(%dma_wait3A_917 : memref<56x128xf32, #tpu.memory_space<hbm>>)
    return
  }
}

</mosaic_0001>

<sc_bundles>
// kernel: _pos_embed.3.cloned.1.call-start
scs
__scs_entry_jumppad:
0x0: {  	(pc) =	sbr.rel $0x88, $3  }
0x1: {  	(tag) =	ssettag $0x0;
	lr =	simm.s32 $0x1  }
0x2: {  	[smem:$0x3F9E] =	sst lr;
	_ =	strace $0xD0000000  }
0x3: {  	_ = 	snop  }
0x4: {  	_ = 	snop  }
0x5: {  	_ = 	snop  }
0x6: {  	_ = 	snop  }
0x7: {  	_ = 	snop  }
__scs_overlays_trampoline_lowered:
0x8: {  	[smem:$0x3FAD] =	sst s0  }
0x9: {  	[smem:$0x3FAE] =	sst s1  }
0xa: {  	[smem:$0x3FAF] =	sst s2  }
0xb: {  	[smem:$0x3FB0] =	sst s3  }
0xc: {  	[smem:$0x3FB1] =	sst s4  }
0xd: {  	[smem:$0x3FB2] =	sst s5  }
0xe: {  	[smem:$0x3FB3] =	sst s6  }
0xf: {  	[smem:$0x3FB4] =	sst s7  }
0x10: {  	[smem:$0x3FB5] =	sst s8  }
0x11: {  	[smem:$0x3FB6] =	sst s9;
	s0 =	simm.s32 @!p0 $0x0  }
0x12: {  	s1 =	sld [smem:$0x3F9C];
	s0 =	simm.s32 @p0 $0x1  }
0x13: {  	[smem:$0x3FB7] =	sst s0;
	s0 =	simm.s32 @!p1 $0x0  }
0x14: {  	s2 =	sld [smem:$0x3F9B];
	s0 =	simm.s32 @p1 $0x1  }
0x15: {  	[smem:$0x3FB8] =	sst s0;
	s0 =	simm.s32 @!p2 $0x0  }
0x16: {  	s3 =	sld [smem:$0x3FDB];
	s0 =	simm.s32 @p2 $0x1  }
0x17: {  	s4 =	simm.s32 $0x1BF5;
	[smem:$0x3FBA] =	sst s0  }
0x18: {  	s0 =	sld [smem:$0x3F9D];
	_ =	swait.ge [sflag:s4], $0x0  }
0x19: {  	s7 =	sld [smem:$0x3F9E]  }
0x1a: {  	s8 =	sadd.s32 $0xFFFFE003, lr  }
0x1b: {  	s9 =	sadd.s32 $0xFFFFFEF7, lr;
	s5 =	simm.s32 $0xFFFFFFFF;
	p2 =	slt.u32 s8, $0xFFFFF086  }
0x1c: {  	p1 =	slt.u32 s9, $0xF7A;
	s5 =	simm.s32 @!p2 $0x0  }
0x1d: {  	s5 =	simm.s32 @p1 $0x1;
	p0 =	seq.s32 s7, s2  }
0x1e: {  	s7 =	smul.u32 @!p0 $0xF7A, s2;
	p2 =	seq.s32 @!p0 s5, $0x0  }
0x1f: {  	s9 =	smul.u32 $0xF7A, s1;
	s8 =	simm.s32 @!p0 $0x1BF5;
	p2 =	por !p2, p0  }
0x20: {  	[sflag:s8] =	ssyncset.s32 @!p0 $0xFFFFF086;
	s6 =	sadd.s32 @!p0 s3, s7;
	s7 =	simm.s32 @!p0 $0x108  }
0x21: {  	s3 =	sadd.s32 s3, s9;
	s6 =	sadd.s32 @!p0 $0x88, s6;
	s7 =	simm.s32 @p2 $0x1082  }
0x22: {  	[simem:s7], [sflag:s8] =	dma.local @!p0 [hbm:s6], $0xF7A  }
0x23: {  	s9 =	sor.u32 $0xD0000000, s2;
	s6 =	simm.s32 $0x108;
	_ =	swait.ge @!p0 [sflag:s8], $0x0  }
0x24: {  	s3 =	sadd.s32 $0x88, s3;
	s6 =	simm.s32 @!p1 $0x1082;
	[sflag:s4] =	ssyncset.s32 $0xFFFFF086  }
0x25: {  	[simem:s6], [sflag:s4] =	dma.local [hbm:s3], $0xF7A  }
0x26: {  	[smem:$0x3F9E] =	sst s1;
	(tag) =	ssettag s2;
	_ =	strace s9  }
0x27: {  	s1 =	sld [smem:$0x3FAE]  }
0x28: {  	s2 =	sld [smem:$0x3FAF]  }
0x29: {  	s4 =	sld [smem:$0x3FB1]  }
0x2a: {  	p0 =	seq.s32 s5, $0x0;
	s5 =	sld [smem:$0x3FB2]  }
0x2b: {  	s6 =	sld [smem:$0x3FB3]  }
0x2c: {  	s7 =	sld [smem:$0x3FB4]  }
0x2d: {  	s3 =	simm.s32 $0x108;
	s8 =	sld [smem:$0x3FB5]  }
0x2e: {  	s3 =	simm.s32 @!p0 $0x1082;
	s9 =	sld [smem:$0x3FB6]  }
0x2f: {  	lr =	sadd.s32 s0, s3;
	s0 =	sld [smem:$0x3FAD]  }
0x30: {  	s3 =	sld [smem:$0x3FB0]  }
0x31: {  	[smem:$0x3FB9] =	sst s10  }
0x32: {  	s10 =	sld [smem:$0x3FB7];
	_ =	sdelay $0x3  }
0x33: {  	p0 =	seq.s32 s10, $0x1;
	s10 =	sld [smem:$0x3FB9];
	_ =	sdelay $0x3  }
0x34: {  	[smem:$0x3FB9] =	sst s10  }
0x35: {  	s10 =	sld [smem:$0x3FB8];
	_ =	sdelay $0x3  }
0x36: {  	p1 =	seq.s32 s10, $0x1;
	s10 =	sld [smem:$0x3FB9];
	_ =	sdelay $0x3  }
0x37: {  	[smem:$0x3FB9] =	sst s10  }
0x38: {  	s10 =	sld [smem:$0x3FBA]  }
0x39: {  	_ = 	snop;
	(pc) =	sbr.ind lr, $3  }
0x3a: {  	_ = 	snop  }
0x3b: {  	_ = 	snop  }
0x3c: {  	p2 =	seq.s32 s10, $0x1;
	s10 =	sld [smem:$0x3FB9]  }
0x3d: {  	_ =	shalt  }
0x3e: {  	_ =	shalt  }
0x3f: {  	_ =	shalt  }
0x40: {  	_ =	shalt  }
0x41: {  	_ =	shalt  }
0x42: {  	_ =	shalt  }
0x43: {  	_ =	shalt  }
0x44: {  	_ =	shalt  }
0x45: {  	_ =	shalt  }
0x46: {  	_ =	shalt  }
0x47: {  	_ =	shalt  }
0x48: {  	_ =	shalt  }
0x49: {  	_ =	shalt  }
0x4a: {  	_ =	shalt  }
0x4b: {  	_ =	shalt  }
0x4c: {  	_ =	shalt  }
0x4d: {  	_ =	shalt  }
0x4e: {  	_ =	shalt  }
0x4f: {  	_ =	shalt  }
0x50: {  	_ =	shalt  }
0x51: {  	_ =	shalt  }
0x52: {  	_ =	shalt  }
0x53: {  	_ =	shalt  }
0x54: {  	_ =	shalt  }
0x55: {  	_ =	shalt  }
0x56: {  	_ =	shalt  }
0x57: {  	_ =	shalt  }
0x58: {  	_ =	shalt  }
0x59: {  	_ =	shalt  }
0x5a: {  	_ =	shalt  }
0x5b: {  	_ =	shalt  }
0x5c: {  	_ =	shalt  }
0x5d: {  	_ =	shalt  }
0x5e: {  	_ =	shalt  }
0x5f: {  	_ =	shalt  }
0x60: {  	_ =	shalt  }
0x61: {  	_ =	shalt  }
0x62: {  	_ =	shalt  }
0x63: {  	_ =	shalt  }
0x64: {  	_ =	shalt  }
0x65: {  	_ =	shalt  }
0x66: {  	_ =	shalt  }
0x67: {  	_ =	shalt  }
0x68: {  	_ =	shalt  }
0x69: {  	_ =	shalt  }
0x6a: {  	_ =	shalt  }
0x6b: {  	_ =	shalt  }
0x6c: {  	_ =	shalt  }
0x6d: {  	_ =	shalt  }
0x6e: {  	_ =	shalt  }
0x6f: {  	_ =	shalt  }
0x70: {  	_ =	shalt  }
0x71: {  	_ =	shalt  }
0x72: {  	_ =	shalt  }
0x73: {  	_ =	shalt  }
0x74: {  	_ =	shalt  }
0x75: {  	_ =	shalt  }
0x76: {  	_ =	shalt  }
0x77: {  	_ =	shalt  }
0x78: {  	_ =	shalt  }
0x79: {  	_ =	shalt  }
0x7a: {  	_ =	shalt  }
0x7b: {  	_ =	shalt  }
0x7c: {  	_ =	shalt  }
0x7d: {  	_ =	shalt  }
0x7e: {  	_ =	shalt  }
0x7f: {  	_ =	shalt  }
0x80: {  	_ =	shalt  }
0x81: {  	_ =	shalt  }
0x82: {  	_ =	shalt  }
0x83: {  	_ =	shalt  }
0x84: {  	_ =	shalt  }
0x85: {  	_ =	shalt  }
0x86: {  	_ =	shalt  }
0x87: {  	_ =	shalt  }
.Lfunc_end0:
.L_simem_size_0:
called_computation_lowered:
.L_overlay_start_0:
0x88: {  	s2 =	sld [smem:$0x3FD9]  }
0x89: {  	s3 =	sld [smem:$0x3FFE];
	_ =	sdelay $0x1  }
0x8a: {  	s1 =	srdreg.scid  }
0x8b: {  	s0 =	sand.u32 $0x1, s1  }
0x8c: {  	s17 =	sshll.u32 s0, $0xA;
	s2 =	sadd.s32 s3, s2  }
0x8d: {  	s2 =	sadd.s32 s2, s17  }
0x8e: {  	[smem:$0x3FC5] =	sst s2  }
0x8f: {  	_ = 	snop  }
0x90: {  	s2 =	sld [smem:$0x3FD0];
	(tm) =	ssettm $0x1  }
0x91: {  	s18 =	sld [smem:$0x3FFB];
	_ =	sdelay $0x3  }
0x92: {  	_ =	strace s18  }
0x93: {  	s3 =	sld [smem:$0x3FFC];
	_ =	sdelay $0x3  }
0x94: {  	_ =	strace s3  }
0x95: {  	s3 =	sld [smem:$0x3FFD];
	_ =	sdelay $0x3  }
0x96: {  	_ =	strace s3  }
0x97: {  	_ =	strace $0x8FFFFFFF  }
0x98: {  	s19 =	sld [smem:$0x3FDB];
	_ =	sdelay $0x1  }
0x99: {  	s4 =	simm.s32 $_scs_section_size  }
0x9a: {  	s5 =	simm.s32 $_size__tile_overlayer_lowered;
	s6 =	simm.s32 $_tile_overlayer_lowered  }
0x9b: {  	s22 =	simm.s32 $0x1BFF;
	s21 =	sshll.u32 s6, $0x1;
	s3 =	sadd.s32 s4, s19  }
0x9c: {  	s7 =	simm.s32 $0x0;
	s20 =	sshll.u32 s5, $0x1;
	s5 =	sadd.s32 s21, s3  }
0x9d: {  	[timem:s7], [sflag:s22] =	dma.local [hbm:s5], s20  }
0x9e: {  	_ =	swait.ge [sflag:s22], s20  }
0x9f: {  	s4 =	ssub.s32 $0x0, s20;
	[sflag:s22] =	ssyncset.done $0x0  }
0xa0: {  	[sflag:s22] =	ssyncadd.s32 s4;
	_ =	sdelay $0x1  }
0xa1: {  	s23 =	simm.s32 $0x1B8B  }
0xa2: {  	_ =	swait.ge [sflag:s23], $0x1  }
0xa3: {  	[sflag:s23] =	ssyncset.done $0x0  }
0xa4: {  	s25 =	simm.s32 $0x1B8E;
	s24 =	sld [smem:$0x3FFE];
	[sflag:s23] =	ssyncadd.s32 $0xFFFFFFFF  }
0xa5: {  	s26 =	simm.s32 $execute0_lowered;
	[smem:$0x3FD2] =	sst s25  }
0xa6: {  	s5 =	sshll.u32 s26, $0x1;
	_ =	strace $0x80000046;
	[dreg:$0x1] =	wrdreg $0xFFFFFFFF  }
0xa7: {  	s28 =	simm.s32 $_size_execute0_lowered;
	s3 =	sadd.s32 s3, s5;
	[dreg:$0x0] =	wrdreg $0x0  }
0xa8: {  	s5 =	sshll.u32 s28, $0x1;
	[dreg:$0x2] =	wrdreg s3  }
0xa9: {  	[dreg:$0x3] =	wrdreg s5  }
0xaa: {  	[dreg:$0x4] =	wrdreg $0xC0  }
0xab: {  	_ =	task [dreg:s7], $0x5FFFF  }
0xac: {  	[dreg:$0x1] =	wrdreg $0xFFFFFFFF  }
0xad: {  	[dreg:$0x0] =	wrdreg $0x60  }
0xae: {  	[dreg:$0x2] =	wrdreg s24  }
0xaf: {  	[dreg:$0x3] =	wrdreg s2  }
0xb0: {  	[dreg:$0x4] =	wrdreg $0x9  }
0xb1: {  	_ =	task.clear_ibuf [dreg:s7], $0x5FFFF;
	_ =	strace $0x90000046  }
0xb2: {  	s29 =	simm.s32 $0x9;
	_ =	strace $0x80000048  }
0xb3: {  	_ =	swait.ge [sflag:s29], $0x1  }
0xb4: {  	[sflag:s29] =	ssyncadd.s32 $0xFFFFFFFF  }
0xb5: {  	_ =	strace $0x90000048  }
0xb6: {  	_ =	sfence  }
0xb7: {  	s30 =	sld [smem:$0x0];
	_ =	sdelay $0x2  }
0xb8: {  	s31 =	sshll.u32 s1, $0xD;
	s1 =	sshrl.u32 s1, $0x2  }
0xb9: {  	s3 =	sand.u32 $0x4000, s31;
	s1 =	sadd.s32 s1, s30  }
0xba: {  	s0 =	sor.u32 s3, s0;
	s1 =	sshll.u32 s1, $0x11  }
0xbb: {  	s0 =	sor.u32 s1, s0  }
0xbc: {  	s0 =	sadd.s32 $0x8F2B, s0  }
0xbd: {  	[sflag:s0] =	ssyncadd.remote.s32 $0x1  }
0xbe: {  	_ =	sfence.sel $0xFFFF  }
0xbf: {  	[dreg:$0x0] =	wrdreg $0xFFFFFFFF;
	(pc) =	sbr.abs _section_cstart, $3  }
0xc0: {  	[dreg:$0x1] =	wrdreg $0xFFFFFFFF  }
0xc1: {  	_ =	task.clear_ibuf [dreg:s7], $0x2FFFF;
	_ =	strace $0x9FFFFFFF  }
0xc2: {  	(tm) =	ssettm $0x7FFFFFFF  }
0xc3: {  	_ =	shalt  }
tec
execute0_lowered:
.L_overlay_start_1:
0x0: {  	(tag) =	ssettag $0x1  }
0x1: {  	s0 =	srdreg.scid;
	s7 =	stileid.u32  }
0x2: {  	s0 =	sand.u32 $0x1, s0;
	s1 =	sshll.u32 s7, $0x1  }
0x3: {  	s4 =	rddreg [dreg:$0x0];
	s1 =	sor.u32 s0, s1  }
0x4: {  	s3 =	rddreg [dreg:$0x1];
	s2 =	simm.s32 $0x0;
	s1 =	smul.u32 $0xD4, s1  }
0x5: {  	[smem:$0x7FF] =	sst s2;
	s5 =	ssub.s32 $0x2, s0  }
0x6: {  	s22 =	sadd.s32 $0x400, s4;
	s6 =	sshrl.u32 s5, $0x1;
	s1 =	smin.u32 s1, $0x1994  }
0x7: {  	_ =	strace $0x80000047;
	s23 =	ssub.s32 s5, s6;
	s1 =	sshll.u32 s1, $0x7  }
0x8: {  	[dreg:$0x3] =	wrdreg s22;
	s3 =	sadd.s32 s3, s1;
	s1 =	smax.u32 s23, $0x1  }
0x9: {  	s24 =	sadd.s32 $0x10, s3;
	[dreg:$0x17] =	wrdreg s1  }
0xa: {  	s25 =	sadd.s32 $0x20, s3;
	[dreg:$0x4] =	wrdreg s24  }
0xb: {  	s26 =	sadd.s32 $0x30, s3;
	[dreg:$0x5] =	wrdreg s25  }
0xc: {  	s28 =	sadd.s32 $0x40, s3;
	[dreg:$0x6] =	wrdreg s26  }
0xd: {  	s29 =	sadd.s32 $0x50, s3;
	[dreg:$0x7] =	wrdreg s28  }
0xe: {  	s31 =	sadd.s32 $0x60, s3;
	[dreg:$0x8] =	wrdreg s29  }
0xf: {  	s5 =	sadd.s32 $0x70, s3;
	[dreg:$0x9] =	wrdreg s31  }
0x10: {  	s6 =	sadd.s32 $0x1A00, s3;
	[dreg:$0xa] =	wrdreg s5  }
0x11: {  	s8 =	sadd.s32 $0x1A10, s3;
	[dreg:$0xb] =	wrdreg s6  }
0x12: {  	s9 =	sadd.s32 $0x1A20, s3;
	[dreg:$0xc] =	wrdreg s8  }
0x13: {  	s10 =	sadd.s32 $0x1A30, s3;
	[dreg:$0xd] =	wrdreg s9  }
0x14: {  	s11 =	sadd.s32 $0x1A40, s3;
	[dreg:$0xe] =	wrdreg s10  }
0x15: {  	s13 =	sadd.s32 $0x1A50, s3;
	[dreg:$0xf] =	wrdreg s11  }
0x16: {  	s14 =	sadd.s32 $0x1A60, s3;
	[dreg:$0x10] =	wrdreg s13  }
0x17: {  	s15 =	sadd.s32 $0x1A70, s3;
	[dreg:$0x11] =	wrdreg s14  }
0x18: {  	s16 =	sadd.s32 $0x3400, s3;
	[dreg:$0x12] =	wrdreg s15  }
0x19: {  	s17 =	sadd.s32 $0x3410, s3;
	[dreg:$0x13] =	wrdreg s16  }
0x1a: {  	s18 =	sadd.s32 $0x3420, s3;
	[dreg:$0x14] =	wrdreg s17  }
0x1b: {  	s12 =	smul.u32 $0x1A8, s7;
	s19 =	sadd.s32 $0x3430, s3;
	[dreg:$0x15] =	wrdreg s18  }
0x1c: {  	s0 =	smul.u32 $0xD4, s0;
	s20 =	sadd.s32 $0x3440, s3;
	[dreg:$0x16] =	wrdreg s19  }
0x1d: {  	s21 =	sadd.s32 $0x3450, s3;
	[dreg:$0x18] =	wrdreg s20  }
0x1e: {  	s0 =	sadd.s32 s0, s12;
	s22 =	sadd.s32 $0x3460, s3;
	[dreg:$0x19] =	wrdreg s21  }
0x1f: {  	s23 =	sadd.s32 $0x3470, s3;
	s7 =	sadd.s32 $0x4E50, s3;
	[dreg:$0x1a] =	wrdreg s22  }
0x20: {  	s25 =	smin.u32 s0, $0x1994;
	[dreg:$0x1b] =	wrdreg s23;
	s24 =	sadd.s32 $0x4E00, s3  }
0x21: {  	s26 =	sadd.s32 $0x4E10, s3;
	s28 =	sadd.s32 $0x4E20, s3;
	s29 =	sadd.s32 $0x4E30, s3  }
0x22: {  	s31 =	sadd.s32 $0x4E40, s3;
	s8 =	sadd.s32 $0x4E60, s3;
	s9 =	sadd.s32 $0x4E70, s3  }
0x23: {  	s16 =	simm.s32 $0x2;
	s17 =	simm.s32 $0x80;
	[dreg:$0x1c] =	wrdreg s24  }
0x24: {  	s18 =	simm.s32 $0x400;
	s19 =	simm.s32 $0xB00;
	[dreg:$0x1d] =	wrdreg s26  }
0x25: {  	s20 =	simm.s32 $0x2500;
	s21 =	simm.s32 $0x3F00;
	[dreg:$0x1e] =	wrdreg s28  }
0x26: {  	v0 =	vlaneseq.u32;
	s22 =	simm.s32 $0x5900;
	s23 =	simm.s32 $0x1;
	[dreg:$0x1f] =	wrdreg s29  }
0x27: {  	vm0 =	vmmov $0xfff;
	vm1 =	vmmov $0xff;
	v1 =	vor.u32 $0x10, v0;
	[smem:$0x7FD] =	sst s31;
	s30 =	smul.u32 $0x2C, s25;
	s10 =	sadd.s32 $0x34, s25  }
0x28: {  	v2 =	vor.u32 $0x20, v0;
	v3 =	vor.u32 $0x30, v0;
	v4 =	vor.u32 $0x40, v0;
	s12 =	sadd.s32 $0x68, s25;
	s14 =	sadd.s32 $0x9C, s25;
	s24 =	simm.s32 $0x0  }
0x29: {  	v5 =	vor.u32 $0x50, v0;
	v6 =	vor.u32 $0x60, v0;
	v7 =	vor.u32 $0x70, v0;
	s11 =	sadd.s32 $0x8F0, s30;
	s13 =	sadd.s32 $0x11E0, s30;
	s15 =	sadd.s32 $0x1AD0, s30  }
.LBB2_1:
0x2a: {  	s1 =	smulhi.u32 $0x4EC4EC4F, s25;
	_ =	sdelay $0x1  }
0x2b: {  	s1 =	sshrl.u32 s1, $0x3  }
0x2c: {  	s1 =	smul.u32 $0x478, s1  }
0x2d: {  	s6 =	sadd.s32 $0x0, s25  }
0x2e: {  	s0 =	rddreg [dreg:$0x3];
	s26 =	smulhi.u32 $0x4EC4EC4F, s6;
	s1 =	ssub.s32 s30, s1  }
0x2f: {  	[tilespmem:s2], [sflag:$0x2] =	stream.linear.gather [hbm4b:s0+s2], $0xB00, $0x38;
	v8 =	vadd.s32 s1, v0;
	[tilespmem:$0x7700] =	vst v63  }
0x30: {  	s26 =	sshrl.u32 s26, $0x3  }
0x31: {  	_ =	swait.ge [sflag:s16], $0xB00;
	s28 =	smulhi.u32 $0x9D89D8A, s26  }
0x32: {  	[sflag:s16] =	ssyncset.done $0x0  }
0x33: {  	[sflag:s16] =	ssyncadd.s32 $0xFFFFF500;
	s28 =	smul.u32 $0x1A, s28  }
0x34: {  	v8 =	vld.idx.msk [tilespmem:v8+s2+$0x0], $0xffff  }
0x35: {  	v9 =	vadd.s32 s1, v1;
	s26 =	ssub.s32 s26, s28  }
0x36: {  	s28 =	smul.u32 $0x2C, s26;
	_ =	sdelay $0x1  }
0x37: {  	s26 =	simm.s32 $0xB40;
	s28 =	sadd.s32 $0x44C, s28  }
0x38: {  	[tilespmem:s26+$0xFFFFFFC0] =	vst v8;
	v8 =	vmov s28  }
0x39: {  	v9 =	vld.idx.msk [tilespmem:v9+s2+$0x0], $0xffff;
	v8 =	vsel vm0, s1, v8  }
0x3a: {  	v8 =	vadd.s32 v2, v8;
	_ =	sdelay $0x3  }
0x3b: {  	[tilespmem:s26+$0xFFFFFFD0] =	vst v9  }
0x3c: {  	v8 =	vld.idx.msk [tilespmem:v8+s2+$0x0], $0xffff  }
0x3d: {  	v9 =	vadd.s32 s28, v3;
	_ =	sdelay $0x3  }
0x3e: {  	s6 =	smulhi.u32 $0x60F25DEB, s6;
	[tilespmem:s26+$0xFFFFFFE0] =	vst v8  }
0x3f: {  	v8 =	vld.idx.msk [tilespmem:v9+s2+$0x0], $0xffff  }
0x40: {  	s1 =	sshrl.u32 s6, $0x8;
	v9 =	vadd.s32 s28, v4  }
0x41: {  	s1 =	smul.u32 $0x2C, s1;
	_ =	sdelay $0x1  }
0x42: {  	s1 =	sadd.s32 $0x898, s1  }
0x43: {  	[tilespmem:s26+$0xFFFFFFF0] =	vst v8;
	v8 =	vmov s1  }
0x44: {  	v9 =	vld.idx.msk [tilespmem:v9+s2+$0x0], $0xffff;
	v8 =	vsel vm1, s28, v8  }
0x45: {  	v8 =	vadd.s32 v5, v8;
	_ =	sdelay $0x3  }
0x46: {  	[tilespmem:s26+$0x0] =	vst v9  }
0x47: {  	v8 =	vld.idx.msk [tilespmem:v8+s2+$0x0], $0xffff  }
0x48: {  	v9 =	vadd.s32 s1, v6;
	_ =	sdelay $0x3  }
0x49: {  	[tilespmem:s26+$0x10] =	vst v8  }
0x4a: {  	v9 =	vld.idx.msk [tilespmem:v9+s2+$0x0], $0xffff  }
0x4b: {  	s29 =	sadd.s32 $0x1, s25;
	s31 =	simm.s32 $0x2;
	v8 =	vadd.s32 s1, v7  }
0x4c: {  	s6 =	smov.u32 s30;
	s28 =	simm.s32 $0x1;
	s1 =	smulhi.u32 $0x4EC4EC4F, s29  }
.LBB2_2:
0x4d: {  	p0 =	sne.s32 s31, $0x33  }
0x4e: {  	s1 =	sshrl.u32 s1, $0x3  }
0x4f: {  	s1 =	smul.u32 $0x478, s1;
	[tilespmem:s26+$0x20] =	vst v9  }
0x50: {  	s6 =	sadd.s32 $0x2C, s6;
	v8 =	vld.idx.msk [tilespmem:v8+s2+$0x0], $0xffff  }
0x51: {  	s1 =	ssub.s32 s6, s1  }
0x52: {  	s0 =	sadd.s32 s28, s25;
	s28 =	smov.u32 s31;
	v9 =	vadd.s32 s1, v0  }
0x53: {  	s4 =	smulhi.u32 $0x4EC4EC4F, s0;
	_ =	sdelay $0x1  }
0x54: {  	s4 =	sshrl.u32 s4, $0x3  }
0x55: {  	s5 =	smulhi.u32 $0x9D89D8A, s4;
	[tilespmem:s26+$0x30] =	vst v8  }
0x56: {  	v8 =	vld.idx.msk [tilespmem:v9+s2+$0x0], $0xffff  }
0x57: {  	s5 =	smul.u32 $0x1A, s5  }
0x58: {  	v9 =	vadd.s32 s1, v1  }
0x59: {  	s4 =	ssub.s32 s4, s5  }
0x5a: {  	s4 =	smul.u32 $0x2C, s4  }
0x5b: {  	s26 =	sadd.s32 $0x80, s26  }
0x5c: {  	s4 =	sadd.s32 $0x44C, s4;
	[tilespmem:s26+$0xFFFFFFC0] =	vst v8  }
0x5d: {  	v8 =	vld.idx.msk [tilespmem:v9+s2+$0x0], $0xffff;
	v9 =	vmov s4  }
0x5e: {  	v9 =	vsel vm0, s1, v9  }
0x5f: {  	v9 =	vadd.s32 v2, v9;
	_ =	sdelay $0x3  }
0x60: {  	[tilespmem:s26+$0xFFFFFFD0] =	vst v8  }
0x61: {  	v8 =	vld.idx.msk [tilespmem:v9+s2+$0x0], $0xffff;
	_ =	sdelay $0x1  }
0x62: {  	v9 =	vadd.s32 s4, v3;
	_ =	sdelay $0x3  }
0x63: {  	[tilespmem:s26+$0xFFFFFFE0] =	vst v8  }
0x64: {  	v8 =	vld.idx.msk [tilespmem:v9+s2+$0x0], $0xffff  }
0x65: {  	s0 =	smulhi.u32 $0x60F25DEB, s0  }
0x66: {  	v9 =	vadd.s32 s4, v4  }
0x67: {  	s0 =	sshrl.u32 s0, $0x8  }
0x68: {  	s0 =	smul.u32 $0x2C, s0;
	_ =	sdelay $0x1  }
0x69: {  	s0 =	sadd.s32 $0x898, s0;
	[tilespmem:s26+$0xFFFFFFF0] =	vst v8  }
0x6a: {  	v8 =	vld.idx.msk [tilespmem:v9+s2+$0x0], $0xffff;
	v9 =	vmov s0  }
0x6b: {  	v9 =	vsel vm1, s4, v9  }
0x6c: {  	v9 =	vadd.s32 v5, v9;
	_ =	sdelay $0x3  }
0x6d: {  	[tilespmem:s26+$0x0] =	vst v8  }
0x6e: {  	v8 =	vld.idx.msk [tilespmem:v9+s2+$0x0], $0xffff;
	_ =	sdelay $0x1  }
0x6f: {  	v9 =	vadd.s32 s0, v6;
	_ =	sdelay $0x3  }
.Ltmp0:
0x70: {  	[tilespmem:s26+$0x10] =	vst v8;
	(pc) =	sbr.rel @p0 .LBB2_2-.Ltmp0, $3  }
0x71: {  	v9 =	vld.idx.msk [tilespmem:v9+s2+$0x0], $0xffff;
	_ =	sdelay $0x1  }
0x72: {  	s29 =	sadd.s32 $0x1, s29;
	v8 =	vadd.s32 s0, v7  }
0x73: {  	s31 =	sadd.s32 $0x1, s31;
	s1 =	smulhi.u32 $0x4EC4EC4F, s29  }
0x74: {  	_ = 	snop  }
0x75: {  	s0 =	sshrl.u32 s1, $0x3  }
0x76: {  	s0 =	smul.u32 $0x478, s0  }
0x77: {  	s5 =	sadd.s32 $0x2C, s6;
	s4 =	sadd.s32 s28, s25;
	[tilespmem:s26+$0x20] =	vst v9  }
0x78: {  	s6 =	smulhi.u32 $0x4EC4EC4F, s4;
	v8 =	vld.idx.msk [tilespmem:v8+s2+$0x0], $0xffff;
	s0 =	ssub.s32 s5, s0  }
0x79: {  	v9 =	vadd.s32 s0, v0  }
0x7a: {  	s1 =	sshrl.u32 s6, $0x3  }
0x7b: {  	s5 =	smulhi.u32 $0x9D89D8A, s1;
	_ =	sdelay $0x1  }
0x7c: {  	s5 =	smul.u32 $0x1A, s5;
	[tilespmem:s26+$0x30] =	vst v8  }
0x7d: {  	v8 =	vld.idx.msk [tilespmem:v9+s2+$0x0], $0xffff  }
0x7e: {  	s1 =	ssub.s32 s1, s5;
	v9 =	vadd.s32 s0, v1  }
0x7f: {  	s1 =	smul.u32 $0x2C, s1;
	_ =	sdelay $0x1  }
0x80: {  	s26 =	sadd.s32 $0x80, s26;
	s1 =	sadd.s32 $0x44C, s1  }
0x81: {  	[tilespmem:s26+$0xFFFFFFC0] =	vst v8;
	v8 =	vmov s1  }
0x82: {  	v9 =	vld.idx.msk [tilespmem:v9+s2+$0x0], $0xffff;
	v8 =	vsel vm0, s0, v8  }
0x83: {  	v8 =	vadd.s32 v2, v8;
	_ =	sdelay $0x3  }
0x84: {  	[tilespmem:s26+$0xFFFFFFD0] =	vst v9  }
0x85: {  	v8 =	vld.idx.msk [tilespmem:v8+s2+$0x0], $0xffff  }
0x86: {  	v9 =	vadd.s32 s1, v3;
	_ =	sdelay $0x3  }
0x87: {  	s4 =	smulhi.u32 $0x60F25DEB, s4;
	[tilespmem:s26+$0xFFFFFFE0] =	vst v8  }
0x88: {  	v8 =	vld.idx.msk [tilespmem:v9+s2+$0x0], $0xffff  }
0x89: {  	s0 =	sshrl.u32 s4, $0x8;
	v9 =	vadd.s32 s1, v4  }
0x8a: {  	s0 =	smul.u32 $0x2C, s0;
	_ =	sdelay $0x1  }
0x8b: {  	s0 =	sadd.s32 $0x898, s0  }
0x8c: {  	[tilespmem:s26+$0xFFFFFFF0] =	vst v8;
	v8 =	vmov s0  }
0x8d: {  	v9 =	vld.idx.msk [tilespmem:v9+s2+$0x0], $0xffff;
	v8 =	vsel vm1, s1, v8  }
0x8e: {  	v8 =	vadd.s32 v5, v8;
	_ =	sdelay $0x3  }
0x8f: {  	[tilespmem:s26+$0x0] =	vst v9  }
0x90: {  	v8 =	vld.idx.msk [tilespmem:v8+s2+$0x0], $0xffff  }
0x91: {  	v9 =	vadd.s32 s0, v6;
	_ =	sdelay $0x3  }
0x92: {  	[tilespmem:s26+$0x10] =	vst v8  }
0x93: {  	v8 =	vld.idx.msk [tilespmem:v9+s2+$0x0], $0xffff  }
0x94: {  	v9 =	vadd.s32 s0, v7;
	_ =	sdelay $0x3  }
0x95: {  	[tilespmem:s26+$0x20] =	vst v8  }
0x96: {  	v8 =	vld.idx.msk [tilespmem:v9+s2+$0x0], $0xffff;
	_ =	sdelay $0x4  }
0x97: {  	[tilespmem:s26+$0x30] =	vst v8  }
0x98: {  	[hbm4b:s3+s17] =	stream.strided.scatter [tilespmem:s19], [sflag:$0x1], $0x1A00, s18, s17, $0x38;
	[tilespmem:$0x7700] =	vst v63  }
0x99: {  	s6 =	rddreg [dreg:$0x4]  }
0x9a: {  	[hbm4b:s6+s17] =	stream.strided.scatter [tilespmem:s19], [sflag:$0x1], $0x1A00, s18, s17, $0x38;
	[tilespmem:$0x7700] =	vst v63  }
0x9b: {  	s5 =	smulhi.u32 $0x4EC4EC4F, s10;
	s26 =	rddreg [dreg:$0x5]  }
0x9c: {  	[hbm4b:s26+s17] =	stream.strided.scatter [tilespmem:s19], [sflag:$0x1], $0x1A00, s18, s17, $0x38;
	[tilespmem:$0x7700] =	vst v63  }
0x9d: {  	s1 =	rddreg [dreg:$0x6];
	s0 =	sshrl.u32 s5, $0x3  }
0x9e: {  	[hbm4b:s1+s17] =	stream.strided.scatter [tilespmem:s19], [sflag:$0x1], $0x1A00, s18, s17, $0x38;
	[tilespmem:$0x7700] =	vst v63  }
0x9f: {  	s0 =	smul.u32 $0x478, s0;
	s1 =	sadd.s32 $0x0, s10  }
0xa0: {  	s4 =	rddreg [dreg:$0x7];
	s26 =	smulhi.u32 $0x4EC4EC4F, s1  }
0xa1: {  	[hbm4b:s4+s17] =	stream.strided.scatter [tilespmem:s19], [sflag:$0x1], $0x1A00, s18, s17, $0x38;
	[tilespmem:$0x7700] =	vst v63  }
0xa2: {  	s0 =	ssub.s32 s11, s0;
	s6 =	rddreg [dreg:$0x8];
	s4 =	sshrl.u32 s26, $0x3  }
0xa3: {  	v8 =	vadd.s32 s0, v0;
	[hbm4b:s6+s17] =	stream.strided.scatter [tilespmem:s19], [sflag:$0x1], $0x1A00, s18, s17, $0x38;
	[tilespmem:$0x7700] =	vst v63  }
0xa4: {  	s6 =	rddreg [dreg:$0x9];
	s5 =	smulhi.u32 $0x9D89D8A, s4  }
0xa5: {  	[hbm4b:s6+s17] =	stream.strided.scatter [tilespmem:s19], [sflag:$0x1], $0x1A00, s18, s17, $0x38;
	[tilespmem:$0x7700] =	vst v63  }
0xa6: {  	s26 =	rddreg [dreg:$0xa];
	s5 =	smul.u32 $0x1A, s5  }
0xa7: {  	[hbm4b:s26+s17] =	stream.strided.scatter [tilespmem:s19], [sflag:$0x1], $0x1A00, s18, s17, $0x38;
	[tilespmem:$0x7700] =	vst v63  }
0xa8: {  	v8 =	vld.idx.msk [tilespmem:v8+s2+$0x0], $0xffff  }
0xa9: {  	v9 =	vadd.s32 s0, v1;
	s4 =	ssub.s32 s4, s5  }
0xaa: {  	s4 =	smul.u32 $0x2C, s4;
	_ =	sdelay $0x1  }
0xab: {  	s26 =	simm.s32 $0x2570;
	s4 =	sadd.s32 $0x44C, s4  }
0xac: {  	[tilespmem:s26+$0xFFFFFF90] =	vst v8;
	v8 =	vmov s4  }
0xad: {  	v9 =	vld.idx.msk [tilespmem:v9+s2+$0x0], $0xffff;
	v8 =	vsel vm0, s0, v8  }
0xae: {  	v8 =	vadd.s32 v2, v8;
	_ =	sdelay $0x3  }
0xaf: {  	[tilespmem:s26+$0xFFFFFFA0] =	vst v9  }
0xb0: {  	v8 =	vld.idx.msk [tilespmem:v8+s2+$0x0], $0xffff  }
0xb1: {  	v9 =	vadd.s32 s4, v3;
	_ =	sdelay $0x3  }
0xb2: {  	s6 =	smulhi.u32 $0x60F25DEB, s1;
	[tilespmem:s26+$0xFFFFFFB0] =	vst v8  }
0xb3: {  	v8 =	vld.idx.msk [tilespmem:v9+s2+$0x0], $0xffff  }
0xb4: {  	s0 =	sshrl.u32 s6, $0x8;
	v9 =	vadd.s32 s4, v4  }
0xb5: {  	s0 =	smul.u32 $0x2C, s0;
	_ =	sdelay $0x1  }
0xb6: {  	s0 =	sadd.s32 $0x898, s0  }
0xb7: {  	[tilespmem:s26+$0xFFFFFFC0] =	vst v8;
	v8 =	vmov s0  }
0xb8: {  	v9 =	vld.idx.msk [tilespmem:v9+s2+$0x0], $0xffff;
	v8 =	vsel vm1, s4, v8  }
0xb9: {  	v8 =	vadd.s32 v5, v8;
	_ =	sdelay $0x3  }
0xba: {  	[tilespmem:s26+$0xFFFFFFD0] =	vst v9  }
0xbb: {  	v8 =	vld.idx.msk [tilespmem:v8+s2+$0x0], $0xffff  }
0xbc: {  	v9 =	vadd.s32 s0, v6;
	_ =	sdelay $0x3  }
0xbd: {  	[tilespmem:s26+$0xFFFFFFE0] =	vst v8  }
0xbe: {  	v9 =	vld.idx.msk [tilespmem:v9+s2+$0x0], $0xffff  }
0xbf: {  	s29 =	sadd.s32 $0x1, s10;
	s28 =	simm.s32 $0x1;
	v8 =	vadd.s32 s0, v7  }
0xc0: {  	s31 =	simm.s32 $0x2;
	s1 =	smulhi.u32 $0x4EC4EC4F, s29;
	s6 =	smov.u32 s11  }
.LBB2_4:
0xc1: {  	p0 =	sne.s32 s31, $0x33  }
0xc2: {  	s0 =	sshrl.u32 s1, $0x3  }
0xc3: {  	s0 =	smul.u32 $0x478, s0;
	[tilespmem:s26+$0xFFFFFFF0] =	vst v9  }
0xc4: {  	s6 =	sadd.s32 $0x2C, s6;
	v8 =	vld.idx.msk [tilespmem:v8+s2+$0x0], $0xffff  }
0xc5: {  	s0 =	ssub.s32 s6, s0  }
0xc6: {  	s1 =	sadd.s32 s28, s10;
	s28 =	smov.u32 s31;
	v9 =	vadd.s32 s0, v0  }
0xc7: {  	s4 =	smulhi.u32 $0x4EC4EC4F, s1;
	_ =	sdelay $0x1  }
0xc8: {  	s4 =	sshrl.u32 s4, $0x3  }
0xc9: {  	s5 =	smulhi.u32 $0x9D89D8A, s4;
	[tilespmem:s26+$0x0] =	vst v8  }
0xca: {  	v8 =	vld.idx.msk [tilespmem:v9+s2+$0x0], $0xffff  }
0xcb: {  	s5 =	smul.u32 $0x1A, s5  }
0xcc: {  	v9 =	vadd.s32 s0, v1  }
0xcd: {  	s4 =	ssub.s32 s4, s5  }
0xce: {  	s4 =	smul.u32 $0x2C, s4  }
0xcf: {  	s26 =	sadd.s32 $0x80, s26  }
0xd0: {  	s4 =	sadd.s32 $0x44C, s4;
	[tilespmem:s26+$0xFFFFFF90] =	vst v8  }
0xd1: {  	v8 =	vld.idx.msk [tilespmem:v9+s2+$0x0], $0xffff;
	v9 =	vmov s4  }
0xd2: {  	v9 =	vsel vm0, s0, v9  }
0xd3: {  	v9 =	vadd.s32 v2, v9;
	_ =	sdelay $0x3  }
0xd4: {  	[tilespmem:s26+$0xFFFFFFA0] =	vst v8  }
0xd5: {  	v8 =	vld.idx.msk [tilespmem:v9+s2+$0x0], $0xffff;
	_ =	sdelay $0x1  }
0xd6: {  	v9 =	vadd.s32 s4, v3;
	_ =	sdelay $0x3  }
0xd7: {  	[tilespmem:s26+$0xFFFFFFB0] =	vst v8  }
0xd8: {  	v8 =	vld.idx.msk [tilespmem:v9+s2+$0x0], $0xffff  }
0xd9: {  	s0 =	smulhi.u32 $0x60F25DEB, s1  }
0xda: {  	v9 =	vadd.s32 s4, v4  }
0xdb: {  	s0 =	sshrl.u32 s0, $0x8  }
0xdc: {  	s0 =	smul.u32 $0x2C, s0;
	_ =	sdelay $0x1  }
0xdd: {  	s0 =	sadd.s32 $0x898, s0;
	[tilespmem:s26+$0xFFFFFFC0] =	vst v8  }
0xde: {  	v8 =	vld.idx.msk [tilespmem:v9+s2+$0x0], $0xffff;
	v9 =	vmov s0  }
0xdf: {  	v9 =	vsel vm1, s4, v9  }
0xe0: {  	v9 =	vadd.s32 v5, v9;
	_ =	sdelay $0x3  }
0xe1: {  	[tilespmem:s26+$0xFFFFFFD0] =	vst v8  }
0xe2: {  	v8 =	vld.idx.msk [tilespmem:v9+s2+$0x0], $0xffff;
	_ =	sdelay $0x1  }
0xe3: {  	v9 =	vadd.s32 s0, v6;
	_ =	sdelay $0x3  }
.Ltmp1:
0xe4: {  	[tilespmem:s26+$0xFFFFFFE0] =	vst v8;
	(pc) =	sbr.rel @p0 .LBB2_4-.Ltmp1, $3  }
0xe5: {  	v9 =	vld.idx.msk [tilespmem:v9+s2+$0x0], $0xffff;
	_ =	sdelay $0x1  }
0xe6: {  	s29 =	sadd.s32 $0x1, s29;
	v8 =	vadd.s32 s0, v7  }
0xe7: {  	s31 =	sadd.s32 $0x1, s31;
	s1 =	smulhi.u32 $0x4EC4EC4F, s29  }
0xe8: {  	_ = 	snop  }
0xe9: {  	s0 =	sshrl.u32 s1, $0x3  }
0xea: {  	s0 =	smul.u32 $0x478, s0  }
0xeb: {  	s5 =	sadd.s32 $0x2C, s6;
	s4 =	sadd.s32 s28, s10;
	[tilespmem:s26+$0xFFFFFFF0] =	vst v9  }
0xec: {  	s6 =	smulhi.u32 $0x4EC4EC4F, s4;
	v8 =	vld.idx.msk [tilespmem:v8+s2+$0x0], $0xffff;
	s0 =	ssub.s32 s5, s0  }
0xed: {  	v9 =	vadd.s32 s0, v0  }
0xee: {  	s1 =	sshrl.u32 s6, $0x3  }
0xef: {  	s5 =	smulhi.u32 $0x9D89D8A, s1;
	_ =	sdelay $0x1  }
0xf0: {  	s5 =	smul.u32 $0x1A, s5;
	[tilespmem:s26+$0x0] =	vst v8  }
0xf1: {  	v8 =	vld.idx.msk [tilespmem:v9+s2+$0x0], $0xffff  }
0xf2: {  	s1 =	ssub.s32 s1, s5;
	v9 =	vadd.s32 s0, v1  }
0xf3: {  	s1 =	smul.u32 $0x2C, s1;
	_ =	sdelay $0x1  }
0xf4: {  	s26 =	sadd.s32 $0x80, s26;
	s1 =	sadd.s32 $0x44C, s1  }
0xf5: {  	[tilespmem:s26+$0xFFFFFF90] =	vst v8;
	v8 =	vmov s1  }
0xf6: {  	v9 =	vld.idx.msk [tilespmem:v9+s2+$0x0], $0xffff;
	v8 =	vsel vm0, s0, v8  }
0xf7: {  	v8 =	vadd.s32 v2, v8;
	_ =	sdelay $0x3  }
0xf8: {  	[tilespmem:s26+$0xFFFFFFA0] =	vst v9  }
0xf9: {  	v8 =	vld.idx.msk [tilespmem:v8+s2+$0x0], $0xffff  }
0xfa: {  	v9 =	vadd.s32 s1, v3;
	_ =	sdelay $0x3  }
0xfb: {  	s4 =	smulhi.u32 $0x60F25DEB, s4;
	[tilespmem:s26+$0xFFFFFFB0] =	vst v8  }
0xfc: {  	v8 =	vld.idx.msk [tilespmem:v9+s2+$0x0], $0xffff  }
0xfd: {  	s0 =	sshrl.u32 s4, $0x8;
	v9 =	vadd.s32 s1, v4  }
0xfe: {  	s0 =	smul.u32 $0x2C, s0;
	_ =	sdelay $0x1  }
0xff: {  	s0 =	sadd.s32 $0x898, s0  }
0x100: {  	[tilespmem:s26+$0xFFFFFFC0] =	vst v8;
	v8 =	vmov s0  }
0x101: {  	v9 =	vld.idx.msk [tilespmem:v9+s2+$0x0], $0xffff;
	v8 =	vsel vm1, s1, v8  }
0x102: {  	v8 =	vadd.s32 v5, v8;
	_ =	sdelay $0x3  }
0x103: {  	[tilespmem:s26+$0xFFFFFFD0] =	vst v9  }
0x104: {  	v8 =	vld.idx.msk [tilespmem:v8+s2+$0x0], $0xffff  }
0x105: {  	v9 =	vadd.s32 s0, v6;
	_ =	sdelay $0x3  }
0x106: {  	[tilespmem:s26+$0xFFFFFFE0] =	vst v8  }
0x107: {  	v8 =	vld.idx.msk [tilespmem:v9+s2+$0x0], $0xffff  }
0x108: {  	v9 =	vadd.s32 s0, v7;
	_ =	sdelay $0x3  }
0x109: {  	[tilespmem:s26+$0xFFFFFFF0] =	vst v8  }
0x10a: {  	v8 =	vld.idx.msk [tilespmem:v9+s2+$0x0], $0xffff;
	_ =	sdelay $0x4  }
0x10b: {  	s5 =	rddreg [dreg:$0xb];
	[tilespmem:s26+$0x0] =	vst v8  }
0x10c: {  	[hbm4b:s5+s17] =	stream.strided.scatter [tilespmem:s20], [sflag:$0x1], $0x1A00, s18, s17, $0x38;
	[tilespmem:$0x7700] =	vst v63  }
0x10d: {  	s6 =	rddreg [dreg:$0xc]  }
0x10e: {  	[hbm4b:s6+s17] =	stream.strided.scatter [tilespmem:s20], [sflag:$0x1], $0x1A00, s18, s17, $0x38;
	[tilespmem:$0x7700] =	vst v63  }
0x10f: {  	s26 =	rddreg [dreg:$0xd];
	s5 =	smulhi.u32 $0x4EC4EC4F, s12  }
0x110: {  	[hbm4b:s26+s17] =	stream.strided.scatter [tilespmem:s20], [sflag:$0x1], $0x1A00, s18, s17, $0x38;
	[tilespmem:$0x7700] =	vst v63  }
0x111: {  	s1 =	rddreg [dreg:$0xe];
	s0 =	sshrl.u32 s5, $0x3  }
0x112: {  	[hbm4b:s1+s17] =	stream.strided.scatter [tilespmem:s20], [sflag:$0x1], $0x1A00, s18, s17, $0x38;
	[tilespmem:$0x7700] =	vst v63  }
0x113: {  	s0 =	smul.u32 $0x478, s0;
	s1 =	sadd.s32 $0x0, s12  }
0x114: {  	s4 =	rddreg [dreg:$0xf];
	s26 =	smulhi.u32 $0x4EC4EC4F, s1  }
0x115: {  	[hbm4b:s4+s17] =	stream.strided.scatter [tilespmem:s20], [sflag:$0x1], $0x1A00, s18, s17, $0x38;
	[tilespmem:$0x7700] =	vst v63  }
0x116: {  	s6 =	rddreg [dreg:$0x10];
	s0 =	ssub.s32 s13, s0;
	s4 =	sshrl.u32 s26, $0x3  }
0x117: {  	v8 =	vadd.s32 s0, v0;
	[hbm4b:s6+s17] =	stream.strided.scatter [tilespmem:s20], [sflag:$0x1], $0x1A00, s18, s17, $0x38;
	[tilespmem:$0x7700] =	vst v63  }
0x118: {  	s6 =	rddreg [dreg:$0x11];
	s5 =	smulhi.u32 $0x9D89D8A, s4  }
0x119: {  	[hbm4b:s6+s17] =	stream.strided.scatter [tilespmem:s20], [sflag:$0x1], $0x1A00, s18, s17, $0x38;
	[tilespmem:$0x7700] =	vst v63  }
0x11a: {  	s26 =	rddreg [dreg:$0x12];
	s5 =	smul.u32 $0x1A, s5  }
0x11b: {  	[hbm4b:s26+s17] =	stream.strided.scatter [tilespmem:s20], [sflag:$0x1], $0x1A00, s18, s17, $0x38;
	[tilespmem:$0x7700] =	vst v63  }
0x11c: {  	v8 =	vld.idx.msk [tilespmem:v8+s2+$0x0], $0xffff  }
0x11d: {  	v9 =	vadd.s32 s0, v1;
	s4 =	ssub.s32 s4, s5  }
0x11e: {  	s4 =	smul.u32 $0x2C, s4;
	_ =	sdelay $0x1  }
0x11f: {  	s26 =	simm.s32 $0x3F70;
	s4 =	sadd.s32 $0x44C, s4  }
0x120: {  	[tilespmem:s26+$0xFFFFFF90] =	vst v8;
	v8 =	vmov s4  }
0x121: {  	v9 =	vld.idx.msk [tilespmem:v9+s2+$0x0], $0xffff;
	v8 =	vsel vm0, s0, v8  }
0x122: {  	v8 =	vadd.s32 v2, v8;
	_ =	sdelay $0x3  }
0x123: {  	[tilespmem:s26+$0xFFFFFFA0] =	vst v9  }
0x124: {  	v8 =	vld.idx.msk [tilespmem:v8+s2+$0x0], $0xffff  }
0x125: {  	v9 =	vadd.s32 s4, v3;
	_ =	sdelay $0x3  }
0x126: {  	s6 =	smulhi.u32 $0x60F25DEB, s1;
	[tilespmem:s26+$0xFFFFFFB0] =	vst v8  }
0x127: {  	v8 =	vld.idx.msk [tilespmem:v9+s2+$0x0], $0xffff  }
0x128: {  	s0 =	sshrl.u32 s6, $0x8;
	v9 =	vadd.s32 s4, v4  }
0x129: {  	s0 =	smul.u32 $0x2C, s0;
	_ =	sdelay $0x1  }
0x12a: {  	s0 =	sadd.s32 $0x898, s0  }
0x12b: {  	[tilespmem:s26+$0xFFFFFFC0] =	vst v8;
	v8 =	vmov s0  }
0x12c: {  	v9 =	vld.idx.msk [tilespmem:v9+s2+$0x0], $0xffff;
	v8 =	vsel vm1, s4, v8  }
0x12d: {  	v8 =	vadd.s32 v5, v8;
	_ =	sdelay $0x3  }
0x12e: {  	[tilespmem:s26+$0xFFFFFFD0] =	vst v9  }
0x12f: {  	v8 =	vld.idx.msk [tilespmem:v8+s2+$0x0], $0xffff  }
0x130: {  	v9 =	vadd.s32 s0, v6;
	_ =	sdelay $0x3  }
0x131: {  	[tilespmem:s26+$0xFFFFFFE0] =	vst v8  }
0x132: {  	v9 =	vld.idx.msk [tilespmem:v9+s2+$0x0], $0xffff  }
0x133: {  	s29 =	sadd.s32 $0x1, s12;
	s28 =	simm.s32 $0x1;
	v8 =	vadd.s32 s0, v7  }
0x134: {  	s31 =	simm.s32 $0x2;
	s1 =	smulhi.u32 $0x4EC4EC4F, s29;
	s6 =	smov.u32 s13  }
.LBB2_6:
0x135: {  	p0 =	sne.s32 s31, $0x33  }
0x136: {  	s0 =	sshrl.u32 s1, $0x3  }
0x137: {  	s0 =	smul.u32 $0x478, s0;
	[tilespmem:s26+$0xFFFFFFF0] =	vst v9  }
0x138: {  	s6 =	sadd.s32 $0x2C, s6;
	v8 =	vld.idx.msk [tilespmem:v8+s2+$0x0], $0xffff  }
0x139: {  	s0 =	ssub.s32 s6, s0  }
0x13a: {  	s1 =	sadd.s32 s28, s12;
	s28 =	smov.u32 s31;
	v9 =	vadd.s32 s0, v0  }
0x13b: {  	s4 =	smulhi.u32 $0x4EC4EC4F, s1;
	_ =	sdelay $0x1  }
0x13c: {  	s4 =	sshrl.u32 s4, $0x3  }
0x13d: {  	s5 =	smulhi.u32 $0x9D89D8A, s4;
	[tilespmem:s26+$0x0] =	vst v8  }
0x13e: {  	v8 =	vld.idx.msk [tilespmem:v9+s2+$0x0], $0xffff  }
0x13f: {  	s5 =	smul.u32 $0x1A, s5  }
0x140: {  	v9 =	vadd.s32 s0, v1  }
0x141: {  	s4 =	ssub.s32 s4, s5  }
0x142: {  	s4 =	smul.u32 $0x2C, s4  }
0x143: {  	s26 =	sadd.s32 $0x80, s26  }
0x144: {  	s4 =	sadd.s32 $0x44C, s4;
	[tilespmem:s26+$0xFFFFFF90] =	vst v8  }
0x145: {  	v8 =	vld.idx.msk [tilespmem:v9+s2+$0x0], $0xffff;
	v9 =	vmov s4  }
0x146: {  	v9 =	vsel vm0, s0, v9  }
0x147: {  	v9 =	vadd.s32 v2, v9;
	_ =	sdelay $0x3  }
0x148: {  	[tilespmem:s26+$0xFFFFFFA0] =	vst v8  }
0x149: {  	v8 =	vld.idx.msk [tilespmem:v9+s2+$0x0], $0xffff;
	_ =	sdelay $0x1  }
0x14a: {  	v9 =	vadd.s32 s4, v3;
	_ =	sdelay $0x3  }
0x14b: {  	[tilespmem:s26+$0xFFFFFFB0] =	vst v8  }
0x14c: {  	v8 =	vld.idx.msk [tilespmem:v9+s2+$0x0], $0xffff  }
0x14d: {  	s0 =	smulhi.u32 $0x60F25DEB, s1  }
0x14e: {  	v9 =	vadd.s32 s4, v4  }
0x14f: {  	s0 =	sshrl.u32 s0, $0x8  }
0x150: {  	s0 =	smul.u32 $0x2C, s0;
	_ =	sdelay $0x1  }
0x151: {  	s0 =	sadd.s32 $0x898, s0;
	[tilespmem:s26+$0xFFFFFFC0] =	vst v8  }
0x152: {  	v8 =	vld.idx.msk [tilespmem:v9+s2+$0x0], $0xffff;
	v9 =	vmov s0  }
0x153: {  	v9 =	vsel vm1, s4, v9  }
0x154: {  	v9 =	vadd.s32 v5, v9;
	_ =	sdelay $0x3  }
0x155: {  	[tilespmem:s26+$0xFFFFFFD0] =	vst v8  }
0x156: {  	v8 =	vld.idx.msk [tilespmem:v9+s2+$0x0], $0xffff;
	_ =	sdelay $0x1  }
0x157: {  	v9 =	vadd.s32 s0, v6;
	_ =	sdelay $0x3  }
.Ltmp2:
0x158: {  	[tilespmem:s26+$0xFFFFFFE0] =	vst v8;
	(pc) =	sbr.rel @p0 .LBB2_6-.Ltmp2, $3  }
0x159: {  	v9 =	vld.idx.msk [tilespmem:v9+s2+$0x0], $0xffff;
	_ =	sdelay $0x1  }
0x15a: {  	s29 =	sadd.s32 $0x1, s29;
	v8 =	vadd.s32 s0, v7  }
0x15b: {  	s31 =	sadd.s32 $0x1, s31;
	s1 =	smulhi.u32 $0x4EC4EC4F, s29  }
0x15c: {  	_ = 	snop  }
0x15d: {  	s0 =	sshrl.u32 s1, $0x3  }
0x15e: {  	s0 =	smul.u32 $0x478, s0  }
0x15f: {  	s5 =	sadd.s32 $0x2C, s6;
	s4 =	sadd.s32 s28, s12;
	[tilespmem:s26+$0xFFFFFFF0] =	vst v9  }
0x160: {  	s6 =	smulhi.u32 $0x4EC4EC4F, s4;
	v8 =	vld.idx.msk [tilespmem:v8+s2+$0x0], $0xffff;
	s0 =	ssub.s32 s5, s0  }
0x161: {  	v9 =	vadd.s32 s0, v0  }
0x162: {  	s1 =	sshrl.u32 s6, $0x3  }
0x163: {  	s5 =	smulhi.u32 $0x9D89D8A, s1;
	_ =	sdelay $0x1  }
0x164: {  	s5 =	smul.u32 $0x1A, s5;
	[tilespmem:s26+$0x0] =	vst v8  }
0x165: {  	v8 =	vld.idx.msk [tilespmem:v9+s2+$0x0], $0xffff  }
0x166: {  	s1 =	ssub.s32 s1, s5;
	v9 =	vadd.s32 s0, v1  }
0x167: {  	s1 =	smul.u32 $0x2C, s1;
	_ =	sdelay $0x1  }
0x168: {  	s26 =	sadd.s32 $0x80, s26;
	s1 =	sadd.s32 $0x44C, s1  }
0x169: {  	[tilespmem:s26+$0xFFFFFF90] =	vst v8;
	v8 =	vmov s1  }
0x16a: {  	v9 =	vld.idx.msk [tilespmem:v9+s2+$0x0], $0xffff;
	v8 =	vsel vm0, s0, v8  }
0x16b: {  	v8 =	vadd.s32 v2, v8;
	_ =	sdelay $0x3  }
0x16c: {  	[tilespmem:s26+$0xFFFFFFA0] =	vst v9  }
0x16d: {  	v8 =	vld.idx.msk [tilespmem:v8+s2+$0x0], $0xffff  }
0x16e: {  	v9 =	vadd.s32 s1, v3;
	_ =	sdelay $0x3  }
0x16f: {  	s4 =	smulhi.u32 $0x60F25DEB, s4;
	[tilespmem:s26+$0xFFFFFFB0] =	vst v8  }
0x170: {  	v8 =	vld.idx.msk [tilespmem:v9+s2+$0x0], $0xffff  }
0x171: {  	s0 =	sshrl.u32 s4, $0x8;
	v9 =	vadd.s32 s1, v4  }
0x172: {  	s0 =	smul.u32 $0x2C, s0;
	_ =	sdelay $0x1  }
0x173: {  	s0 =	sadd.s32 $0x898, s0  }
0x174: {  	[tilespmem:s26+$0xFFFFFFC0] =	vst v8;
	v8 =	vmov s0  }
0x175: {  	v9 =	vld.idx.msk [tilespmem:v9+s2+$0x0], $0xffff;
	v8 =	vsel vm1, s1, v8  }
0x176: {  	v8 =	vadd.s32 v5, v8;
	_ =	sdelay $0x3  }
0x177: {  	[tilespmem:s26+$0xFFFFFFD0] =	vst v9  }
0x178: {  	v8 =	vld.idx.msk [tilespmem:v8+s2+$0x0], $0xffff  }
0x179: {  	v9 =	vadd.s32 s0, v6;
	_ =	sdelay $0x3  }
0x17a: {  	[tilespmem:s26+$0xFFFFFFE0] =	vst v8  }
0x17b: {  	v8 =	vld.idx.msk [tilespmem:v9+s2+$0x0], $0xffff  }
0x17c: {  	v9 =	vadd.s32 s0, v7;
	_ =	sdelay $0x3  }
0x17d: {  	[tilespmem:s26+$0xFFFFFFF0] =	vst v8  }
0x17e: {  	v8 =	vld.idx.msk [tilespmem:v9+s2+$0x0], $0xffff;
	_ =	sdelay $0x4  }
0x17f: {  	s6 =	rddreg [dreg:$0x13];
	[tilespmem:s26+$0x0] =	vst v8  }
0x180: {  	[hbm4b:s6+s17] =	stream.strided.scatter [tilespmem:s21], [sflag:$0x1], $0x1A00, s18, s17, $0x38;
	[tilespmem:$0x7700] =	vst v63  }
0x181: {  	s26 =	rddreg [dreg:$0x14]  }
0x182: {  	[hbm4b:s26+s17] =	stream.strided.scatter [tilespmem:s21], [sflag:$0x1], $0x1A00, s18, s17, $0x38;
	[tilespmem:$0x7700] =	vst v63  }
0x183: {  	s5 =	smulhi.u32 $0x4EC4EC4F, s14;
	s1 =	rddreg [dreg:$0x15]  }
0x184: {  	[hbm4b:s1+s17] =	stream.strided.scatter [tilespmem:s21], [sflag:$0x1], $0x1A00, s18, s17, $0x38;
	[tilespmem:$0x7700] =	vst v63  }
0x185: {  	s4 =	rddreg [dreg:$0x16];
	s0 =	sshrl.u32 s5, $0x3  }
0x186: {  	[hbm4b:s4+s17] =	stream.strided.scatter [tilespmem:s21], [sflag:$0x1], $0x1A00, s18, s17, $0x38;
	[tilespmem:$0x7700] =	vst v63  }
0x187: {  	s6 =	rddreg [dreg:$0x18];
	s26 =	smul.u32 $0x478, s0  }
0x188: {  	[hbm4b:s6+s17] =	stream.strided.scatter [tilespmem:s21], [sflag:$0x1], $0x1A00, s18, s17, $0x38;
	[tilespmem:$0x7700] =	vst v63  }
0x189: {  	s5 =	rddreg [dreg:$0x19];
	s1 =	ssub.s32 s15, s26  }
0x18a: {  	v8 =	vadd.s32 s1, v0;
	[hbm4b:s5+s17] =	stream.strided.scatter [tilespmem:s21], [sflag:$0x1], $0x1A00, s18, s17, $0x38;
	[tilespmem:$0x7700] =	vst v63  }
0x18b: {  	s26 =	smulhi.u32 $0x9D89D8A, s0;
	s6 =	rddreg [dreg:$0x1a]  }
0x18c: {  	[hbm4b:s6+s17] =	stream.strided.scatter [tilespmem:s21], [sflag:$0x1], $0x1A00, s18, s17, $0x38;
	[tilespmem:$0x7700] =	vst v63  }
0x18d: {  	s4 =	smul.u32 $0x1A, s26;
	s6 =	rddreg [dreg:$0x1b]  }
0x18e: {  	[hbm4b:s6+s17] =	stream.strided.scatter [tilespmem:s21], [sflag:$0x1], $0x1A00, s18, s17, $0x38;
	[tilespmem:$0x7700] =	vst v63  }
0x18f: {  	v8 =	vld.idx.msk [tilespmem:v8+s2+$0x0], $0xffff  }
0x190: {  	v9 =	vadd.s32 s1, v1;
	s0 =	ssub.s32 s0, s4  }
0x191: {  	s0 =	smul.u32 $0x2C, s0;
	_ =	sdelay $0x1  }
0x192: {  	s28 =	simm.s32 $0x0;
	s0 =	sadd.s32 $0x44C, s0  }
0x193: {  	[tilespmem:s28+$0x5900] =	vst v8;
	v8 =	vmov s0  }
0x194: {  	v9 =	vld.idx.msk [tilespmem:v9+s2+$0x0], $0xffff;
	v8 =	vsel vm0, s1, v8  }
0x195: {  	v8 =	vadd.s32 v2, v8;
	_ =	sdelay $0x3  }
0x196: {  	[tilespmem:s28+$0x5910] =	vst v9  }
0x197: {  	v8 =	vld.idx.msk [tilespmem:v8+s2+$0x0], $0xffff  }
0x198: {  	v9 =	vadd.s32 s0, v3;
	_ =	sdelay $0x3  }
0x199: {  	s26 =	smulhi.u32 $0x60F25DEB, s14;
	[tilespmem:s28+$0x5920] =	vst v8  }
0x19a: {  	v8 =	vld.idx.msk [tilespmem:v9+s2+$0x0], $0xffff  }
0x19b: {  	s1 =	sshrl.u32 s26, $0x8;
	v9 =	vadd.s32 s0, v4  }
0x19c: {  	s1 =	smul.u32 $0x2C, s1;
	_ =	sdelay $0x1  }
0x19d: {  	s1 =	sadd.s32 $0x898, s1  }
0x19e: {  	[tilespmem:s28+$0x5930] =	vst v8;
	v8 =	vmov s1  }
0x19f: {  	v9 =	vld.idx.msk [tilespmem:v9+s2+$0x0], $0xffff;
	v8 =	vsel vm1, s0, v8  }
0x1a0: {  	v8 =	vadd.s32 v5, v8;
	_ =	sdelay $0x3  }
0x1a1: {  	[tilespmem:s28+$0x5940] =	vst v9  }
0x1a2: {  	v8 =	vld.idx.msk [tilespmem:v8+s2+$0x0], $0xffff  }
0x1a3: {  	v9 =	vadd.s32 s1, v6;
	_ =	sdelay $0x3  }
0x1a4: {  	[tilespmem:s28+$0x5950] =	vst v8  }
0x1a5: {  	v8 =	vld.idx.msk [tilespmem:v9+s2+$0x0], $0xffff  }
0x1a6: {  	s29 =	simm.s32 $0x200;
	s26 =	sadd.s32 $0x1, s14;
	v9 =	vadd.s32 s1, v7  }
0x1a7: {  	s31 =	simm.s32 $0x400;
	s6 =	smov.u32 s15;
	s1 =	smulhi.u32 $0x4EC4EC4F, s26  }
.LBB2_8:
0x1a8: {  	p0 =	sne.s32 s31, $0x6E00  }
0x1a9: {  	s0 =	sshrl.u32 s1, $0x3  }
0x1aa: {  	s1 =	smul.u32 $0x478, s0;
	[tilespmem:s28+$0x5960] =	vst v8  }
0x1ab: {  	s6 =	sadd.s32 $0x2C, s6;
	v8 =	vld.idx.msk [tilespmem:v9+s2+$0x0], $0xffff  }
0x1ac: {  	s1 =	ssub.s32 s6, s1  }
0x1ad: {  	v9 =	vadd.s32 s1, v0;
	_ =	sdelay $0x3  }
0x1ae: {  	s4 =	smulhi.u32 $0x9D89D8A, s0;
	[tilespmem:s28+$0x5970] =	vst v8  }
0x1af: {  	v8 =	vld.idx.msk [tilespmem:v9+s2+$0x0], $0xffff  }
0x1b0: {  	s4 =	smul.u32 $0x1A, s4  }
0x1b1: {  	v9 =	vadd.s32 s1, v1  }
0x1b2: {  	s0 =	ssub.s32 s0, s4  }
0x1b3: {  	s0 =	smul.u32 $0x2C, s0  }
0x1b4: {  	s28 =	sshra.s32 s29, $0x2;
	s29 =	smov.u32 s31  }
0x1b5: {  	s0 =	sadd.s32 $0x44C, s0;
	[tilespmem:s28+$0x5900] =	vst v8  }
0x1b6: {  	v8 =	vld.idx.msk [tilespmem:v9+s2+$0x0], $0xffff;
	v9 =	vmov s0  }
0x1b7: {  	v9 =	vsel vm0, s1, v9  }
0x1b8: {  	v9 =	vadd.s32 v2, v9;
	_ =	sdelay $0x3  }
0x1b9: {  	[tilespmem:s28+$0x5910] =	vst v8  }
0x1ba: {  	v8 =	vld.idx.msk [tilespmem:v9+s2+$0x0], $0xffff;
	_ =	sdelay $0x1  }
0x1bb: {  	v9 =	vadd.s32 s0, v3;
	_ =	sdelay $0x3  }
0x1bc: {  	[tilespmem:s28+$0x5920] =	vst v8  }
0x1bd: {  	v8 =	vld.idx.msk [tilespmem:v9+s2+$0x0], $0xffff  }
0x1be: {  	s1 =	smulhi.u32 $0x60F25DEB, s26  }
0x1bf: {  	v9 =	vadd.s32 s0, v4  }
0x1c0: {  	s1 =	sshrl.u32 s1, $0x8  }
0x1c1: {  	s1 =	smul.u32 $0x2C, s1;
	_ =	sdelay $0x1  }
0x1c2: {  	s1 =	sadd.s32 $0x898, s1;
	[tilespmem:s28+$0x5930] =	vst v8  }
0x1c3: {  	v8 =	vld.idx.msk [tilespmem:v9+s2+$0x0], $0xffff;
	v9 =	vmov s1  }
0x1c4: {  	v9 =	vsel vm1, s0, v9  }
0x1c5: {  	v9 =	vadd.s32 v5, v9;
	_ =	sdelay $0x3  }
0x1c6: {  	[tilespmem:s28+$0x5940] =	vst v8  }
0x1c7: {  	v8 =	vld.idx.msk [tilespmem:v9+s2+$0x0], $0xffff;
	_ =	sdelay $0x1  }
0x1c8: {  	v9 =	vadd.s32 s1, v6;
	_ =	sdelay $0x3  }
.Ltmp3:
0x1c9: {  	[tilespmem:s28+$0x5950] =	vst v8;
	(pc) =	sbr.rel @p0 .LBB2_8-.Ltmp3, $3  }
0x1ca: {  	v8 =	vld.idx.msk [tilespmem:v9+s2+$0x0], $0xffff;
	_ =	sdelay $0x1  }
0x1cb: {  	s26 =	sadd.s32 $0x1, s26;
	v9 =	vadd.s32 s1, v7  }
0x1cc: {  	s31 =	sadd.s32 $0x200, s31;
	s1 =	smulhi.u32 $0x4EC4EC4F, s26  }
0x1cd: {  	_ = 	snop  }
0x1ce: {  	s0 =	sshrl.u32 s1, $0x3  }
0x1cf: {  	s1 =	smul.u32 $0x478, s0  }
0x1d0: {  	s4 =	sadd.s32 $0x2C, s6;
	[tilespmem:s28+$0x5960] =	vst v8  }
0x1d1: {  	v8 =	vld.idx.msk [tilespmem:v9+s2+$0x0], $0xffff;
	s1 =	ssub.s32 s4, s1  }
0x1d2: {  	v58 =	vadd.s32 s1, v0;
	_ =	sdelay $0x1  }
0x1d3: {  	s6 =	smulhi.u32 $0x9D89D8A, s0;
	_ =	sdelay $0x1  }
0x1d4: {  	s4 =	smul.u32 $0x1A, s6;
	[tilespmem:s28+$0x5970] =	vst v8  }
0x1d5: {  	v8 =	vld.idx.msk [tilespmem:v58+s2+$0x0], $0xffff  }
0x1d6: {  	v59 =	vadd.s32 s1, v1;
	s0 =	ssub.s32 s0, s4  }
0x1d7: {  	s0 =	smul.u32 $0x2C, s0;
	_ =	sdelay $0x1  }
0x1d8: {  	s29 =	sshra.s32 s29, $0x2;
	s0 =	sadd.s32 $0x44C, s0  }
0x1d9: {  	[tilespmem:s29+$0x5900] =	vst v8;
	v8 =	vmov s0  }
0x1da: {  	v9 =	vld.idx.msk [tilespmem:v59+s2+$0x0], $0xffff;
	v8 =	vsel vm0, s1, v8  }
0x1db: {  	v8 =	vadd.s32 v2, v8;
	_ =	sdelay $0x3  }
0x1dc: {  	[tilespmem:s29+$0x5910] =	vst v9  }
0x1dd: {  	v8 =	vld.idx.msk [tilespmem:v8+s2+$0x0], $0xffff  }
0x1de: {  	v60 =	vadd.s32 s0, v3;
	_ =	sdelay $0x3  }
0x1df: {  	s31 =	smulhi.u32 $0x60F25DEB, s26;
	[tilespmem:s29+$0x5920] =	vst v8  }
0x1e0: {  	v8 =	vld.idx.msk [tilespmem:v60+s2+$0x0], $0xffff  }
0x1e1: {  	v61 =	vadd.s32 s0, v4;
	s1 =	sshrl.u32 s31, $0x8  }
0x1e2: {  	s1 =	smul.u32 $0x2C, s1;
	_ =	sdelay $0x1  }
0x1e3: {  	s1 =	sadd.s32 $0x898, s1  }
0x1e4: {  	[tilespmem:s29+$0x5930] =	vst v8;
	v8 =	vmov s1  }
0x1e5: {  	v9 =	vld.idx.msk [tilespmem:v61+s2+$0x0], $0xffff;
	v8 =	vsel vm1, s0, v8  }
0x1e6: {  	v8 =	vadd.s32 v5, v8;
	_ =	sdelay $0x3  }
0x1e7: {  	[tilespmem:s29+$0x5940] =	vst v9  }
0x1e8: {  	v8 =	vld.idx.msk [tilespmem:v8+s2+$0x0], $0xffff  }
0x1e9: {  	v62 =	vadd.s32 s1, v6;
	_ =	sdelay $0x3  }
0x1ea: {  	[tilespmem:s29+$0x5950] =	vst v8  }
0x1eb: {  	v8 =	vld.idx.msk [tilespmem:v62+s2+$0x0], $0xffff  }
0x1ec: {  	v63 =	vadd.s32 s1, v7;
	_ =	sdelay $0x3  }
0x1ed: {  	[tilespmem:s29+$0x5960] =	vst v8  }
0x1ee: {  	v8 =	vld.idx.msk [tilespmem:v63+s2+$0x0], $0xffff;
	_ =	sdelay $0x3  }
0x1ef: {  	s5 =	rddreg [dreg:$0x1c]  }
0x1f0: {  	s26 =	rddreg [dreg:$0x1e];
	[tilespmem:s29+$0x5970] =	vst v8  }
0x1f1: {  	[hbm4b:s5+s17] =	stream.strided.scatter [tilespmem:s22], [sflag:$0x1], $0x1C00, s18, s17, $0x38;
	[tilespmem:$0x7700] =	vst v63  }
0x1f2: {  	s6 =	rddreg [dreg:$0x1d]  }
0x1f3: {  	[hbm4b:s6+s17] =	stream.strided.scatter [tilespmem:s22], [sflag:$0x1], $0x1C00, s18, s17, $0x38;
	[tilespmem:$0x7700] =	vst v63  }
0x1f4: {  	s28 =	rddreg [dreg:$0x1f]  }
0x1f5: {  	[hbm4b:s26+s17] =	stream.strided.scatter [tilespmem:s22], [sflag:$0x1], $0x1C00, s18, s17, $0x38;
	[tilespmem:$0x7700] =	vst v63  }
0x1f6: {  	s29 =	sld [smem:$0x7FD]  }
0x1f7: {  	[hbm4b:s28+s17] =	stream.strided.scatter [tilespmem:s22], [sflag:$0x1], $0x1C00, s18, s17, $0x38;
	[tilespmem:$0x7700] =	vst v63  }
0x1f8: {  	_ = 	snop  }
0x1f9: {  	[hbm4b:s29+s17] =	stream.strided.scatter [tilespmem:s22], [sflag:$0x1], $0x1C00, s18, s17, $0x38;
	[tilespmem:$0x7700] =	vst v63  }
0x1fa: {  	_ = 	snop  }
0x1fb: {  	[hbm4b:s7+s17] =	stream.strided.scatter [tilespmem:s22], [sflag:$0x1], $0x1C00, s18, s17, $0x38;
	[tilespmem:$0x7700] =	vst v63  }
0x1fc: {  	_ = 	snop  }
0x1fd: {  	[hbm4b:s8+s17] =	stream.strided.scatter [tilespmem:s22], [sflag:$0x1], $0x1C00, s18, s17, $0x38;
	[tilespmem:$0x7700] =	vst v63  }
0x1fe: {  	_ = 	snop  }
0x1ff: {  	[hbm4b:s9+s17] =	stream.strided.scatter [tilespmem:s22], [sflag:$0x1], $0x1C00, s18, s17, $0x38;
	[tilespmem:$0x7700] =	vst v63  }
0x200: {  	_ =	swait.ge [sflag:s23], $0x1A00  }
0x201: {  	[sflag:s23] =	ssyncset.done $0x0  }
0x202: {  	[sflag:s23] =	ssyncadd.s32 $0xFFFFE600  }
0x203: {  	_ =	swait.ge [sflag:s23], $0x1A00  }
0x204: {  	[sflag:s23] =	ssyncset.done $0x0  }
0x205: {  	[sflag:s23] =	ssyncadd.s32 $0xFFFFE600  }
0x206: {  	_ =	swait.ge [sflag:s23], $0x1A00  }
0x207: {  	[sflag:s23] =	ssyncset.done $0x0  }
0x208: {  	[sflag:s23] =	ssyncadd.s32 $0xFFFFE600  }
0x209: {  	_ =	swait.ge [sflag:s23], $0x1A00  }
0x20a: {  	[sflag:s23] =	ssyncset.done $0x0  }
0x20b: {  	[sflag:s23] =	ssyncadd.s32 $0xFFFFE600  }
0x20c: {  	_ =	swait.ge [sflag:s23], $0x1A00  }
0x20d: {  	[sflag:s23] =	ssyncset.done $0x0  }
0x20e: {  	[sflag:s23] =	ssyncadd.s32 $0xFFFFE600  }
0x20f: {  	_ =	swait.ge [sflag:s23], $0x1A00  }
0x210: {  	[sflag:s23] =	ssyncset.done $0x0  }
0x211: {  	[sflag:s23] =	ssyncadd.s32 $0xFFFFE600  }
0x212: {  	_ =	swait.ge [sflag:s23], $0x1A00  }
0x213: {  	[sflag:s23] =	ssyncset.done $0x0  }
0x214: {  	[sflag:s23] =	ssyncadd.s32 $0xFFFFE600  }
0x215: {  	_ =	swait.ge [sflag:s23], $0x1A00  }
0x216: {  	[sflag:s23] =	ssyncset.done $0x0  }
0x217: {  	[sflag:s23] =	ssyncadd.s32 $0xFFFFE600  }
0x218: {  	_ =	swait.ge [sflag:s23], $0x1A00  }
0x219: {  	[sflag:s23] =	ssyncset.done $0x0  }
0x21a: {  	[sflag:s23] =	ssyncadd.s32 $0xFFFFE600  }
0x21b: {  	_ =	swait.ge [sflag:s23], $0x1A00  }
0x21c: {  	[sflag:s23] =	ssyncset.done $0x0  }
0x21d: {  	[sflag:s23] =	ssyncadd.s32 $0xFFFFE600  }
0x21e: {  	_ =	swait.ge [sflag:s23], $0x1A00  }
0x21f: {  	[sflag:s23] =	ssyncset.done $0x0  }
0x220: {  	[sflag:s23] =	ssyncadd.s32 $0xFFFFE600  }
0x221: {  	_ =	swait.ge [sflag:s23], $0x1A00  }
0x222: {  	[sflag:s23] =	ssyncset.done $0x0  }
0x223: {  	[sflag:s23] =	ssyncadd.s32 $0xFFFFE600  }
0x224: {  	_ =	swait.ge [sflag:s23], $0x1A00  }
0x225: {  	[sflag:s23] =	ssyncset.done $0x0  }
0x226: {  	[sflag:s23] =	ssyncadd.s32 $0xFFFFE600  }
0x227: {  	_ =	swait.ge [sflag:s23], $0x1A00  }
0x228: {  	[sflag:s23] =	ssyncset.done $0x0  }
0x229: {  	[sflag:s23] =	ssyncadd.s32 $0xFFFFE600  }
0x22a: {  	_ =	swait.ge [sflag:s23], $0x1A00  }
0x22b: {  	[sflag:s23] =	ssyncset.done $0x0  }
0x22c: {  	[sflag:s23] =	ssyncadd.s32 $0xFFFFE600  }
0x22d: {  	_ =	swait.ge [sflag:s23], $0x1A00  }
0x22e: {  	[sflag:s23] =	ssyncset.done $0x0  }
0x22f: {  	[sflag:s23] =	ssyncadd.s32 $0xFFFFE600  }
0x230: {  	_ =	swait.ge [sflag:s23], $0x1A00  }
0x231: {  	[sflag:s23] =	ssyncset.done $0x0  }
0x232: {  	[sflag:s23] =	ssyncadd.s32 $0xFFFFE600  }
0x233: {  	_ =	swait.ge [sflag:s23], $0x1A00  }
0x234: {  	[sflag:s23] =	ssyncset.done $0x0  }
0x235: {  	[sflag:s23] =	ssyncadd.s32 $0xFFFFE600  }
0x236: {  	_ =	swait.ge [sflag:s23], $0x1A00  }
0x237: {  	[sflag:s23] =	ssyncset.done $0x0  }
0x238: {  	[sflag:s23] =	ssyncadd.s32 $0xFFFFE600  }
0x239: {  	_ =	swait.ge [sflag:s23], $0x1A00  }
0x23a: {  	[sflag:s23] =	ssyncset.done $0x0  }
0x23b: {  	[sflag:s23] =	ssyncadd.s32 $0xFFFFE600  }
0x23c: {  	_ =	swait.ge [sflag:s23], $0x1A00  }
0x23d: {  	[sflag:s23] =	ssyncset.done $0x0  }
0x23e: {  	[sflag:s23] =	ssyncadd.s32 $0xFFFFE600  }
0x23f: {  	_ =	swait.ge [sflag:s23], $0x1A00  }
0x240: {  	[sflag:s23] =	ssyncset.done $0x0  }
0x241: {  	[sflag:s23] =	ssyncadd.s32 $0xFFFFE600  }
0x242: {  	_ =	swait.ge [sflag:s23], $0x1A00  }
0x243: {  	[sflag:s23] =	ssyncset.done $0x0  }
0x244: {  	[sflag:s23] =	ssyncadd.s32 $0xFFFFE600  }
0x245: {  	_ =	swait.ge [sflag:s23], $0x1A00  }
0x246: {  	[sflag:s23] =	ssyncset.done $0x0  }
0x247: {  	[sflag:s23] =	ssyncadd.s32 $0xFFFFE600  }
0x248: {  	_ =	swait.ge [sflag:s23], $0x1C00  }
0x249: {  	[sflag:s23] =	ssyncset.done $0x0  }
0x24a: {  	[sflag:s23] =	ssyncadd.s32 $0xFFFFE400  }
0x24b: {  	_ =	swait.ge [sflag:s23], $0x1C00  }
0x24c: {  	[sflag:s23] =	ssyncset.done $0x0  }
0x24d: {  	[sflag:s23] =	ssyncadd.s32 $0xFFFFE400  }
0x24e: {  	_ =	swait.ge [sflag:s23], $0x1C00  }
0x24f: {  	[sflag:s23] =	ssyncset.done $0x0  }
0x250: {  	[sflag:s23] =	ssyncadd.s32 $0xFFFFE400  }
0x251: {  	_ =	swait.ge [sflag:s23], $0x1C00  }
0x252: {  	[sflag:s23] =	ssyncset.done $0x0  }
0x253: {  	[sflag:s23] =	ssyncadd.s32 $0xFFFFE400  }
0x254: {  	_ =	swait.ge [sflag:s23], $0x1C00  }
0x255: {  	[sflag:s23] =	ssyncset.done $0x0  }
0x256: {  	[sflag:s23] =	ssyncadd.s32 $0xFFFFE400  }
0x257: {  	_ =	swait.ge [sflag:s23], $0x1C00  }
0x258: {  	[sflag:s23] =	ssyncset.done $0x0  }
0x259: {  	[sflag:s23] =	ssyncadd.s32 $0xFFFFE400  }
0x25a: {  	_ =	swait.ge [sflag:s23], $0x1C00  }
0x25b: {  	[sflag:s23] =	ssyncset.done $0x0  }
0x25c: {  	[sflag:s23] =	ssyncadd.s32 $0xFFFFE400  }
0x25d: {  	_ =	swait.ge [sflag:s23], $0x1C00  }
0x25e: {  	s24 =	sadd.s32 $0x1, s24;
	s31 =	rddreg [dreg:$0x17]  }
0x25f: {  	p0 =	sne.s32 s24, s31  }
.Ltmp4:
0x260: {  	_ = 	snop;
	(pc) =	sbr.rel @p0 .LBB2_1-.Ltmp4, $3  }
0x261: {  	_ =	sdelay $0x1  }
0x262: {  	[sflag:s23] =	ssyncset.done $0x0  }
0x263: {  	[sflag:s23] =	ssyncadd.s32 $0xFFFFE400  }
0x264: {  	_ =	sfence.sel $0x180000  }
0x265: {  	[bflag:$0x0] =	sbarrier.arrive $0xFFFF  }
0x266: {  	_ =	strace $0x90000047  }
0x267: {  	s0 =	stileid.u32;
	[bflag:$0x2] =	sbarrier.arrive $0xFFFF  }
0x268: {  	p0 =	sne.s32 s0, $0x0;
	s0 =	rddreg [dreg:$0x2]  }
0x269: {  	s0 =	sadd.s32 @!p0 $0x100000, s0  }
0x26a: {  	[sflag:s0] =	ssyncadd.tile.s32 @!p0 $0x1;
	_ =	shalt  }
.Lfunc_end2:
_tile_overlayer_lowered:
.L_overlay_start_2:
0x26b: {  	(tag) =	ssettag $0x2  }
0x26c: {  	s0 =	rddreg [dreg:$0x0];
	s2 =	stileid.u32  }
0x26d: {  	s1 =	rddreg [dreg:$0x1];
	p0 =	sne.s32 s2, $0x0  }
0x26e: {  	s3 =	rddreg [dreg:$0x2];
	[bflag:$0x3] =	sbarrier.arrive $0xFFFF;
	s2 =	simm.s32 @!p0 $0x1C02  }
0x26f: {  	[timem:s3], [sflag:s2] =	dma.local @!p0 [hbm:s0], s1  }
0x270: {  	s0 =	simm.s32 @!p0 $0x2  }
0x271: {  	_ =	swait.ge @!p0 [sflag:s0], s1  }
0x272: {  	s1 =	ssub.s32 @!p0 $0x0, s1;
	[sflag:s0] =	ssyncset.done @!p0 $0x0  }
0x273: {  	[sflag:s0] =	ssyncadd.s32 @!p0 s1  }
0x274: {  	[bflag:$0x3] =	sbarrier.arrive $0xFFFF  }
0x275: {  	_ =	shalt  }

</sc_bundles>
